<compile_context>
chip_gen: v7x
topology: tpu7x:2x2x1
jax: 0.10.2.dev20260603
libtpu: 0.0.44.dev20260713+nightly
codegen_flags: <defaults>
</compile_context>

<pallas_src>
import functools

import jax
import jax.numpy as jnp
from jax import lax
from jax.experimental import pallas as pl
from jax.experimental.pallas import tpu as pltpu
from jax.experimental.pallas import tpu_sc as plsc


def _make_table_pair(v, d_model, vblk):
    grid = -(-v // vblk)
    d2 = 2 * d_model

    def body(src_ref, dst_ref):
        dst_ref[:, 0:d_model] = src_ref[:, 0:vblk // 2].T
        dst_ref[:, d_model:d2] = src_ref[:, vblk // 2:vblk].T

    return pl.pallas_call(
        body,
        grid=(grid,),
        in_specs=[pl.BlockSpec((d_model, vblk), lambda j: (0, j))],
        out_specs=pl.BlockSpec((vblk // 2, d2), lambda j: (j, 0)),
        out_shape=jax.ShapeDtypeStruct((grid * vblk // 2, d2), jnp.float32),
    )


def _make_lookup(seq, batch, d_model, d_pad, blk):
    info = plsc.get_sparse_core_info()
    nc, ns, lanes = info.num_cores, info.num_subcores, info.num_lanes
    nw = nc * ns
    assert batch == nw * blk
    assert blk % lanes == 0
    assert seq % 2 == 0

    mesh = plsc.VectorSubcoreMesh(core_axis_name="c", subcore_axis_name="s")

    @functools.partial(
        pl.kernel,
        mesh=mesh,
        compiler_params=pltpu.CompilerParams(needs_layout_passes=False),
        out_type=jax.ShapeDtypeStruct((seq, d_model, batch), jnp.float32),
        scratch_types=[
            pltpu.VMEM((seq, blk), jnp.int32),
            pltpu.VMEM((seq, blk), jnp.int32),
            pltpu.VMEM((blk, d_pad), jnp.float32),
            pltpu.VMEM((blk, d_pad), jnp.float32),
            pltpu.VMEM((d_model, blk), jnp.float32),
            pltpu.VMEM((d_model, blk), jnp.float32),
            pltpu.SemaphoreType.DMA,
            pltpu.SemaphoreType.DMA,
            pltpu.SemaphoreType.DMA,
            pltpu.SemaphoreType.DMA,
        ],
    )
    def k(idx_hbm, table_hbm, out_hbm, idx_v, par_v, gbuf0, gbuf1, tbuf0,
          tbuf1, gsem0, gsem1, osem0, osem1):
        wid = lax.axis_index("s") * nc + lax.axis_index("c")
        b0 = wid * blk
        rows_tab = [lax.iota(jnp.int32, lanes) + (jb * lanes)
                    for jb in range(blk // lanes)]

        pltpu.sync_copy(idx_hbm.at[:, pl.ds(b0, blk)], idx_v)

        @plsc.parallel_loop(0, seq, step=1, unroll=4)
        def _(s):
            for jb in range(blk // lanes):
                raw = idx_v[s, pl.ds(jb * lanes, lanes)]
                par_v[s, pl.ds(jb * lanes, lanes)] = (
                    (raw >> 11) & 1) * d_model
                idx_v[s, pl.ds(jb * lanes, lanes)] = (
                    ((raw >> 12) << 11) | (raw & 2047))

        pltpu.async_copy(table_hbm.at[idx_v.at[0]], gbuf0, gsem0)

        def transpose(gbuf, par_row, tbuf):
            par_vecs = [par_row[pl.ds(jb * lanes, lanes)]
                        for jb in range(blk // lanes)]

            @plsc.parallel_loop(0, d_model, step=1, unroll=16)
            def _(dm):
                for jb in range(blk // lanes):
                    tbuf[dm, pl.ds(jb * lanes, lanes)] = plsc.load_gather(
                        gbuf, [rows_tab[jb], par_vecs[jb] + dm]
                    )

        def phase(s, nxt_ok, gbuf, gsem, gbuf_n, gsem_n, tbuf, osem, warm):
            @pl.when(nxt_ok)
            def _():
                pltpu.async_copy(table_hbm.at[idx_v.at[s + 1]], gbuf_n, gsem_n)

            pltpu.make_async_copy(table_hbm.at[idx_v.at[0]], gbuf, gsem).wait()

            @pl.when(warm)
            def _():
                pltpu.make_async_copy(
                    tbuf, out_hbm.at[0, :, pl.ds(b0, blk)], osem
                ).wait()

            transpose(gbuf, par_v.at[s], tbuf)
            pltpu.async_copy(tbuf, out_hbm.at[s, :, pl.ds(b0, blk)], osem)

        def body(g, carry):
            s = g * 2
            phase(s, s + 1 < seq, gbuf0, gsem0, gbuf1, gsem1, tbuf0, osem0,
                  g > 0)
            phase(s + 1, s + 2 < seq, gbuf1, gsem1, gbuf0, gsem0, tbuf1, osem1,
                  g > 0)
            return carry

        lax.fori_loop(0, seq // 2, body, 0)
        pltpu.make_async_copy(tbuf0, out_hbm.at[0, :, pl.ds(b0, blk)], osem0).wait()
        pltpu.make_async_copy(tbuf1, out_hbm.at[0, :, pl.ds(b0, blk)], osem1).wait()

    return k


def kernel(x, embs):
    b, s = x.shape
    v, d = embs.shape
    idx_t = x.T.astype(jnp.int32)
    table = _make_table_pair(v, d, 4096)(embs.T)
    out_t = _make_lookup(s, b, d, 2 * d, 128)(idx_t, table)
    return jnp.transpose(out_t, (2, 0, 1))

# --- scband reference (transcript-rebuilt; emitter-appended) ---
"""Pipeline reference for scband-embeddings-1460288881257 (READ-ONLY COPY).

The authoritative reference and input builder live on the scoring server;
editing this copy changes nothing except your own understanding.
"""

import jax, jax.numpy as jnp
import numpy as np

N_VOCAB = 1000000
D_MODEL = 64
BATCH = 4096
SEQ = 200

def setup_inputs(seed: int = 0) -> dict:
    key = jax.random.key(seed)
    k1, k2 = jax.random.split(key)
    x = jax.random.randint(k1, (BATCH, SEQ), 0, N_VOCAB, dtype=jnp.int64)
    embs = jax.random.normal(k2, (N_VOCAB, D_MODEL), dtype=jnp.float32) * 0.02
    return {"x": x, "embs": embs}

def reference(x, embs):
    # Faithful translation of Embeddings.__call__:
    # x = jnp.take_along_axis(self.embs[None, ...], x[..., None].astype(jnp.int32), axis=1)
    out = jnp.take_along_axis(embs[None, ...], x[..., None].astype(jnp.int32), axis=1)
    return out.astype(jnp.float32)

if __name__ == "__main__":
    import jax
    _d = setup_inputs()
    print(jax.jit(kernel)(*tuple(_d.values())))

</pallas_src>

<mosaic_0001>
#map = affine_map<(d0, d1) -> (0, 0)>
#map1 = affine_map<(d0, d1) -> (0, 0, 0)>
module attributes {stable_mosaic.version = 14 : i64} {
  func.func @k(%arg0: i32, %arg1: i32, %arg2: memref<200x4096xi32, #tpu.memory_space<hbm>>, %arg3: memref<501760x128xf32, #tpu.memory_space<hbm>>, %arg4: memref<200x64x4096xf32, #tpu.memory_space<hbm>>, %arg5: memref<200x128xi32, #tpu.memory_space<vmem>>, %arg6: memref<200x128xi32, #tpu.memory_space<vmem>>, %arg7: memref<128x128xf32, #tpu.memory_space<vmem>>, %arg8: memref<128x128xf32, #tpu.memory_space<vmem>>, %arg9: memref<64x128xf32, #tpu.memory_space<vmem>>, %arg10: memref<64x128xf32, #tpu.memory_space<vmem>>, %arg11: memref<!tpu.dma_semaphore, #tpu.memory_space<semaphore_mem>>, %arg12: memref<!tpu.dma_semaphore, #tpu.memory_space<semaphore_mem>>, %arg13: memref<!tpu.dma_semaphore, #tpu.memory_space<semaphore_mem>>, %arg14: memref<!tpu.dma_semaphore, #tpu.memory_space<semaphore_mem>>) attributes {dimension_semantics = [#tpu.dimension_semantics<core_parallel>, #tpu.dimension_semantics<subcore_parallel>], iteration_bounds = array<i64: 2, 16>, scalar_prefetch = 0 : i64, scratch_operands = 10 : i64, tpu.core_type = #tpu.core_type<sc_vector_subcore>, window_params = [{transform_indices = #map}, {transform_indices = #map}, {transform_indices = #map1}]} {
    %mul3A = arith.constant 2 : i32
    %mul3A_0 = arith.muli %arg1, %mul3A : i32
    %add3A = arith.addi %mul3A_0, %arg0 : i32
    %mul3A_1 = arith.constant 128 : i32
    %mul3A_2 = arith.muli %add3A, %mul3A_1 : i32
    %iota3A = tpu.iota {dimensions = array<i32: 0>} : vector<16xi32>
    %add3A_3 = arith.constant 0 : i32
    %add3A_4 = vector.broadcast %add3A_3 : i32 to vector<16xi32>
    %add3A_5 = arith.addi %iota3A, %add3A_4 : vector<16xi32>
    %iota3A_6 = tpu.iota {dimensions = array<i32: 0>} : vector<16xi32>
    %add3A_7 = arith.constant 16 : i32
    %add3A_8 = vector.broadcast %add3A_7 : i32 to vector<16xi32>
    %add3A_9 = arith.addi %iota3A_6, %add3A_8 : vector<16xi32>
    %iota3A_10 = tpu.iota {dimensions = array<i32: 0>} : vector<16xi32>
    %add3A_11 = arith.constant 32 : i32
    %add3A_12 = vector.broadcast %add3A_11 : i32 to vector<16xi32>
    %add3A_13 = arith.addi %iota3A_10, %add3A_12 : vector<16xi32>
    %iota3A_14 = tpu.iota {dimensions = array<i32: 0>} : vector<16xi32>
    %add3A_15 = arith.constant 48 : i32
    %add3A_16 = vector.broadcast %add3A_15 : i32 to vector<16xi32>
    %add3A_17 = arith.addi %iota3A_14, %add3A_16 : vector<16xi32>
    %iota3A_18 = tpu.iota {dimensions = array<i32: 0>} : vector<16xi32>
    %add3A_19 = arith.constant 64 : i32
    %add3A_20 = vector.broadcast %add3A_19 : i32 to vector<16xi32>
    %add3A_21 = arith.addi %iota3A_18, %add3A_20 : vector<16xi32>
    %iota3A_22 = tpu.iota {dimensions = array<i32: 0>} : vector<16xi32>
    %add3A_23 = arith.constant 80 : i32
    %add3A_24 = vector.broadcast %add3A_23 : i32 to vector<16xi32>
    %add3A_25 = arith.addi %iota3A_22, %add3A_24 : vector<16xi32>
    %iota3A_26 = tpu.iota {dimensions = array<i32: 0>} : vector<16xi32>
    %add3A_27 = arith.constant 96 : i32
    %add3A_28 = vector.broadcast %add3A_27 : i32 to vector<16xi32>
    %add3A_29 = arith.addi %iota3A_26, %add3A_28 : vector<16xi32>
    %iota3A_30 = tpu.iota {dimensions = array<i32: 0>} : vector<16xi32>
    %add3A_31 = arith.constant 112 : i32
    %add3A_32 = vector.broadcast %add3A_31 : i32 to vector<16xi32>
    %add3A_33 = arith.addi %iota3A_30, %add3A_32 : vector<16xi32>
    "tpu.region"() ({
      %run_scoped3A = tpu.sem_alloc : memref<!tpu.dma_semaphore, #tpu.memory_space<semaphore_mem>>
      %dma_start3A_60 = arith.constant 0 : i32
      %dma_start3A_61 = tpu.memref_slice %arg2[%dma_start3A_60, %mul3A_2] : memref<200x4096xi32, #tpu.memory_space<hbm>> -> memref<200x128xi32, #tpu.memory_space<hbm>>
      %dma_start3A_62 = arith.constant 0 : i32
      %dma_start3A_63 = tpu.memref_slice %arg2[%dma_start3A_62, %mul3A_2] : memref<200x4096xi32, #tpu.memory_space<hbm>> -> memref<200x128xi32, #tpu.memory_space<hbm>>
      tpu.enqueue_dma source(%dma_start3A_63 : memref<200x128xi32, #tpu.memory_space<hbm>>) target(%arg5 : memref<200x128xi32, #tpu.memory_space<vmem>>) target_semaphore(%run_scoped3A : memref<!tpu.dma_semaphore, #tpu.memory_space<semaphore_mem>>)
      %dma_wait3A_64 = arith.constant 0 : i32
      %dma_wait3A_65 = tpu.memref_slice %arg2[%dma_wait3A_64, %mul3A_2] : memref<200x4096xi32, #tpu.memory_space<hbm>> -> memref<200x128xi32, #tpu.memory_space<hbm>>
      %dma_wait3A_66 = arith.constant 0 : i32
      %dma_wait3A_67 = tpu.memref_slice %arg2[%dma_wait3A_66, %mul3A_2] : memref<200x4096xi32, #tpu.memory_space<hbm>> -> memref<200x128xi32, #tpu.memory_space<hbm>>
      tpu.wait_dma2 semaphore(%run_scoped3A : memref<!tpu.dma_semaphore, #tpu.memory_space<semaphore_mem>>) src(%dma_wait3A_67 : memref<200x128xi32, #tpu.memory_space<hbm>>) dst(%arg5 : memref<200x128xi32, #tpu.memory_space<vmem>>)
      tpu.yield
    }) : () -> ()
    %parallel_loop3A = arith.constant 0 : i32
    %parallel_loop3A_34 = arith.constant 200 : i32
    %parallel_loop3A_35 = arith.constant 1 : i32
    scf.for %parallel_loop3A_60 = %parallel_loop3A to %parallel_loop3A_34 step %parallel_loop3A_35  : i32 {
      %parallel_loop3A_61 = arith.index_cast %parallel_loop3A_60 : i32 to index
      %parallel_loop3A_62 = arith.constant 0 : index
      %parallel_loop3A_63 = tpu.vector_load %arg5[%parallel_loop3A_61, %parallel_loop3A_62] {strides = array<i32>} : memref<200x128xi32, #tpu.memory_space<vmem>>, vector<16xi32>,
      %parallel_loop3A_64 = arith.constant 11 : i32
      %parallel_loop3A_65 = vector.broadcast %parallel_loop3A_64 : i32 to vector<16xi32>
      %parallel_loop3A_66 = arith.shrsi %parallel_loop3A_63, %parallel_loop3A_65 : vector<16xi32>
      %parallel_loop3A_67 = arith.constant 1 : i32
      %parallel_loop3A_68 = vector.broadcast %parallel_loop3A_67 : i32 to vector<16xi32>
      %parallel_loop3A_69 = arith.andi %parallel_loop3A_66, %parallel_loop3A_68 : vector<16xi32>
      %parallel_loop3A_70 = arith.constant 64 : i32
      %parallel_loop3A_71 = vector.broadcast %parallel_loop3A_70 : i32 to vector<16xi32>
      %parallel_loop3A_72 = arith.muli %parallel_loop3A_69, %parallel_loop3A_71 : vector<16xi32>
      %parallel_loop3A_73 = arith.index_cast %parallel_loop3A_60 : i32 to index
      %parallel_loop3A_74 = arith.constant 0 : index
      %parallel_loop3A_75 = tpu.vector_load %arg6[%parallel_loop3A_73, %parallel_loop3A_74] {strides = array<i32>} : memref<200x128xi32, #tpu.memory_space<vmem>>, vector<16xi32>,
      tpu.vector_store %arg6[%parallel_loop3A_73, %parallel_loop3A_74], %parallel_loop3A_72 {strides = array<i32>} : memref<200x128xi32, #tpu.memory_space<vmem>>, vector<16xi32>,
      %parallel_loop3A_76 = arith.constant 12 : i32
      %parallel_loop3A_77 = vector.broadcast %parallel_loop3A_76 : i32 to vector<16xi32>
      %parallel_loop3A_78 = arith.shrsi %parallel_loop3A_63, %parallel_loop3A_77 : vector<16xi32>
      %parallel_loop3A_79 = arith.constant 11 : i32
      %parallel_loop3A_80 = vector.broadcast %parallel_loop3A_79 : i32 to vector<16xi32>
      %parallel_loop3A_81 = arith.shli %parallel_loop3A_78, %parallel_loop3A_80 : vector<16xi32>
      %parallel_loop3A_82 = arith.constant 2047 : i32
      %parallel_loop3A_83 = vector.broadcast %parallel_loop3A_82 : i32 to vector<16xi32>
      %parallel_loop3A_84 = arith.andi %parallel_loop3A_63, %parallel_loop3A_83 : vector<16xi32>
      %parallel_loop3A_85 = arith.ori %parallel_loop3A_81, %parallel_loop3A_84 : vector<16xi32>
      %parallel_loop3A_86 = arith.index_cast %parallel_loop3A_60 : i32 to index
      %parallel_loop3A_87 = arith.constant 0 : index
      %parallel_loop3A_88 = tpu.vector_load %arg5[%parallel_loop3A_86, %parallel_loop3A_87] {strides = array<i32>} : memref<200x128xi32, #tpu.memory_space<vmem>>, vector<16xi32>,
      tpu.vector_store %arg5[%parallel_loop3A_86, %parallel_loop3A_87], %parallel_loop3A_85 {strides = array<i32>} : memref<200x128xi32, #tpu.memory_space<vmem>>, vector<16xi32>,
      %parallel_loop3A_89 = arith.index_cast %parallel_loop3A_60 : i32 to index
      %parallel_loop3A_90 = arith.constant 16 : index
      %parallel_loop3A_91 = tpu.vector_load %arg5[%parallel_loop3A_89, %parallel_loop3A_90] {strides = array<i32>} : memref<200x128xi32, #tpu.memory_space<vmem>>, vector<16xi32>,
      %parallel_loop3A_92 = arith.constant 11 : i32
      %parallel_loop3A_93 = vector.broadcast %parallel_loop3A_92 : i32 to vector<16xi32>
      %parallel_loop3A_94 = arith.shrsi %parallel_loop3A_91, %parallel_loop3A_93 : vector<16xi32>
      %parallel_loop3A_95 = arith.constant 1 : i32
      %parallel_loop3A_96 = vector.broadcast %parallel_loop3A_95 : i32 to vector<16xi32>
      %parallel_loop3A_97 = arith.andi %parallel_loop3A_94, %parallel_loop3A_96 : vector<16xi32>
      %parallel_loop3A_98 = arith.constant 64 : i32
      %parallel_loop3A_99 = vector.broadcast %parallel_loop3A_98 : i32 to vector<16xi32>
      %parallel_loop3A_100 = arith.muli %parallel_loop3A_97, %parallel_loop3A_99 : vector<16xi32>
      %parallel_loop3A_101 = arith.index_cast %parallel_loop3A_60 : i32 to index
      %parallel_loop3A_102 = arith.constant 16 : index
      %parallel_loop3A_103 = tpu.vector_load %arg6[%parallel_loop3A_101, %parallel_loop3A_102] {strides = array<i32>} : memref<200x128xi32, #tpu.memory_space<vmem>>, vector<16xi32>,
      tpu.vector_store %arg6[%parallel_loop3A_101, %parallel_loop3A_102], %parallel_loop3A_100 {strides = array<i32>} : memref<200x128xi32, #tpu.memory_space<vmem>>, vector<16xi32>,
      %parallel_loop3A_104 = arith.constant 12 : i32
      %parallel_loop3A_105 = vector.broadcast %parallel_loop3A_104 : i32 to vector<16xi32>
      %parallel_loop3A_106 = arith.shrsi %parallel_loop3A_91, %parallel_loop3A_105 : vector<16xi32>
      %parallel_loop3A_107 = arith.constant 11 : i32
      %parallel_loop3A_108 = vector.broadcast %parallel_loop3A_107 : i32 to vector<16xi32>
      %parallel_loop3A_109 = arith.shli %parallel_loop3A_106, %parallel_loop3A_108 : vector<16xi32>
      %parallel_loop3A_110 = arith.constant 2047 : i32
      %parallel_loop3A_111 = vector.broadcast %parallel_loop3A_110 : i32 to vector<16xi32>
      %parallel_loop3A_112 = arith.andi %parallel_loop3A_91, %parallel_loop3A_111 : vector<16xi32>
      %parallel_loop3A_113 = arith.ori %parallel_loop3A_109, %parallel_loop3A_112 : vector<16xi32>
      %parallel_loop3A_114 = arith.index_cast %parallel_loop3A_60 : i32 to index
      %parallel_loop3A_115 = arith.constant 16 : index
      %parallel_loop3A_116 = tpu.vector_load %arg5[%parallel_loop3A_114, %parallel_loop3A_115] {strides = array<i32>} : memref<200x128xi32, #tpu.memory_space<vmem>>, vector<16xi32>,
      tpu.vector_store %arg5[%parallel_loop3A_114, %parallel_loop3A_115], %parallel_loop3A_113 {strides = array<i32>} : memref<200x128xi32, #tpu.memory_space<vmem>>, vector<16xi32>,
      %parallel_loop3A_117 = arith.index_cast %parallel_loop3A_60 : i32 to index
      %parallel_loop3A_118 = arith.constant 32 : index
      %parallel_loop3A_119 = tpu.vector_load %arg5[%parallel_loop3A_117, %parallel_loop3A_118] {strides = array<i32>} : memref<200x128xi32, #tpu.memory_space<vmem>>, vector<16xi32>,
      %parallel_loop3A_120 = arith.constant 11 : i32
      %parallel_loop3A_121 = vector.broadcast %parallel_loop3A_120 : i32 to vector<16xi32>
      %parallel_loop3A_122 = arith.shrsi %parallel_loop3A_119, %parallel_loop3A_121 : vector<16xi32>
      %parallel_loop3A_123 = arith.constant 1 : i32
      %parallel_loop3A_124 = vector.broadcast %parallel_loop3A_123 : i32 to vector<16xi32>
      %parallel_loop3A_125 = arith.andi %parallel_loop3A_122, %parallel_loop3A_124 : vector<16xi32>
      %parallel_loop3A_126 = arith.constant 64 : i32
      %parallel_loop3A_127 = vector.broadcast %parallel_loop3A_126 : i32 to vector<16xi32>
      %parallel_loop3A_128 = arith.muli %parallel_loop3A_125, %parallel_loop3A_127 : vector<16xi32>
      %parallel_loop3A_129 = arith.index_cast %parallel_loop3A_60 : i32 to index
      %parallel_loop3A_130 = arith.constant 32 : index
      %parallel_loop3A_131 = tpu.vector_load %arg6[%parallel_loop3A_129, %parallel_loop3A_130] {strides = array<i32>} : memref<200x128xi32, #tpu.memory_space<vmem>>, vector<16xi32>,
      tpu.vector_store %arg6[%parallel_loop3A_129, %parallel_loop3A_130], %parallel_loop3A_128 {strides = array<i32>} : memref<200x128xi32, #tpu.memory_space<vmem>>, vector<16xi32>,
      %parallel_loop3A_132 = arith.constant 12 : i32
      %parallel_loop3A_133 = vector.broadcast %parallel_loop3A_132 : i32 to vector<16xi32>
      %parallel_loop3A_134 = arith.shrsi %parallel_loop3A_119, %parallel_loop3A_133 : vector<16xi32>
      %parallel_loop3A_135 = arith.constant 11 : i32
      %parallel_loop3A_136 = vector.broadcast %parallel_loop3A_135 : i32 to vector<16xi32>
      %parallel_loop3A_137 = arith.shli %parallel_loop3A_134, %parallel_loop3A_136 : vector<16xi32>
      %parallel_loop3A_138 = arith.constant 2047 : i32
      %parallel_loop3A_139 = vector.broadcast %parallel_loop3A_138 : i32 to vector<16xi32>
      %parallel_loop3A_140 = arith.andi %parallel_loop3A_119, %parallel_loop3A_139 : vector<16xi32>
      %parallel_loop3A_141 = arith.ori %parallel_loop3A_137, %parallel_loop3A_140 : vector<16xi32>
      %parallel_loop3A_142 = arith.index_cast %parallel_loop3A_60 : i32 to index
      %parallel_loop3A_143 = arith.constant 32 : index
      %parallel_loop3A_144 = tpu.vector_load %arg5[%parallel_loop3A_142, %parallel_loop3A_143] {strides = array<i32>} : memref<200x128xi32, #tpu.memory_space<vmem>>, vector<16xi32>,
      tpu.vector_store %arg5[%parallel_loop3A_142, %parallel_loop3A_143], %parallel_loop3A_141 {strides = array<i32>} : memref<200x128xi32, #tpu.memory_space<vmem>>, vector<16xi32>,
      %parallel_loop3A_145 = arith.index_cast %parallel_loop3A_60 : i32 to index
      %parallel_loop3A_146 = arith.constant 48 : index
      %parallel_loop3A_147 = tpu.vector_load %arg5[%parallel_loop3A_145, %parallel_loop3A_146] {strides = array<i32>} : memref<200x128xi32, #tpu.memory_space<vmem>>, vector<16xi32>,
      %parallel_loop3A_148 = arith.constant 11 : i32
      %parallel_loop3A_149 = vector.broadcast %parallel_loop3A_148 : i32 to vector<16xi32>
      %parallel_loop3A_150 = arith.shrsi %parallel_loop3A_147, %parallel_loop3A_149 : vector<16xi32>
      %parallel_loop3A_151 = arith.constant 1 : i32
      %parallel_loop3A_152 = vector.broadcast %parallel_loop3A_151 : i32 to vector<16xi32>
      %parallel_loop3A_153 = arith.andi %parallel_loop3A_150, %parallel_loop3A_152 : vector<16xi32>
      %parallel_loop3A_154 = arith.constant 64 : i32
      %parallel_loop3A_155 = vector.broadcast %parallel_loop3A_154 : i32 to vector<16xi32>
      %parallel_loop3A_156 = arith.muli %parallel_loop3A_153, %parallel_loop3A_155 : vector<16xi32>
      %parallel_loop3A_157 = arith.index_cast %parallel_loop3A_60 : i32 to index
      %parallel_loop3A_158 = arith.constant 48 : index
      %parallel_loop3A_159 = tpu.vector_load %arg6[%parallel_loop3A_157, %parallel_loop3A_158] {strides = array<i32>} : memref<200x128xi32, #tpu.memory_space<vmem>>, vector<16xi32>,
      tpu.vector_store %arg6[%parallel_loop3A_157, %parallel_loop3A_158], %parallel_loop3A_156 {strides = array<i32>} : memref<200x128xi32, #tpu.memory_space<vmem>>, vector<16xi32>,
      %parallel_loop3A_160 = arith.constant 12 : i32
      %parallel_loop3A_161 = vector.broadcast %parallel_loop3A_160 : i32 to vector<16xi32>
      %parallel_loop3A_162 = arith.shrsi %parallel_loop3A_147, %parallel_loop3A_161 : vector<16xi32>
      %parallel_loop3A_163 = arith.constant 11 : i32
      %parallel_loop3A_164 = vector.broadcast %parallel_loop3A_163 : i32 to vector<16xi32>
      %parallel_loop3A_165 = arith.shli %parallel_loop3A_162, %parallel_loop3A_164 : vector<16xi32>
      %parallel_loop3A_166 = arith.constant 2047 : i32
      %parallel_loop3A_167 = vector.broadcast %parallel_loop3A_166 : i32 to vector<16xi32>
      %parallel_loop3A_168 = arith.andi %parallel_loop3A_147, %parallel_loop3A_167 : vector<16xi32>
      %parallel_loop3A_169 = arith.ori %parallel_loop3A_165, %parallel_loop3A_168 : vector<16xi32>
      %parallel_loop3A_170 = arith.index_cast %parallel_loop3A_60 : i32 to index
      %parallel_loop3A_171 = arith.constant 48 : index
      %parallel_loop3A_172 = tpu.vector_load %arg5[%parallel_loop3A_170, %parallel_loop3A_171] {strides = array<i32>} : memref<200x128xi32, #tpu.memory_space<vmem>>, vector<16xi32>,
      tpu.vector_store %arg5[%parallel_loop3A_170, %parallel_loop3A_171], %parallel_loop3A_169 {strides = array<i32>} : memref<200x128xi32, #tpu.memory_space<vmem>>, vector<16xi32>,
      %parallel_loop3A_173 = arith.index_cast %parallel_loop3A_60 : i32 to index
      %parallel_loop3A_174 = arith.constant 64 : index
      %parallel_loop3A_175 = tpu.vector_load %arg5[%parallel_loop3A_173, %parallel_loop3A_174] {strides = array<i32>} : memref<200x128xi32, #tpu.memory_space<vmem>>, vector<16xi32>,
      %parallel_loop3A_176 = arith.constant 11 : i32
      %parallel_loop3A_177 = vector.broadcast %parallel_loop3A_176 : i32 to vector<16xi32>
      %parallel_loop3A_178 = arith.shrsi %parallel_loop3A_175, %parallel_loop3A_177 : vector<16xi32>
      %parallel_loop3A_179 = arith.constant 1 : i32
      %parallel_loop3A_180 = vector.broadcast %parallel_loop3A_179 : i32 to vector<16xi32>
      %parallel_loop3A_181 = arith.andi %parallel_loop3A_178, %parallel_loop3A_180 : vector<16xi32>
      %parallel_loop3A_182 = arith.constant 64 : i32
      %parallel_loop3A_183 = vector.broadcast %parallel_loop3A_182 : i32 to vector<16xi32>
      %parallel_loop3A_184 = arith.muli %parallel_loop3A_181, %parallel_loop3A_183 : vector<16xi32>
      %parallel_loop3A_185 = arith.index_cast %parallel_loop3A_60 : i32 to index
      %parallel_loop3A_186 = arith.constant 64 : index
      %parallel_loop3A_187 = tpu.vector_load %arg6[%parallel_loop3A_185, %parallel_loop3A_186] {strides = array<i32>} : memref<200x128xi32, #tpu.memory_space<vmem>>, vector<16xi32>,
      tpu.vector_store %arg6[%parallel_loop3A_185, %parallel_loop3A_186], %parallel_loop3A_184 {strides = array<i32>} : memref<200x128xi32, #tpu.memory_space<vmem>>, vector<16xi32>,
      %parallel_loop3A_188 = arith.constant 12 : i32
      %parallel_loop3A_189 = vector.broadcast %parallel_loop3A_188 : i32 to vector<16xi32>
      %parallel_loop3A_190 = arith.shrsi %parallel_loop3A_175, %parallel_loop3A_189 : vector<16xi32>
      %parallel_loop3A_191 = arith.constant 11 : i32
      %parallel_loop3A_192 = vector.broadcast %parallel_loop3A_191 : i32 to vector<16xi32>
      %parallel_loop3A_193 = arith.shli %parallel_loop3A_190, %parallel_loop3A_192 : vector<16xi32>
      %parallel_loop3A_194 = arith.constant 2047 : i32
      %parallel_loop3A_195 = vector.broadcast %parallel_loop3A_194 : i32 to vector<16xi32>
      %parallel_loop3A_196 = arith.andi %parallel_loop3A_175, %parallel_loop3A_195 : vector<16xi32>
      %parallel_loop3A_197 = arith.ori %parallel_loop3A_193, %parallel_loop3A_196 : vector<16xi32>
      %parallel_loop3A_198 = arith.index_cast %parallel_loop3A_60 : i32 to index
      %parallel_loop3A_199 = arith.constant 64 : index
      %parallel_loop3A_200 = tpu.vector_load %arg5[%parallel_loop3A_198, %parallel_loop3A_199] {strides = array<i32>} : memref<200x128xi32, #tpu.memory_space<vmem>>, vector<16xi32>,
      tpu.vector_store %arg5[%parallel_loop3A_198, %parallel_loop3A_199], %parallel_loop3A_197 {strides = array<i32>} : memref<200x128xi32, #tpu.memory_space<vmem>>, vector<16xi32>,
      %parallel_loop3A_201 = arith.index_cast %parallel_loop3A_60 : i32 to index
      %parallel_loop3A_202 = arith.constant 80 : index
      %parallel_loop3A_203 = tpu.vector_load %arg5[%parallel_loop3A_201, %parallel_loop3A_202] {strides = array<i32>} : memref<200x128xi32, #tpu.memory_space<vmem>>, vector<16xi32>,
      %parallel_loop3A_204 = arith.constant 11 : i32
      %parallel_loop3A_205 = vector.broadcast %parallel_loop3A_204 : i32 to vector<16xi32>
      %parallel_loop3A_206 = arith.shrsi %parallel_loop3A_203, %parallel_loop3A_205 : vector<16xi32>
      %parallel_loop3A_207 = arith.constant 1 : i32
      %parallel_loop3A_208 = vector.broadcast %parallel_loop3A_207 : i32 to vector<16xi32>
      %parallel_loop3A_209 = arith.andi %parallel_loop3A_206, %parallel_loop3A_208 : vector<16xi32>
      %parallel_loop3A_210 = arith.constant 64 : i32
      %parallel_loop3A_211 = vector.broadcast %parallel_loop3A_210 : i32 to vector<16xi32>
      %parallel_loop3A_212 = arith.muli %parallel_loop3A_209, %parallel_loop3A_211 : vector<16xi32>
      %parallel_loop3A_213 = arith.index_cast %parallel_loop3A_60 : i32 to index
      %parallel_loop3A_214 = arith.constant 80 : index
      %parallel_loop3A_215 = tpu.vector_load %arg6[%parallel_loop3A_213, %parallel_loop3A_214] {strides = array<i32>} : memref<200x128xi32, #tpu.memory_space<vmem>>, vector<16xi32>,
      tpu.vector_store %arg6[%parallel_loop3A_213, %parallel_loop3A_214], %parallel_loop3A_212 {strides = array<i32>} : memref<200x128xi32, #tpu.memory_space<vmem>>, vector<16xi32>,
      %parallel_loop3A_216 = arith.constant 12 : i32
      %parallel_loop3A_217 = vector.broadcast %parallel_loop3A_216 : i32 to vector<16xi32>
      %parallel_loop3A_218 = arith.shrsi %parallel_loop3A_203, %parallel_loop3A_217 : vector<16xi32>
      %parallel_loop3A_219 = arith.constant 11 : i32
      %parallel_loop3A_220 = vector.broadcast %parallel_loop3A_219 : i32 to vector<16xi32>
      %parallel_loop3A_221 = arith.shli %parallel_loop3A_218, %parallel_loop3A_220 : vector<16xi32>
      %parallel_loop3A_222 = arith.constant 2047 : i32
      %parallel_loop3A_223 = vector.broadcast %parallel_loop3A_222 : i32 to vector<16xi32>
      %parallel_loop3A_224 = arith.andi %parallel_loop3A_203, %parallel_loop3A_223 : vector<16xi32>
      %parallel_loop3A_225 = arith.ori %parallel_loop3A_221, %parallel_loop3A_224 : vector<16xi32>
      %parallel_loop3A_226 = arith.index_cast %parallel_loop3A_60 : i32 to index
      %parallel_loop3A_227 = arith.constant 80 : index
      %parallel_loop3A_228 = tpu.vector_load %arg5[%parallel_loop3A_226, %parallel_loop3A_227] {strides = array<i32>} : memref<200x128xi32, #tpu.memory_space<vmem>>, vector<16xi32>,
      tpu.vector_store %arg5[%parallel_loop3A_226, %parallel_loop3A_227], %parallel_loop3A_225 {strides = array<i32>} : memref<200x128xi32, #tpu.memory_space<vmem>>, vector<16xi32>,
      %parallel_loop3A_229 = arith.index_cast %parallel_loop3A_60 : i32 to index
      %parallel_loop3A_230 = arith.constant 96 : index
      %parallel_loop3A_231 = tpu.vector_load %arg5[%parallel_loop3A_229, %parallel_loop3A_230] {strides = array<i32>} : memref<200x128xi32, #tpu.memory_space<vmem>>, vector<16xi32>,
      %parallel_loop3A_232 = arith.constant 11 : i32
      %parallel_loop3A_233 = vector.broadcast %parallel_loop3A_232 : i32 to vector<16xi32>
      %parallel_loop3A_234 = arith.shrsi %parallel_loop3A_231, %parallel_loop3A_233 : vector<16xi32>
      %parallel_loop3A_235 = arith.constant 1 : i32
      %parallel_loop3A_236 = vector.broadcast %parallel_loop3A_235 : i32 to vector<16xi32>
      %parallel_loop3A_237 = arith.andi %parallel_loop3A_234, %parallel_loop3A_236 : vector<16xi32>
      %parallel_loop3A_238 = arith.constant 64 : i32
      %parallel_loop3A_239 = vector.broadcast %parallel_loop3A_238 : i32 to vector<16xi32>
      %parallel_loop3A_240 = arith.muli %parallel_loop3A_237, %parallel_loop3A_239 : vector<16xi32>
      %parallel_loop3A_241 = arith.index_cast %parallel_loop3A_60 : i32 to index
      %parallel_loop3A_242 = arith.constant 96 : index
      %parallel_loop3A_243 = tpu.vector_load %arg6[%parallel_loop3A_241, %parallel_loop3A_242] {strides = array<i32>} : memref<200x128xi32, #tpu.memory_space<vmem>>, vector<16xi32>,
      tpu.vector_store %arg6[%parallel_loop3A_241, %parallel_loop3A_242], %parallel_loop3A_240 {strides = array<i32>} : memref<200x128xi32, #tpu.memory_space<vmem>>, vector<16xi32>,
      %parallel_loop3A_244 = arith.constant 12 : i32
      %parallel_loop3A_245 = vector.broadcast %parallel_loop3A_244 : i32 to vector<16xi32>
      %parallel_loop3A_246 = arith.shrsi %parallel_loop3A_231, %parallel_loop3A_245 : vector<16xi32>
      %parallel_loop3A_247 = arith.constant 11 : i32
      %parallel_loop3A_248 = vector.broadcast %parallel_loop3A_247 : i32 to vector<16xi32>
      %parallel_loop3A_249 = arith.shli %parallel_loop3A_246, %parallel_loop3A_248 : vector<16xi32>
      %parallel_loop3A_250 = arith.constant 2047 : i32
      %parallel_loop3A_251 = vector.broadcast %parallel_loop3A_250 : i32 to vector<16xi32>
      %parallel_loop3A_252 = arith.andi %parallel_loop3A_231, %parallel_loop3A_251 : vector<16xi32>
      %parallel_loop3A_253 = arith.ori %parallel_loop3A_249, %parallel_loop3A_252 : vector<16xi32>
      %parallel_loop3A_254 = arith.index_cast %parallel_loop3A_60 : i32 to index
      %parallel_loop3A_255 = arith.constant 96 : index
      %parallel_loop3A_256 = tpu.vector_load %arg5[%parallel_loop3A_254, %parallel_loop3A_255] {strides = array<i32>} : memref<200x128xi32, #tpu.memory_space<vmem>>, vector<16xi32>,
      tpu.vector_store %arg5[%parallel_loop3A_254, %parallel_loop3A_255], %parallel_loop3A_253 {strides = array<i32>} : memref<200x128xi32, #tpu.memory_space<vmem>>, vector<16xi32>,
      %parallel_loop3A_257 = arith.index_cast %parallel_loop3A_60 : i32 to index
      %parallel_loop3A_258 = arith.constant 112 : index
      %parallel_loop3A_259 = tpu.vector_load %arg5[%parallel_loop3A_257, %parallel_loop3A_258] {strides = array<i32>} : memref<200x128xi32, #tpu.memory_space<vmem>>, vector<16xi32>,
      %parallel_loop3A_260 = arith.constant 11 : i32
      %parallel_loop3A_261 = vector.broadcast %parallel_loop3A_260 : i32 to vector<16xi32>
      %parallel_loop3A_262 = arith.shrsi %parallel_loop3A_259, %parallel_loop3A_261 : vector<16xi32>
      %parallel_loop3A_263 = arith.constant 1 : i32
      %parallel_loop3A_264 = vector.broadcast %parallel_loop3A_263 : i32 to vector<16xi32>
      %parallel_loop3A_265 = arith.andi %parallel_loop3A_262, %parallel_loop3A_264 : vector<16xi32>
      %parallel_loop3A_266 = arith.constant 64 : i32
      %parallel_loop3A_267 = vector.broadcast %parallel_loop3A_266 : i32 to vector<16xi32>
      %parallel_loop3A_268 = arith.muli %parallel_loop3A_265, %parallel_loop3A_267 : vector<16xi32>
      %parallel_loop3A_269 = arith.index_cast %parallel_loop3A_60 : i32 to index
      %parallel_loop3A_270 = arith.constant 112 : index
      %parallel_loop3A_271 = tpu.vector_load %arg6[%parallel_loop3A_269, %parallel_loop3A_270] {strides = array<i32>} : memref<200x128xi32, #tpu.memory_space<vmem>>, vector<16xi32>,
      tpu.vector_store %arg6[%parallel_loop3A_269, %parallel_loop3A_270], %parallel_loop3A_268 {strides = array<i32>} : memref<200x128xi32, #tpu.memory_space<vmem>>, vector<16xi32>,
      %parallel_loop3A_272 = arith.constant 12 : i32
      %parallel_loop3A_273 = vector.broadcast %parallel_loop3A_272 : i32 to vector<16xi32>
      %parallel_loop3A_274 = arith.shrsi %parallel_loop3A_259, %parallel_loop3A_273 : vector<16xi32>
      %parallel_loop3A_275 = arith.constant 11 : i32
      %parallel_loop3A_276 = vector.broadcast %parallel_loop3A_275 : i32 to vector<16xi32>
      %parallel_loop3A_277 = arith.shli %parallel_loop3A_274, %parallel_loop3A_276 : vector<16xi32>
      %parallel_loop3A_278 = arith.constant 2047 : i32
      %parallel_loop3A_279 = vector.broadcast %parallel_loop3A_278 : i32 to vector<16xi32>
      %parallel_loop3A_280 = arith.andi %parallel_loop3A_259, %parallel_loop3A_279 : vector<16xi32>
      %parallel_loop3A_281 = arith.ori %parallel_loop3A_277, %parallel_loop3A_280 : vector<16xi32>
      %parallel_loop3A_282 = arith.index_cast %parallel_loop3A_60 : i32 to index
      %parallel_loop3A_283 = arith.constant 112 : index
      %parallel_loop3A_284 = tpu.vector_load %arg5[%parallel_loop3A_282, %parallel_loop3A_283] {strides = array<i32>} : memref<200x128xi32, #tpu.memory_space<vmem>>, vector<16xi32>,
      tpu.vector_store %arg5[%parallel_loop3A_282, %parallel_loop3A_283], %parallel_loop3A_281 {strides = array<i32>} : memref<200x128xi32, #tpu.memory_space<vmem>>, vector<16xi32>,
    } {sc.loop_unroll_factor = 4 : i64, sc.parallel_access}
    %dma_start3A = arith.constant 0 : i32
    %dma_start3A_36 = arith.constant 0 : i32
    %dma_start3A_37 = tpu.memref_slice %arg5[%dma_start3A, %dma_start3A_36] : memref<200x128xi32, #tpu.memory_space<vmem>> -> memref<1x128xi32, #tpu.memory_space<vmem>>
    %dma_start3A_38 = tpu.memref_squeeze %dma_start3A_37 : memref<1x128xi32, #tpu.memory_space<vmem>> -> memref<128xi32, #tpu.memory_space<vmem>>
    %dma_start3A_39 = arith.constant 0 : i32
    %dma_start3A_40 = arith.constant 0 : i32
    %dma_start3A_41 = tpu.memref_slice %arg3[%dma_start3A_39, %dma_start3A_40] : memref<501760x128xf32, #tpu.memory_space<hbm>> -> memref<501760x128xf32, #tpu.memory_space<hbm>>
    tpu.enqueue_indirect_dma source(%dma_start3A_41 : memref<501760x128xf32, #tpu.memory_space<hbm>>) target(%arg7 : memref<128x128xf32, #tpu.memory_space<vmem>>) offsets(%dma_start3A_38 : memref<128xi32, #tpu.memory_space<vmem>>) semaphore(%arg11 : memref<!tpu.dma_semaphore, #tpu.memory_space<semaphore_mem>>)
    %scan3A = arith.constant 0 : i32
    %scan3A_42 = arith.constant 0 : i32
    %scan3A_43 = arith.constant 100 : i32
    %scan3A_44 = arith.addi %scan3A_42, %scan3A_43 : i32
    %scan3A_45 = arith.constant 1 : i32
    scf.for %scan3A_60 = %scan3A_42 to %scan3A_44 step %scan3A_45  : i32 {
      %mul3A_61 = arith.constant 2 : i32
      %mul3A_62 = arith.muli %scan3A_60, %mul3A_61 : i32
      %add3A_63 = arith.constant 1 : i32
      %add3A_64 = arith.addi %mul3A_62, %add3A_63 : i32
      %lt3A = arith.constant 200 : i32
      %lt3A_65 = arith.cmpi slt, %add3A_64, %lt3A : i32
      %gt3A = arith.constant 0 : i32
      %gt3A_66 = arith.cmpi sgt, %scan3A_60, %gt3A : i32
      %convert_element_type3A = arith.extui %lt3A_65 : i1 to i32
      %cond3A = arith.constant 0 : i32
      %cond3A_67 = arith.cmpi ne, %convert_element_type3A, %cond3A : i32
      scf.if %cond3A_67 {
        %add3A_196 = arith.constant 1 : i32
        %add3A_197 = arith.addi %mul3A_62, %add3A_196 : i32
        %dma_start3A_198 = arith.constant 0 : i32
        %dma_start3A_199 = tpu.memref_slice %arg5[%add3A_197, %dma_start3A_198] : memref<200x128xi32, #tpu.memory_space<vmem>> -> memref<1x128xi32, #tpu.memory_space<vmem>>
        %dma_start3A_200 = tpu.memref_squeeze %dma_start3A_199 : memref<1x128xi32, #tpu.memory_space<vmem>> -> memref<128xi32, #tpu.memory_space<vmem>>
        %dma_start3A_201 = arith.constant 0 : i32
        %dma_start3A_202 = arith.constant 0 : i32
        %dma_start3A_203 = tpu.memref_slice %arg3[%dma_start3A_201, %dma_start3A_202] : memref<501760x128xf32, #tpu.memory_space<hbm>> -> memref<501760x128xf32, #tpu.memory_space<hbm>>
        tpu.enqueue_indirect_dma source(%dma_start3A_203 : memref<501760x128xf32, #tpu.memory_space<hbm>>) target(%arg8 : memref<128x128xf32, #tpu.memory_space<vmem>>) offsets(%dma_start3A_200 : memref<128xi32, #tpu.memory_space<vmem>>) semaphore(%arg12 : memref<!tpu.dma_semaphore, #tpu.memory_space<semaphore_mem>>)
      } else {
      }
      %dma_wait3A_68 = arith.constant 0 : i32
      %dma_wait3A_69 = arith.constant 0 : i32
      %dma_wait3A_70 = tpu.memref_slice %arg5[%dma_wait3A_68, %dma_wait3A_69] : memref<200x128xi32, #tpu.memory_space<vmem>> -> memref<1x128xi32, #tpu.memory_space<vmem>>
      %dma_wait3A_71 = tpu.memref_squeeze %dma_wait3A_70 : memref<1x128xi32, #tpu.memory_space<vmem>> -> memref<128xi32, #tpu.memory_space<vmem>>
      %dma_wait3A_72 = arith.constant 0 : i32
      %dma_wait3A_73 = arith.constant 0 : i32
      %dma_wait3A_74 = tpu.memref_slice %arg3[%dma_wait3A_72, %dma_wait3A_73] : memref<501760x128xf32, #tpu.memory_space<hbm>> -> memref<501760x128xf32, #tpu.memory_space<hbm>>
      tpu.wait_indirect_dma semaphore(%arg11 : memref<!tpu.dma_semaphore, #tpu.memory_space<semaphore_mem>>) src(%dma_wait3A_74 : memref<501760x128xf32, #tpu.memory_space<hbm>>) dst(%arg7 : memref<128x128xf32, #tpu.memory_space<vmem>>)
      %convert_element_type3A_75 = arith.extui %gt3A_66 : i1 to i32
      %cond3A_76 = arith.constant 0 : i32
      %cond3A_77 = arith.cmpi ne, %convert_element_type3A_75, %cond3A_76 : i32
      scf.if %cond3A_77 {
        %dma_wait3A_196 = arith.constant 0 : i32
        %dma_wait3A_197 = arith.constant 0 : i32
        %dma_wait3A_198 = tpu.memref_slice %arg4[%dma_wait3A_196, %dma_wait3A_197, %mul3A_2] : memref<200x64x4096xf32, #tpu.memory_space<hbm>> -> memref<1x64x128xf32, #tpu.memory_space<hbm>>
        %dma_wait3A_199 = tpu.memref_squeeze %dma_wait3A_198 : memref<1x64x128xf32, #tpu.memory_space<hbm>> -> memref<64x128xf32, #tpu.memory_space<hbm>>
        %dma_wait3A_200 = arith.constant 0 : i32
        %dma_wait3A_201 = tpu.memref_slice %arg4[%dma_wait3A_196, %dma_wait3A_200, %mul3A_2] : memref<200x64x4096xf32, #tpu.memory_space<hbm>> -> memref<1x64x128xf32, #tpu.memory_space<hbm>>
        %dma_wait3A_202 = tpu.memref_squeeze %dma_wait3A_201 : memref<1x64x128xf32, #tpu.memory_space<hbm>> -> memref<64x128xf32, #tpu.memory_space<hbm>>
        tpu.wait_dma2 semaphore(%arg13 : memref<!tpu.dma_semaphore, #tpu.memory_space<semaphore_mem>>) src(%arg9 : memref<64x128xf32, #tpu.memory_space<vmem>>) dst(%dma_wait3A_202 : memref<64x128xf32, #tpu.memory_space<hbm>>)
      } else {
      }
      %get3A = arith.constant 0 : i32
      %get3A_78 = tpu.memref_slice %arg6[%mul3A_62, %get3A] : memref<200x128xi32, #tpu.memory_space<vmem>> -> memref<1x128xi32, #tpu.memory_space<vmem>>
      %get3A_79 = tpu.memref_squeeze %get3A_78 : memref<1x128xi32, #tpu.memory_space<vmem>> -> memref<128xi32, #tpu.memory_space<vmem>>
      %get3A_80 = arith.constant 0 : index
      %get3A_81 = tpu.vector_load %get3A_79[%get3A_80] {strides = array<i32>} : memref<128xi32, #tpu.memory_space<vmem>>, vector<16xi32>,
      %get3A_82 = arith.constant 0 : i32
      %get3A_83 = tpu.memref_slice %arg6[%mul3A_62, %get3A_82] : memref<200x128xi32, #tpu.memory_space<vmem>> -> memref<1x128xi32, #tpu.memory_space<vmem>>
      %get3A_84 = tpu.memref_squeeze %get3A_83 : memref<1x128xi32, #tpu.memory_space<vmem>> -> memref<128xi32, #tpu.memory_space<vmem>>
      %get3A_85 = arith.constant 16 : index
      %get3A_86 = tpu.vector_load %get3A_84[%get3A_85] {strides = array<i32>} : memref<128xi32, #tpu.memory_space<vmem>>, vector<16xi32>,
      %get3A_87 = arith.constant 0 : i32
      %get3A_88 = tpu.memref_slice %arg6[%mul3A_62, %get3A_87] : memref<200x128xi32, #tpu.memory_space<vmem>> -> memref<1x128xi32, #tpu.memory_space<vmem>>
      %get3A_89 = tpu.memref_squeeze %get3A_88 : memref<1x128xi32, #tpu.memory_space<vmem>> -> memref<128xi32, #tpu.memory_space<vmem>>
      %get3A_90 = arith.constant 32 : index
      %get3A_91 = tpu.vector_load %get3A_89[%get3A_90] {strides = array<i32>} : memref<128xi32, #tpu.memory_space<vmem>>, vector<16xi32>,
      %get3A_92 = arith.constant 0 : i32
      %get3A_93 = tpu.memref_slice %arg6[%mul3A_62, %get3A_92] : memref<200x128xi32, #tpu.memory_space<vmem>> -> memref<1x128xi32, #tpu.memory_space<vmem>>
      %get3A_94 = tpu.memref_squeeze %get3A_93 : memref<1x128xi32, #tpu.memory_space<vmem>> -> memref<128xi32, #tpu.memory_space<vmem>>
      %get3A_95 = arith.constant 48 : index
      %get3A_96 = tpu.vector_load %get3A_94[%get3A_95] {strides = array<i32>} : memref<128xi32, #tpu.memory_space<vmem>>, vector<16xi32>,
      %get3A_97 = arith.constant 0 : i32
      %get3A_98 = tpu.memref_slice %arg6[%mul3A_62, %get3A_97] : memref<200x128xi32, #tpu.memory_space<vmem>> -> memref<1x128xi32, #tpu.memory_space<vmem>>
      %get3A_99 = tpu.memref_squeeze %get3A_98 : memref<1x128xi32, #tpu.memory_space<vmem>> -> memref<128xi32, #tpu.memory_space<vmem>>
      %get3A_100 = arith.constant 64 : index
      %get3A_101 = tpu.vector_load %get3A_99[%get3A_100] {strides = array<i32>} : memref<128xi32, #tpu.memory_space<vmem>>, vector<16xi32>,
      %get3A_102 = arith.constant 0 : i32
      %get3A_103 = tpu.memref_slice %arg6[%mul3A_62, %get3A_102] : memref<200x128xi32, #tpu.memory_space<vmem>> -> memref<1x128xi32, #tpu.memory_space<vmem>>
      %get3A_104 = tpu.memref_squeeze %get3A_103 : memref<1x128xi32, #tpu.memory_space<vmem>> -> memref<128xi32, #tpu.memory_space<vmem>>
      %get3A_105 = arith.constant 80 : index
      %get3A_106 = tpu.vector_load %get3A_104[%get3A_105] {strides = array<i32>} : memref<128xi32, #tpu.memory_space<vmem>>, vector<16xi32>,
      %get3A_107 = arith.constant 0 : i32
      %get3A_108 = tpu.memref_slice %arg6[%mul3A_62, %get3A_107] : memref<200x128xi32, #tpu.memory_space<vmem>> -> memref<1x128xi32, #tpu.memory_space<vmem>>
      %get3A_109 = tpu.memref_squeeze %get3A_108 : memref<1x128xi32, #tpu.memory_space<vmem>> -> memref<128xi32, #tpu.memory_space<vmem>>
      %get3A_110 = arith.constant 96 : index
      %get3A_111 = tpu.vector_load %get3A_109[%get3A_110] {strides = array<i32>} : memref<128xi32, #tpu.memory_space<vmem>>, vector<16xi32>,
      %get3A_112 = arith.constant 0 : i32
      %get3A_113 = tpu.memref_slice %arg6[%mul3A_62, %get3A_112] : memref<200x128xi32, #tpu.memory_space<vmem>> -> memref<1x128xi32, #tpu.memory_space<vmem>>
      %get3A_114 = tpu.memref_squeeze %get3A_113 : memref<1x128xi32, #tpu.memory_space<vmem>> -> memref<128xi32, #tpu.memory_space<vmem>>
      %get3A_115 = arith.constant 112 : index
      %get3A_116 = tpu.vector_load %get3A_114[%get3A_115] {strides = array<i32>} : memref<128xi32, #tpu.memory_space<vmem>>, vector<16xi32>,
      %parallel_loop3A_117 = arith.constant 0 : i32
      %parallel_loop3A_118 = arith.constant 64 : i32
      %parallel_loop3A_119 = arith.constant 1 : i32
      scf.for %parallel_loop3A_196 = %parallel_loop3A_117 to %parallel_loop3A_118 step %parallel_loop3A_119  : i32 {
        %parallel_loop3A_197 = vector.broadcast %parallel_loop3A_196 : i32 to vector<16xi32>
        %parallel_loop3A_198 = arith.addi %get3A_81, %parallel_loop3A_197 : vector<16xi32>
        %parallel_loop3A_199 = tpu.vector_load_idx %arg7[%add3A_5, %parallel_loop3A_198] : memref<128x128xf32, #tpu.memory_space<vmem>>[vector<16xi32>, vector<16xi32>], vector<16xf32>,
        %parallel_loop3A_200 = arith.index_cast %parallel_loop3A_196 : i32 to index
        %parallel_loop3A_201 = arith.constant 0 : index
        %parallel_loop3A_202 = tpu.vector_load %arg9[%parallel_loop3A_200, %parallel_loop3A_201] {strides = array<i32>} : memref<64x128xf32, #tpu.memory_space<vmem>>, vector<16xf32>,
        tpu.vector_store %arg9[%parallel_loop3A_200, %parallel_loop3A_201], %parallel_loop3A_199 {strides = array<i32>} : memref<64x128xf32, #tpu.memory_space<vmem>>, vector<16xf32>,
        %parallel_loop3A_203 = vector.broadcast %parallel_loop3A_196 : i32 to vector<16xi32>
        %parallel_loop3A_204 = arith.addi %get3A_86, %parallel_loop3A_203 : vector<16xi32>
        %parallel_loop3A_205 = tpu.vector_load_idx %arg7[%add3A_9, %parallel_loop3A_204] : memref<128x128xf32, #tpu.memory_space<vmem>>[vector<16xi32>, vector<16xi32>], vector<16xf32>,
        %parallel_loop3A_206 = arith.index_cast %parallel_loop3A_196 : i32 to index
        %parallel_loop3A_207 = arith.constant 16 : index
        %parallel_loop3A_208 = tpu.vector_load %arg9[%parallel_loop3A_206, %parallel_loop3A_207] {strides = array<i32>} : memref<64x128xf32, #tpu.memory_space<vmem>>, vector<16xf32>,
        tpu.vector_store %arg9[%parallel_loop3A_206, %parallel_loop3A_207], %parallel_loop3A_205 {strides = array<i32>} : memref<64x128xf32, #tpu.memory_space<vmem>>, vector<16xf32>,
        %parallel_loop3A_209 = vector.broadcast %parallel_loop3A_196 : i32 to vector<16xi32>
        %parallel_loop3A_210 = arith.addi %get3A_91, %parallel_loop3A_209 : vector<16xi32>
        %parallel_loop3A_211 = tpu.vector_load_idx %arg7[%add3A_13, %parallel_loop3A_210] : memref<128x128xf32, #tpu.memory_space<vmem>>[vector<16xi32>, vector<16xi32>], vector<16xf32>,
        %parallel_loop3A_212 = arith.index_cast %parallel_loop3A_196 : i32 to index
        %parallel_loop3A_213 = arith.constant 32 : index
        %parallel_loop3A_214 = tpu.vector_load %arg9[%parallel_loop3A_212, %parallel_loop3A_213] {strides = array<i32>} : memref<64x128xf32, #tpu.memory_space<vmem>>, vector<16xf32>,
        tpu.vector_store %arg9[%parallel_loop3A_212, %parallel_loop3A_213], %parallel_loop3A_211 {strides = array<i32>} : memref<64x128xf32, #tpu.memory_space<vmem>>, vector<16xf32>,
        %parallel_loop3A_215 = vector.broadcast %parallel_loop3A_196 : i32 to vector<16xi32>
        %parallel_loop3A_216 = arith.addi %get3A_96, %parallel_loop3A_215 : vector<16xi32>
        %parallel_loop3A_217 = tpu.vector_load_idx %arg7[%add3A_17, %parallel_loop3A_216] : memref<128x128xf32, #tpu.memory_space<vmem>>[vector<16xi32>, vector<16xi32>], vector<16xf32>,
        %parallel_loop3A_218 = arith.index_cast %parallel_loop3A_196 : i32 to index
        %parallel_loop3A_219 = arith.constant 48 : index
        %parallel_loop3A_220 = tpu.vector_load %arg9[%parallel_loop3A_218, %parallel_loop3A_219] {strides = array<i32>} : memref<64x128xf32, #tpu.memory_space<vmem>>, vector<16xf32>,
        tpu.vector_store %arg9[%parallel_loop3A_218, %parallel_loop3A_219], %parallel_loop3A_217 {strides = array<i32>} : memref<64x128xf32, #tpu.memory_space<vmem>>, vector<16xf32>,
        %parallel_loop3A_221 = vector.broadcast %parallel_loop3A_196 : i32 to vector<16xi32>
        %parallel_loop3A_222 = arith.addi %get3A_101, %parallel_loop3A_221 : vector<16xi32>
        %parallel_loop3A_223 = tpu.vector_load_idx %arg7[%add3A_21, %parallel_loop3A_222] : memref<128x128xf32, #tpu.memory_space<vmem>>[vector<16xi32>, vector<16xi32>], vector<16xf32>,
        %parallel_loop3A_224 = arith.index_cast %parallel_loop3A_196 : i32 to index
        %parallel_loop3A_225 = arith.constant 64 : index
        %parallel_loop3A_226 = tpu.vector_load %arg9[%parallel_loop3A_224, %parallel_loop3A_225] {strides = array<i32>} : memref<64x128xf32, #tpu.memory_space<vmem>>, vector<16xf32>,
        tpu.vector_store %arg9[%parallel_loop3A_224, %parallel_loop3A_225], %parallel_loop3A_223 {strides = array<i32>} : memref<64x128xf32, #tpu.memory_space<vmem>>, vector<16xf32>,
        %parallel_loop3A_227 = vector.broadcast %parallel_loop3A_196 : i32 to vector<16xi32>
        %parallel_loop3A_228 = arith.addi %get3A_106, %parallel_loop3A_227 : vector<16xi32>
        %parallel_loop3A_229 = tpu.vector_load_idx %arg7[%add3A_25, %parallel_loop3A_228] : memref<128x128xf32, #tpu.memory_space<vmem>>[vector<16xi32>, vector<16xi32>], vector<16xf32>,
        %parallel_loop3A_230 = arith.index_cast %parallel_loop3A_196 : i32 to index
        %parallel_loop3A_231 = arith.constant 80 : index
        %parallel_loop3A_232 = tpu.vector_load %arg9[%parallel_loop3A_230, %parallel_loop3A_231] {strides = array<i32>} : memref<64x128xf32, #tpu.memory_space<vmem>>, vector<16xf32>,
        tpu.vector_store %arg9[%parallel_loop3A_230, %parallel_loop3A_231], %parallel_loop3A_229 {strides = array<i32>} : memref<64x128xf32, #tpu.memory_space<vmem>>, vector<16xf32>,
        %parallel_loop3A_233 = vector.broadcast %parallel_loop3A_196 : i32 to vector<16xi32>
        %parallel_loop3A_234 = arith.addi %get3A_111, %parallel_loop3A_233 : vector<16xi32>
        %parallel_loop3A_235 = tpu.vector_load_idx %arg7[%add3A_29, %parallel_loop3A_234] : memref<128x128xf32, #tpu.memory_space<vmem>>[vector<16xi32>, vector<16xi32>], vector<16xf32>,
        %parallel_loop3A_236 = arith.index_cast %parallel_loop3A_196 : i32 to index
        %parallel_loop3A_237 = arith.constant 96 : index
        %parallel_loop3A_238 = tpu.vector_load %arg9[%parallel_loop3A_236, %parallel_loop3A_237] {strides = array<i32>} : memref<64x128xf32, #tpu.memory_space<vmem>>, vector<16xf32>,
        tpu.vector_store %arg9[%parallel_loop3A_236, %parallel_loop3A_237], %parallel_loop3A_235 {strides = array<i32>} : memref<64x128xf32, #tpu.memory_space<vmem>>, vector<16xf32>,
        %parallel_loop3A_239 = vector.broadcast %parallel_loop3A_196 : i32 to vector<16xi32>
        %parallel_loop3A_240 = arith.addi %get3A_116, %parallel_loop3A_239 : vector<16xi32>
        %parallel_loop3A_241 = tpu.vector_load_idx %arg7[%add3A_33, %parallel_loop3A_240] : memref<128x128xf32, #tpu.memory_space<vmem>>[vector<16xi32>, vector<16xi32>], vector<16xf32>,
        %parallel_loop3A_242 = arith.index_cast %parallel_loop3A_196 : i32 to index
        %parallel_loop3A_243 = arith.constant 112 : index
        %parallel_loop3A_244 = tpu.vector_load %arg9[%parallel_loop3A_242, %parallel_loop3A_243] {strides = array<i32>} : memref<64x128xf32, #tpu.memory_space<vmem>>, vector<16xf32>,
        tpu.vector_store %arg9[%parallel_loop3A_242, %parallel_loop3A_243], %parallel_loop3A_241 {strides = array<i32>} : memref<64x128xf32, #tpu.memory_space<vmem>>, vector<16xf32>,
      } {sc.loop_unroll_factor = 16 : i64, sc.parallel_access}
      %dma_start3A_120 = arith.constant 0 : i32
      %dma_start3A_121 = tpu.memref_slice %arg4[%mul3A_62, %dma_start3A_120, %mul3A_2] : memref<200x64x4096xf32, #tpu.memory_space<hbm>> -> memref<1x64x128xf32, #tpu.memory_space<hbm>>
      %dma_start3A_122 = tpu.memref_squeeze %dma_start3A_121 : memref<1x64x128xf32, #tpu.memory_space<hbm>> -> memref<64x128xf32, #tpu.memory_space<hbm>>
      %dma_start3A_123 = arith.constant 0 : i32
      %dma_start3A_124 = tpu.memref_slice %arg4[%mul3A_62, %dma_start3A_123, %mul3A_2] : memref<200x64x4096xf32, #tpu.memory_space<hbm>> -> memref<1x64x128xf32, #tpu.memory_space<hbm>>
      %dma_start3A_125 = tpu.memref_squeeze %dma_start3A_124 : memref<1x64x128xf32, #tpu.memory_space<hbm>> -> memref<64x128xf32, #tpu.memory_space<hbm>>
      tpu.enqueue_dma source(%arg9 : memref<64x128xf32, #tpu.memory_space<vmem>>) target(%dma_start3A_125 : memref<64x128xf32, #tpu.memory_space<hbm>>) target_semaphore(%arg13 : memref<!tpu.dma_semaphore, #tpu.memory_space<semaphore_mem>>)
      %add3A_126 = arith.constant 1 : i32
      %add3A_127 = arith.addi %mul3A_62, %add3A_126 : i32
      %add3A_128 = arith.constant 2 : i32
      %add3A_129 = arith.addi %mul3A_62, %add3A_128 : i32
      %lt3A_130 = arith.constant 200 : i32
      %lt3A_131 = arith.cmpi slt, %add3A_129, %lt3A_130 : i32
      %gt3A_132 = arith.constant 0 : i32
      %gt3A_133 = arith.cmpi sgt, %scan3A_60, %gt3A_132 : i32
      %convert_element_type3A_134 = arith.extui %lt3A_131 : i1 to i32
      %cond3A_135 = arith.constant 0 : i32
      %cond3A_136 = arith.cmpi ne, %convert_element_type3A_134, %cond3A_135 : i32
      scf.if %cond3A_136 {
        %add3A_196 = arith.constant 1 : i32
        %add3A_197 = arith.addi %add3A_127, %add3A_196 : i32
        %dma_start3A_198 = arith.constant 0 : i32
        %dma_start3A_199 = tpu.memref_slice %arg5[%add3A_197, %dma_start3A_198] : memref<200x128xi32, #tpu.memory_space<vmem>> -> memref<1x128xi32, #tpu.memory_space<vmem>>
        %dma_start3A_200 = tpu.memref_squeeze %dma_start3A_199 : memref<1x128xi32, #tpu.memory_space<vmem>> -> memref<128xi32, #tpu.memory_space<vmem>>
        %dma_start3A_201 = arith.constant 0 : i32
        %dma_start3A_202 = arith.constant 0 : i32
        %dma_start3A_203 = tpu.memref_slice %arg3[%dma_start3A_201, %dma_start3A_202] : memref<501760x128xf32, #tpu.memory_space<hbm>> -> memref<501760x128xf32, #tpu.memory_space<hbm>>
        tpu.enqueue_indirect_dma source(%dma_start3A_203 : memref<501760x128xf32, #tpu.memory_space<hbm>>) target(%arg7 : memref<128x128xf32, #tpu.memory_space<vmem>>) offsets(%dma_start3A_200 : memref<128xi32, #tpu.memory_space<vmem>>) semaphore(%arg11 : memref<!tpu.dma_semaphore, #tpu.memory_space<semaphore_mem>>)
      } else {
      }
      %dma_wait3A_137 = arith.constant 0 : i32
      %dma_wait3A_138 = arith.constant 0 : i32
      %dma_wait3A_139 = tpu.memref_slice %arg5[%dma_wait3A_137, %dma_wait3A_138] : memref<200x128xi32, #tpu.memory_space<vmem>> -> memref<1x128xi32, #tpu.memory_space<vmem>>
      %dma_wait3A_140 = tpu.memref_squeeze %dma_wait3A_139 : memref<1x128xi32, #tpu.memory_space<vmem>> -> memref<128xi32, #tpu.memory_space<vmem>>
      %dma_wait3A_141 = arith.constant 0 : i32
      %dma_wait3A_142 = arith.constant 0 : i32
      %dma_wait3A_143 = tpu.memref_slice %arg3[%dma_wait3A_141, %dma_wait3A_142] : memref<501760x128xf32, #tpu.memory_space<hbm>> -> memref<501760x128xf32, #tpu.memory_space<hbm>>
      tpu.wait_indirect_dma semaphore(%arg12 : memref<!tpu.dma_semaphore, #tpu.memory_space<semaphore_mem>>) src(%dma_wait3A_143 : memref<501760x128xf32, #tpu.memory_space<hbm>>) dst(%arg8 : memref<128x128xf32, #tpu.memory_space<vmem>>)
      %convert_element_type3A_144 = arith.extui %gt3A_133 : i1 to i32
      %cond3A_145 = arith.constant 0 : i32
      %cond3A_146 = arith.cmpi ne, %convert_element_type3A_144, %cond3A_145 : i32
      scf.if %cond3A_146 {
        %dma_wait3A_196 = arith.constant 0 : i32
        %dma_wait3A_197 = arith.constant 0 : i32
        %dma_wait3A_198 = tpu.memref_slice %arg4[%dma_wait3A_196, %dma_wait3A_197, %mul3A_2] : memref<200x64x4096xf32, #tpu.memory_space<hbm>> -> memref<1x64x128xf32, #tpu.memory_space<hbm>>
        %dma_wait3A_199 = tpu.memref_squeeze %dma_wait3A_198 : memref<1x64x128xf32, #tpu.memory_space<hbm>> -> memref<64x128xf32, #tpu.memory_space<hbm>>
        %dma_wait3A_200 = arith.constant 0 : i32
        %dma_wait3A_201 = tpu.memref_slice %arg4[%dma_wait3A_196, %dma_wait3A_200, %mul3A_2] : memref<200x64x4096xf32, #tpu.memory_space<hbm>> -> memref<1x64x128xf32, #tpu.memory_space<hbm>>
        %dma_wait3A_202 = tpu.memref_squeeze %dma_wait3A_201 : memref<1x64x128xf32, #tpu.memory_space<hbm>> -> memref<64x128xf32, #tpu.memory_space<hbm>>
        tpu.wait_dma2 semaphore(%arg14 : memref<!tpu.dma_semaphore, #tpu.memory_space<semaphore_mem>>) src(%arg10 : memref<64x128xf32, #tpu.memory_space<vmem>>) dst(%dma_wait3A_202 : memref<64x128xf32, #tpu.memory_space<hbm>>)
      } else {
      }
      %get3A_147 = arith.constant 0 : i32
      %get3A_148 = tpu.memref_slice %arg6[%add3A_127, %get3A_147] : memref<200x128xi32, #tpu.memory_space<vmem>> -> memref<1x128xi32, #tpu.memory_space<vmem>>
      %get3A_149 = tpu.memref_squeeze %get3A_148 : memref<1x128xi32, #tpu.memory_space<vmem>> -> memref<128xi32, #tpu.memory_space<vmem>>
      %get3A_150 = arith.constant 0 : index
      %get3A_151 = tpu.vector_load %get3A_149[%get3A_150] {strides = array<i32>} : memref<128xi32, #tpu.memory_space<vmem>>, vector<16xi32>,
      %get3A_152 = arith.constant 0 : i32
      %get3A_153 = tpu.memref_slice %arg6[%add3A_127, %get3A_152] : memref<200x128xi32, #tpu.memory_space<vmem>> -> memref<1x128xi32, #tpu.memory_space<vmem>>
      %get3A_154 = tpu.memref_squeeze %get3A_153 : memref<1x128xi32, #tpu.memory_space<vmem>> -> memref<128xi32, #tpu.memory_space<vmem>>
      %get3A_155 = arith.constant 16 : index
      %get3A_156 = tpu.vector_load %get3A_154[%get3A_155] {strides = array<i32>} : memref<128xi32, #tpu.memory_space<vmem>>, vector<16xi32>,
      %get3A_157 = arith.constant 0 : i32
      %get3A_158 = tpu.memref_slice %arg6[%add3A_127, %get3A_157] : memref<200x128xi32, #tpu.memory_space<vmem>> -> memref<1x128xi32, #tpu.memory_space<vmem>>
      %get3A_159 = tpu.memref_squeeze %get3A_158 : memref<1x128xi32, #tpu.memory_space<vmem>> -> memref<128xi32, #tpu.memory_space<vmem>>
      %get3A_160 = arith.constant 32 : index
      %get3A_161 = tpu.vector_load %get3A_159[%get3A_160] {strides = array<i32>} : memref<128xi32, #tpu.memory_space<vmem>>, vector<16xi32>,
      %get3A_162 = arith.constant 0 : i32
      %get3A_163 = tpu.memref_slice %arg6[%add3A_127, %get3A_162] : memref<200x128xi32, #tpu.memory_space<vmem>> -> memref<1x128xi32, #tpu.memory_space<vmem>>
      %get3A_164 = tpu.memref_squeeze %get3A_163 : memref<1x128xi32, #tpu.memory_space<vmem>> -> memref<128xi32, #tpu.memory_space<vmem>>
      %get3A_165 = arith.constant 48 : index
      %get3A_166 = tpu.vector_load %get3A_164[%get3A_165] {strides = array<i32>} : memref<128xi32, #tpu.memory_space<vmem>>, vector<16xi32>,
      %get3A_167 = arith.constant 0 : i32
      %get3A_168 = tpu.memref_slice %arg6[%add3A_127, %get3A_167] : memref<200x128xi32, #tpu.memory_space<vmem>> -> memref<1x128xi32, #tpu.memory_space<vmem>>
      %get3A_169 = tpu.memref_squeeze %get3A_168 : memref<1x128xi32, #tpu.memory_space<vmem>> -> memref<128xi32, #tpu.memory_space<vmem>>
      %get3A_170 = arith.constant 64 : index
      %get3A_171 = tpu.vector_load %get3A_169[%get3A_170] {strides = array<i32>} : memref<128xi32, #tpu.memory_space<vmem>>, vector<16xi32>,
      %get3A_172 = arith.constant 0 : i32
      %get3A_173 = tpu.memref_slice %arg6[%add3A_127, %get3A_172] : memref<200x128xi32, #tpu.memory_space<vmem>> -> memref<1x128xi32, #tpu.memory_space<vmem>>
      %get3A_174 = tpu.memref_squeeze %get3A_173 : memref<1x128xi32, #tpu.memory_space<vmem>> -> memref<128xi32, #tpu.memory_space<vmem>>
      %get3A_175 = arith.constant 80 : index
      %get3A_176 = tpu.vector_load %get3A_174[%get3A_175] {strides = array<i32>} : memref<128xi32, #tpu.memory_space<vmem>>, vector<16xi32>,
      %get3A_177 = arith.constant 0 : i32
      %get3A_178 = tpu.memref_slice %arg6[%add3A_127, %get3A_177] : memref<200x128xi32, #tpu.memory_space<vmem>> -> memref<1x128xi32, #tpu.memory_space<vmem>>
      %get3A_179 = tpu.memref_squeeze %get3A_178 : memref<1x128xi32, #tpu.memory_space<vmem>> -> memref<128xi32, #tpu.memory_space<vmem>>
      %get3A_180 = arith.constant 96 : index
      %get3A_181 = tpu.vector_load %get3A_179[%get3A_180] {strides = array<i32>} : memref<128xi32, #tpu.memory_space<vmem>>, vector<16xi32>,
      %get3A_182 = arith.constant 0 : i32
      %get3A_183 = tpu.memref_slice %arg6[%add3A_127, %get3A_182] : memref<200x128xi32, #tpu.memory_space<vmem>> -> memref<1x128xi32, #tpu.memory_space<vmem>>
      %get3A_184 = tpu.memref_squeeze %get3A_183 : memref<1x128xi32, #tpu.memory_space<vmem>> -> memref<128xi32, #tpu.memory_space<vmem>>
      %get3A_185 = arith.constant 112 : index
      %get3A_186 = tpu.vector_load %get3A_184[%get3A_185] {strides = array<i32>} : memref<128xi32, #tpu.memory_space<vmem>>, vector<16xi32>,
      %parallel_loop3A_187 = arith.constant 0 : i32
      %parallel_loop3A_188 = arith.constant 64 : i32
      %parallel_loop3A_189 = arith.constant 1 : i32
      scf.for %parallel_loop3A_196 = %parallel_loop3A_187 to %parallel_loop3A_188 step %parallel_loop3A_189  : i32 {
        %parallel_loop3A_197 = vector.broadcast %parallel_loop3A_196 : i32 to vector<16xi32>
        %parallel_loop3A_198 = arith.addi %get3A_151, %parallel_loop3A_197 : vector<16xi32>
        %parallel_loop3A_199 = tpu.vector_load_idx %arg8[%add3A_5, %parallel_loop3A_198] : memref<128x128xf32, #tpu.memory_space<vmem>>[vector<16xi32>, vector<16xi32>], vector<16xf32>,
        %parallel_loop3A_200 = arith.index_cast %parallel_loop3A_196 : i32 to index
        %parallel_loop3A_201 = arith.constant 0 : index
        %parallel_loop3A_202 = tpu.vector_load %arg10[%parallel_loop3A_200, %parallel_loop3A_201] {strides = array<i32>} : memref<64x128xf32, #tpu.memory_space<vmem>>, vector<16xf32>,
        tpu.vector_store %arg10[%parallel_loop3A_200, %parallel_loop3A_201], %parallel_loop3A_199 {strides = array<i32>} : memref<64x128xf32, #tpu.memory_space<vmem>>, vector<16xf32>,
        %parallel_loop3A_203 = vector.broadcast %parallel_loop3A_196 : i32 to vector<16xi32>
        %parallel_loop3A_204 = arith.addi %get3A_156, %parallel_loop3A_203 : vector<16xi32>
        %parallel_loop3A_205 = tpu.vector_load_idx %arg8[%add3A_9, %parallel_loop3A_204] : memref<128x128xf32, #tpu.memory_space<vmem>>[vector<16xi32>, vector<16xi32>], vector<16xf32>,
        %parallel_loop3A_206 = arith.index_cast %parallel_loop3A_196 : i32 to index
        %parallel_loop3A_207 = arith.constant 16 : index
        %parallel_loop3A_208 = tpu.vector_load %arg10[%parallel_loop3A_206, %parallel_loop3A_207] {strides = array<i32>} : memref<64x128xf32, #tpu.memory_space<vmem>>, vector<16xf32>,
        tpu.vector_store %arg10[%parallel_loop3A_206, %parallel_loop3A_207], %parallel_loop3A_205 {strides = array<i32>} : memref<64x128xf32, #tpu.memory_space<vmem>>, vector<16xf32>,
        %parallel_loop3A_209 = vector.broadcast %parallel_loop3A_196 : i32 to vector<16xi32>
        %parallel_loop3A_210 = arith.addi %get3A_161, %parallel_loop3A_209 : vector<16xi32>
        %parallel_loop3A_211 = tpu.vector_load_idx %arg8[%add3A_13, %parallel_loop3A_210] : memref<128x128xf32, #tpu.memory_space<vmem>>[vector<16xi32>, vector<16xi32>], vector<16xf32>,
        %parallel_loop3A_212 = arith.index_cast %parallel_loop3A_196 : i32 to index
        %parallel_loop3A_213 = arith.constant 32 : index
        %parallel_loop3A_214 = tpu.vector_load %arg10[%parallel_loop3A_212, %parallel_loop3A_213] {strides = array<i32>} : memref<64x128xf32, #tpu.memory_space<vmem>>, vector<16xf32>,
        tpu.vector_store %arg10[%parallel_loop3A_212, %parallel_loop3A_213], %parallel_loop3A_211 {strides = array<i32>} : memref<64x128xf32, #tpu.memory_space<vmem>>, vector<16xf32>,
        %parallel_loop3A_215 = vector.broadcast %parallel_loop3A_196 : i32 to vector<16xi32>
        %parallel_loop3A_216 = arith.addi %get3A_166, %parallel_loop3A_215 : vector<16xi32>
        %parallel_loop3A_217 = tpu.vector_load_idx %arg8[%add3A_17, %parallel_loop3A_216] : memref<128x128xf32, #tpu.memory_space<vmem>>[vector<16xi32>, vector<16xi32>], vector<16xf32>,
        %parallel_loop3A_218 = arith.index_cast %parallel_loop3A_196 : i32 to index
        %parallel_loop3A_219 = arith.constant 48 : index
        %parallel_loop3A_220 = tpu.vector_load %arg10[%parallel_loop3A_218, %parallel_loop3A_219] {strides = array<i32>} : memref<64x128xf32, #tpu.memory_space<vmem>>, vector<16xf32>,
        tpu.vector_store %arg10[%parallel_loop3A_218, %parallel_loop3A_219], %parallel_loop3A_217 {strides = array<i32>} : memref<64x128xf32, #tpu.memory_space<vmem>>, vector<16xf32>,
        %parallel_loop3A_221 = vector.broadcast %parallel_loop3A_196 : i32 to vector<16xi32>
        %parallel_loop3A_222 = arith.addi %get3A_171, %parallel_loop3A_221 : vector<16xi32>
        %parallel_loop3A_223 = tpu.vector_load_idx %arg8[%add3A_21, %parallel_loop3A_222] : memref<128x128xf32, #tpu.memory_space<vmem>>[vector<16xi32>, vector<16xi32>], vector<16xf32>,
        %parallel_loop3A_224 = arith.index_cast %parallel_loop3A_196 : i32 to index
        %parallel_loop3A_225 = arith.constant 64 : index
        %parallel_loop3A_226 = tpu.vector_load %arg10[%parallel_loop3A_224, %parallel_loop3A_225] {strides = array<i32>} : memref<64x128xf32, #tpu.memory_space<vmem>>, vector<16xf32>,
        tpu.vector_store %arg10[%parallel_loop3A_224, %parallel_loop3A_225], %parallel_loop3A_223 {strides = array<i32>} : memref<64x128xf32, #tpu.memory_space<vmem>>, vector<16xf32>,
        %parallel_loop3A_227 = vector.broadcast %parallel_loop3A_196 : i32 to vector<16xi32>
        %parallel_loop3A_228 = arith.addi %get3A_176, %parallel_loop3A_227 : vector<16xi32>
        %parallel_loop3A_229 = tpu.vector_load_idx %arg8[%add3A_25, %parallel_loop3A_228] : memref<128x128xf32, #tpu.memory_space<vmem>>[vector<16xi32>, vector<16xi32>], vector<16xf32>,
        %parallel_loop3A_230 = arith.index_cast %parallel_loop3A_196 : i32 to index
        %parallel_loop3A_231 = arith.constant 80 : index
        %parallel_loop3A_232 = tpu.vector_load %arg10[%parallel_loop3A_230, %parallel_loop3A_231] {strides = array<i32>} : memref<64x128xf32, #tpu.memory_space<vmem>>, vector<16xf32>,
        tpu.vector_store %arg10[%parallel_loop3A_230, %parallel_loop3A_231], %parallel_loop3A_229 {strides = array<i32>} : memref<64x128xf32, #tpu.memory_space<vmem>>, vector<16xf32>,
        %parallel_loop3A_233 = vector.broadcast %parallel_loop3A_196 : i32 to vector<16xi32>
        %parallel_loop3A_234 = arith.addi %get3A_181, %parallel_loop3A_233 : vector<16xi32>
        %parallel_loop3A_235 = tpu.vector_load_idx %arg8[%add3A_29, %parallel_loop3A_234] : memref<128x128xf32, #tpu.memory_space<vmem>>[vector<16xi32>, vector<16xi32>], vector<16xf32>,
        %parallel_loop3A_236 = arith.index_cast %parallel_loop3A_196 : i32 to index
        %parallel_loop3A_237 = arith.constant 96 : index
        %parallel_loop3A_238 = tpu.vector_load %arg10[%parallel_loop3A_236, %parallel_loop3A_237] {strides = array<i32>} : memref<64x128xf32, #tpu.memory_space<vmem>>, vector<16xf32>,
        tpu.vector_store %arg10[%parallel_loop3A_236, %parallel_loop3A_237], %parallel_loop3A_235 {strides = array<i32>} : memref<64x128xf32, #tpu.memory_space<vmem>>, vector<16xf32>,
        %parallel_loop3A_239 = vector.broadcast %parallel_loop3A_196 : i32 to vector<16xi32>
        %parallel_loop3A_240 = arith.addi %get3A_186, %parallel_loop3A_239 : vector<16xi32>
        %parallel_loop3A_241 = tpu.vector_load_idx %arg8[%add3A_33, %parallel_loop3A_240] : memref<128x128xf32, #tpu.memory_space<vmem>>[vector<16xi32>, vector<16xi32>], vector<16xf32>,
        %parallel_loop3A_242 = arith.index_cast %parallel_loop3A_196 : i32 to index
        %parallel_loop3A_243 = arith.constant 112 : index
        %parallel_loop3A_244 = tpu.vector_load %arg10[%parallel_loop3A_242, %parallel_loop3A_243] {strides = array<i32>} : memref<64x128xf32, #tpu.memory_space<vmem>>, vector<16xf32>,
        tpu.vector_store %arg10[%parallel_loop3A_242, %parallel_loop3A_243], %parallel_loop3A_241 {strides = array<i32>} : memref<64x128xf32, #tpu.memory_space<vmem>>, vector<16xf32>,
      } {sc.loop_unroll_factor = 16 : i64, sc.parallel_access}
      %dma_start3A_190 = arith.constant 0 : i32
      %dma_start3A_191 = tpu.memref_slice %arg4[%add3A_127, %dma_start3A_190, %mul3A_2] : memref<200x64x4096xf32, #tpu.memory_space<hbm>> -> memref<1x64x128xf32, #tpu.memory_space<hbm>>
      %dma_start3A_192 = tpu.memref_squeeze %dma_start3A_191 : memref<1x64x128xf32, #tpu.memory_space<hbm>> -> memref<64x128xf32, #tpu.memory_space<hbm>>
      %dma_start3A_193 = arith.constant 0 : i32
      %dma_start3A_194 = tpu.memref_slice %arg4[%add3A_127, %dma_start3A_193, %mul3A_2] : memref<200x64x4096xf32, #tpu.memory_space<hbm>> -> memref<1x64x128xf32, #tpu.memory_space<hbm>>
      %dma_start3A_195 = tpu.memref_squeeze %dma_start3A_194 : memref<1x64x128xf32, #tpu.memory_space<hbm>> -> memref<64x128xf32, #tpu.memory_space<hbm>>
      tpu.enqueue_dma source(%arg10 : memref<64x128xf32, #tpu.memory_space<vmem>>) target(%dma_start3A_195 : memref<64x128xf32, #tpu.memory_space<hbm>>) target_semaphore(%arg14 : memref<!tpu.dma_semaphore, #tpu.memory_space<semaphore_mem>>)
    }
    %scan3A_46 = arith.constant 100 : i32
    %dma_wait3A = arith.constant 0 : i32
    %dma_wait3A_47 = arith.constant 0 : i32
    %dma_wait3A_48 = tpu.memref_slice %arg4[%dma_wait3A, %dma_wait3A_47, %mul3A_2] : memref<200x64x4096xf32, #tpu.memory_space<hbm>> -> memref<1x64x128xf32, #tpu.memory_space<hbm>>
    %dma_wait3A_49 = tpu.memref_squeeze %dma_wait3A_48 : memref<1x64x128xf32, #tpu.memory_space<hbm>> -> memref<64x128xf32, #tpu.memory_space<hbm>>
    %dma_wait3A_50 = arith.constant 0 : i32
    %dma_wait3A_51 = tpu.memref_slice %arg4[%dma_wait3A, %dma_wait3A_50, %mul3A_2] : memref<200x64x4096xf32, #tpu.memory_space<hbm>> -> memref<1x64x128xf32, #tpu.memory_space<hbm>>
    %dma_wait3A_52 = tpu.memref_squeeze %dma_wait3A_51 : memref<1x64x128xf32, #tpu.memory_space<hbm>> -> memref<64x128xf32, #tpu.memory_space<hbm>>
    tpu.wait_dma2 semaphore(%arg13 : memref<!tpu.dma_semaphore, #tpu.memory_space<semaphore_mem>>) src(%arg9 : memref<64x128xf32, #tpu.memory_space<vmem>>) dst(%dma_wait3A_52 : memref<64x128xf32, #tpu.memory_space<hbm>>)
    %dma_wait3A_53 = arith.constant 0 : i32
    %dma_wait3A_54 = arith.constant 0 : i32
    %dma_wait3A_55 = tpu.memref_slice %arg4[%dma_wait3A_53, %dma_wait3A_54, %mul3A_2] : memref<200x64x4096xf32, #tpu.memory_space<hbm>> -> memref<1x64x128xf32, #tpu.memory_space<hbm>>
    %dma_wait3A_56 = tpu.memref_squeeze %dma_wait3A_55 : memref<1x64x128xf32, #tpu.memory_space<hbm>> -> memref<64x128xf32, #tpu.memory_space<hbm>>
    %dma_wait3A_57 = arith.constant 0 : i32
    %dma_wait3A_58 = tpu.memref_slice %arg4[%dma_wait3A_53, %dma_wait3A_57, %mul3A_2] : memref<200x64x4096xf32, #tpu.memory_space<hbm>> -> memref<1x64x128xf32, #tpu.memory_space<hbm>>
    %dma_wait3A_59 = tpu.memref_squeeze %dma_wait3A_58 : memref<1x64x128xf32, #tpu.memory_space<hbm>> -> memref<64x128xf32, #tpu.memory_space<hbm>>
    tpu.wait_dma2 semaphore(%arg14 : memref<!tpu.dma_semaphore, #tpu.memory_space<semaphore_mem>>) src(%arg10 : memref<64x128xf32, #tpu.memory_space<vmem>>) dst(%dma_wait3A_59 : memref<64x128xf32, #tpu.memory_space<hbm>>)
    return
  }
}

module attributes {stable_mosaic.version = 14 : i64} {
  func.func @body(%arg0: i32, %arg1: memref<64x4096xf32, #tpu.memory_space<vmem>>, %arg2: memref<2048x128xf32, #tpu.memory_space<vmem>>) attributes {dimension_semantics = [#tpu.dimension_semantics<arbitrary>], iteration_bounds = array<i64: 245>, scalar_prefetch = 0 : i64, scratch_operands = 0 : i64, tpu.core_type = #tpu.core_type<tc>, window_params = [{transform_indices = @transform_0, window_bounds = array<i64: 64, 4096>}, {transform_indices = @transform_1, window_bounds = array<i64: 2048, 128>}]} {
    %get3A = arith.constant 0 : index
    %get3A_0 = arith.constant 0 : index
    %get3A_1 = vector.load %arg1[%get3A, %get3A_0] : memref<64x4096xf32, #tpu.memory_space<vmem>>, vector<64x2048xf32>
    %transpose3A = tpu.transpose %get3A_1, [1, 0] : vector<64x2048xf32> -> vector<2048x64xf32>
    %swap3A = arith.constant 0 : index
    %swap3A_2 = arith.constant 0 : index
    %swap3A_3 = vector.load %arg2[%swap3A, %swap3A_2] : memref<2048x128xf32, #tpu.memory_space<vmem>>, vector<2048x64xf32>
    tpu.vector_store %arg2[%swap3A, %swap3A_2], %transpose3A {strides = array<i32>} : memref<2048x128xf32, #tpu.memory_space<vmem>>, vector<2048x64xf32>,
    %get3A_4 = arith.constant 0 : index
    %get3A_5 = arith.constant 2048 : index
    %get3A_6 = vector.load %arg1[%get3A_4, %get3A_5] : memref<64x4096xf32, #tpu.memory_space<vmem>>, vector<64x2048xf32>
    %transpose3A_7 = tpu.transpose %get3A_6, [1, 0] : vector<64x2048xf32> -> vector<2048x64xf32>
    %swap3A_8 = arith.constant 0 : index
    %swap3A_9 = arith.constant 64 : index
    %swap3A_10 = vector.load %arg2[%swap3A_8, %swap3A_9] : memref<2048x128xf32, #tpu.memory_space<vmem>>, vector<2048x64xf32>
    tpu.vector_store %arg2[%swap3A_8, %swap3A_9], %transpose3A_7 {strides = array<i32>} : memref<2048x128xf32, #tpu.memory_space<vmem>>, vector<2048x64xf32>,
    return
  }
  func.func @transform_0(%arg0: i32) -> (i32, i32) {
    %c0_i32 = arith.constant 0 : i32
    %c0_i32_0 = arith.constant 0 : i32
    return %c0_i32, %arg0 : i32, i32
  }
  func.func @transform_1(%arg0: i32) -> (i32, i32) {
    %c0_i32 = arith.constant 0 : i32
    %c0_i32_0 = arith.constant 0 : i32
    return %arg0, %c0_i32 : i32, i32
  }
}

</mosaic_0001>

<sc_bundles>
// kernel: kernel.4.cloned.1.call-start
scs
__scs_entry_jumppad:
0x0: {  	(pc) =	sbr.rel $0x88, $3  }
0x1: {  	(tag) =	ssettag $0x0;
	lr =	simm.s32 $0x1  }
0x2: {  	[smem:$0x3F9F] =	sst lr;
	_ =	strace $0xD0000000  }
0x3: {  	_ = 	snop  }
0x4: {  	_ = 	snop  }
0x5: {  	_ = 	snop  }
0x6: {  	_ = 	snop  }
0x7: {  	_ = 	snop  }
__scs_overlays_trampoline_lowered:
0x8: {  	[smem:$0x3FAE] =	sst s0  }
0x9: {  	[smem:$0x3FAF] =	sst s1  }
0xa: {  	[smem:$0x3FB0] =	sst s2  }
0xb: {  	[smem:$0x3FB1] =	sst s3  }
0xc: {  	[smem:$0x3FB2] =	sst s4  }
0xd: {  	[smem:$0x3FB3] =	sst s5  }
0xe: {  	[smem:$0x3FB4] =	sst s6  }
0xf: {  	[smem:$0x3FB5] =	sst s7  }
0x10: {  	[smem:$0x3FB6] =	sst s8  }
0x11: {  	[smem:$0x3FB7] =	sst s9;
	s0 =	simm.s32 @!p0 $0x0  }
0x12: {  	s1 =	sld [smem:$0x3F9D];
	s0 =	simm.s32 @p0 $0x1  }
0x13: {  	[smem:$0x3FB8] =	sst s0;
	s0 =	simm.s32 @!p1 $0x0  }
0x14: {  	s2 =	sld [smem:$0x3F9C];
	s0 =	simm.s32 @p1 $0x1  }
0x15: {  	[smem:$0x3FB9] =	sst s0;
	s0 =	simm.s32 @!p2 $0x0  }
0x16: {  	s3 =	sld [smem:$0x3FDB];
	s0 =	simm.s32 @p2 $0x1  }
0x17: {  	s4 =	simm.s32 $0x1BF5;
	[smem:$0x3FBB] =	sst s0  }
0x18: {  	s0 =	sld [smem:$0x3F9E];
	_ =	swait.ge [sflag:s4], $0x0  }
0x19: {  	s7 =	sld [smem:$0x3F9F]  }
0x1a: {  	s8 =	sadd.s32 $0xFFFFE003, lr  }
0x1b: {  	s9 =	sadd.s32 $0xFFFFFEF7, lr;
	s5 =	simm.s32 $0xFFFFFFFF;
	p2 =	slt.u32 s8, $0xFFFFF086  }
0x1c: {  	p1 =	slt.u32 s9, $0xF7A;
	s5 =	simm.s32 @!p2 $0x0  }
0x1d: {  	s5 =	simm.s32 @p1 $0x1;
	p0 =	seq.s32 s7, s2  }
0x1e: {  	s7 =	smul.u32 @!p0 $0xF7A, s2;
	p2 =	seq.s32 @!p0 s5, $0x0  }
0x1f: {  	s9 =	smul.u32 $0xF7A, s1;
	s8 =	simm.s32 @!p0 $0x1BF5;
	p2 =	por !p2, p0  }
0x20: {  	[sflag:s8] =	ssyncset.s32 @!p0 $0xFFFFF086;
	s6 =	sadd.s32 @!p0 s3, s7;
	s7 =	simm.s32 @!p0 $0x108  }
0x21: {  	s3 =	sadd.s32 s3, s9;
	s6 =	sadd.s32 @!p0 $0x88, s6;
	s7 =	simm.s32 @p2 $0x1082  }
0x22: {  	[simem:s7], [sflag:s8] =	dma.local @!p0 [hbm:s6], $0xF7A  }
0x23: {  	s9 =	sor.u32 $0xD0000000, s2;
	s6 =	simm.s32 $0x108;
	_ =	swait.ge @!p0 [sflag:s8], $0x0  }
0x24: {  	s3 =	sadd.s32 $0x88, s3;
	s6 =	simm.s32 @!p1 $0x1082;
	[sflag:s4] =	ssyncset.s32 $0xFFFFF086  }
0x25: {  	[simem:s6], [sflag:s4] =	dma.local [hbm:s3], $0xF7A  }
0x26: {  	[smem:$0x3F9F] =	sst s1;
	(tag) =	ssettag s2;
	_ =	strace s9  }
0x27: {  	s1 =	sld [smem:$0x3FAF]  }
0x28: {  	s2 =	sld [smem:$0x3FB0]  }
0x29: {  	s4 =	sld [smem:$0x3FB2]  }
0x2a: {  	p0 =	seq.s32 s5, $0x0;
	s5 =	sld [smem:$0x3FB3]  }
0x2b: {  	s6 =	sld [smem:$0x3FB4]  }
0x2c: {  	s7 =	sld [smem:$0x3FB5]  }
0x2d: {  	s3 =	simm.s32 $0x108;
	s8 =	sld [smem:$0x3FB6]  }
0x2e: {  	s3 =	simm.s32 @!p0 $0x1082;
	s9 =	sld [smem:$0x3FB7]  }
0x2f: {  	lr =	sadd.s32 s0, s3;
	s0 =	sld [smem:$0x3FAE]  }
0x30: {  	s3 =	sld [smem:$0x3FB1]  }
0x31: {  	[smem:$0x3FBA] =	sst s10  }
0x32: {  	s10 =	sld [smem:$0x3FB8];
	_ =	sdelay $0x3  }
0x33: {  	p0 =	seq.s32 s10, $0x1;
	s10 =	sld [smem:$0x3FBA];
	_ =	sdelay $0x3  }
0x34: {  	[smem:$0x3FBA] =	sst s10  }
0x35: {  	s10 =	sld [smem:$0x3FB9];
	_ =	sdelay $0x3  }
0x36: {  	p1 =	seq.s32 s10, $0x1;
	s10 =	sld [smem:$0x3FBA];
	_ =	sdelay $0x3  }
0x37: {  	[smem:$0x3FBA] =	sst s10  }
0x38: {  	s10 =	sld [smem:$0x3FBB]  }
0x39: {  	_ = 	snop;
	(pc) =	sbr.ind lr, $3  }
0x3a: {  	_ = 	snop  }
0x3b: {  	_ = 	snop  }
0x3c: {  	p2 =	seq.s32 s10, $0x1;
	s10 =	sld [smem:$0x3FBA]  }
0x3d: {  	_ =	shalt  }
0x3e: {  	_ =	shalt  }
0x3f: {  	_ =	shalt  }
0x40: {  	_ =	shalt  }
0x41: {  	_ =	shalt  }
0x42: {  	_ =	shalt  }
0x43: {  	_ =	shalt  }
0x44: {  	_ =	shalt  }
0x45: {  	_ =	shalt  }
0x46: {  	_ =	shalt  }
0x47: {  	_ =	shalt  }
0x48: {  	_ =	shalt  }
0x49: {  	_ =	shalt  }
0x4a: {  	_ =	shalt  }
0x4b: {  	_ =	shalt  }
0x4c: {  	_ =	shalt  }
0x4d: {  	_ =	shalt  }
0x4e: {  	_ =	shalt  }
0x4f: {  	_ =	shalt  }
0x50: {  	_ =	shalt  }
0x51: {  	_ =	shalt  }
0x52: {  	_ =	shalt  }
0x53: {  	_ =	shalt  }
0x54: {  	_ =	shalt  }
0x55: {  	_ =	shalt  }
0x56: {  	_ =	shalt  }
0x57: {  	_ =	shalt  }
0x58: {  	_ =	shalt  }
0x59: {  	_ =	shalt  }
0x5a: {  	_ =	shalt  }
0x5b: {  	_ =	shalt  }
0x5c: {  	_ =	shalt  }
0x5d: {  	_ =	shalt  }
0x5e: {  	_ =	shalt  }
0x5f: {  	_ =	shalt  }
0x60: {  	_ =	shalt  }
0x61: {  	_ =	shalt  }
0x62: {  	_ =	shalt  }
0x63: {  	_ =	shalt  }
0x64: {  	_ =	shalt  }
0x65: {  	_ =	shalt  }
0x66: {  	_ =	shalt  }
0x67: {  	_ =	shalt  }
0x68: {  	_ =	shalt  }
0x69: {  	_ =	shalt  }
0x6a: {  	_ =	shalt  }
0x6b: {  	_ =	shalt  }
0x6c: {  	_ =	shalt  }
0x6d: {  	_ =	shalt  }
0x6e: {  	_ =	shalt  }
0x6f: {  	_ =	shalt  }
0x70: {  	_ =	shalt  }
0x71: {  	_ =	shalt  }
0x72: {  	_ =	shalt  }
0x73: {  	_ =	shalt  }
0x74: {  	_ =	shalt  }
0x75: {  	_ =	shalt  }
0x76: {  	_ =	shalt  }
0x77: {  	_ =	shalt  }
0x78: {  	_ =	shalt  }
0x79: {  	_ =	shalt  }
0x7a: {  	_ =	shalt  }
0x7b: {  	_ =	shalt  }
0x7c: {  	_ =	shalt  }
0x7d: {  	_ =	shalt  }
0x7e: {  	_ =	shalt  }
0x7f: {  	_ =	shalt  }
0x80: {  	_ =	shalt  }
0x81: {  	_ =	shalt  }
0x82: {  	_ =	shalt  }
0x83: {  	_ =	shalt  }
0x84: {  	_ =	shalt  }
0x85: {  	_ =	shalt  }
0x86: {  	_ =	shalt  }
0x87: {  	_ =	shalt  }
.Lfunc_end0:
.L_simem_size_0:
called_computation_lowered:
.L_overlay_start_0:
0x88: {  	s2 =	sld [smem:$0x3FD9]  }
0x89: {  	s3 =	sld [smem:$0x3FFE];
	_ =	sdelay $0x1  }
0x8a: {  	s1 =	srdreg.scid  }
0x8b: {  	s0 =	sand.u32 $0x1, s1  }
0x8c: {  	s17 =	sshll.u32 s0, $0xA;
	s2 =	sadd.s32 s3, s2  }
0x8d: {  	s2 =	sadd.s32 s2, s17  }
0x8e: {  	[smem:$0x3FC6] =	sst s2  }
0x8f: {  	_ = 	snop  }
0x90: {  	s2 =	sld [smem:$0x3FC9]  }
0x91: {  	s18 =	sld [smem:$0x3FD0];
	(tm) =	ssettm $0x1  }
0x92: {  	s4 =	sld [smem:$0x3FFB];
	_ =	sdelay $0x3  }
0x93: {  	_ =	strace s4  }
0x94: {  	s4 =	sld [smem:$0x3FFC];
	_ =	sdelay $0x3  }
0x95: {  	_ =	strace s4  }
0x96: {  	s4 =	sld [smem:$0x3FFD];
	_ =	sdelay $0x3  }
0x97: {  	_ =	strace s4  }
0x98: {  	_ =	strace $0x8FFFFFFF  }
0x99: {  	s19 =	sld [smem:$0x3FDB];
	_ =	sdelay $0x1  }
0x9a: {  	s5 =	simm.s32 $_scs_section_size  }
0x9b: {  	s6 =	simm.s32 $_size__tile_overlayer_lowered;
	s7 =	simm.s32 $_tile_overlayer_lowered  }
0x9c: {  	s22 =	simm.s32 $0x1BFF;
	s21 =	sshll.u32 s7, $0x1;
	s4 =	sadd.s32 s5, s19  }
0x9d: {  	s8 =	simm.s32 $0x0;
	s20 =	sshll.u32 s6, $0x1;
	s6 =	sadd.s32 s21, s4  }
0x9e: {  	[timem:s8], [sflag:s22] =	dma.local [hbm:s6], s20  }
0x9f: {  	_ =	swait.ge [sflag:s22], s20  }
0xa0: {  	s5 =	ssub.s32 $0x0, s20;
	[sflag:s22] =	ssyncset.done $0x0  }
0xa1: {  	[sflag:s22] =	ssyncadd.s32 s5;
	_ =	sdelay $0x1  }
0xa2: {  	s23 =	simm.s32 $0x1B8B  }
0xa3: {  	_ =	swait.ge [sflag:s23], $0x1  }
0xa4: {  	[sflag:s23] =	ssyncset.done $0x0  }
0xa5: {  	s25 =	simm.s32 $0x1B8E;
	s24 =	sld [smem:$0x3FFE];
	[sflag:s23] =	ssyncadd.s32 $0xFFFFFFFF  }
0xa6: {  	s26 =	simm.s32 $execute0_lowered;
	[smem:$0x3FD2] =	sst s25  }
0xa7: {  	s6 =	sshll.u32 s26, $0x1;
	_ =	strace $0x80000046;
	[dreg:$0x1] =	wrdreg $0xFFFFFFFF  }
0xa8: {  	s28 =	simm.s32 $_size_execute0_lowered;
	s4 =	sadd.s32 s4, s6;
	[dreg:$0x0] =	wrdreg $0x0  }
0xa9: {  	s6 =	sshll.u32 s28, $0x1;
	[dreg:$0x2] =	wrdreg s4  }
0xaa: {  	[dreg:$0x3] =	wrdreg s6  }
0xab: {  	[dreg:$0x4] =	wrdreg $0xC0  }
0xac: {  	_ =	task [dreg:s8], $0x5FFFF  }
0xad: {  	[dreg:$0x1] =	wrdreg $0xFFFFFFFF  }
0xae: {  	[dreg:$0x0] =	wrdreg $0x60  }
0xaf: {  	[dreg:$0x2] =	wrdreg s2  }
0xb0: {  	[dreg:$0x3] =	wrdreg s24  }
0xb1: {  	[dreg:$0x4] =	wrdreg s18  }
0xb2: {  	[dreg:$0x5] =	wrdreg $0x9  }
0xb3: {  	_ =	task.clear_ibuf [dreg:s8], $0x6FFFF;
	_ =	strace $0x90000046  }
0xb4: {  	s29 =	simm.s32 $0x9;
	_ =	strace $0x80000048  }
0xb5: {  	_ =	swait.ge [sflag:s29], $0x1  }
0xb6: {  	[sflag:s29] =	ssyncadd.s32 $0xFFFFFFFF  }
0xb7: {  	_ =	strace $0x90000048  }
0xb8: {  	_ =	sfence  }
0xb9: {  	s30 =	sld [smem:$0x0];
	_ =	sdelay $0x2  }
0xba: {  	s31 =	sshll.u32 s1, $0xD;
	s1 =	sshrl.u32 s1, $0x2  }
0xbb: {  	s3 =	sand.u32 $0x4000, s31;
	s1 =	sadd.s32 s1, s30  }
0xbc: {  	s0 =	sor.u32 s3, s0;
	s1 =	sshll.u32 s1, $0x11  }
0xbd: {  	s0 =	sor.u32 s1, s0  }
0xbe: {  	s0 =	sadd.s32 $0x8F2B, s0  }
0xbf: {  	[sflag:s0] =	ssyncadd.remote.s32 $0x1  }
0xc0: {  	_ =	sfence.sel $0xFFFF  }
0xc1: {  	[dreg:$0x0] =	wrdreg $0xFFFFFFFF;
	(pc) =	sbr.abs _section_cstart, $3  }
0xc2: {  	[dreg:$0x1] =	wrdreg $0xFFFFFFFF  }
0xc3: {  	_ =	task.clear_ibuf [dreg:s8], $0x2FFFF;
	_ =	strace $0x9FFFFFFF  }
0xc4: {  	(tm) =	ssettm $0x7FFFFFFF  }
0xc5: {  	_ =	shalt  }
tec
execute0_lowered:
.L_overlay_start_1:
0x0: {  	(tag) =	ssettag $0x1  }
0x1: {  	s0 =	rddreg [dreg:$0x0]  }
0x2: {  	s1 =	rddreg [dreg:$0x1]  }
0x3: {  	s30 =	rddreg [dreg:$0x2]  }
0x4: {  	s3 =	simm.s32 $0x0;
	s2 =	srdreg.scid;
	s4 =	stileid.u32  }
0x5: {  	s9 =	simm.s32 $0x400;
	s31 =	simm.s32 $0x8000;
	s12 =	simm.s32 $0xC800  }
0x6: {  	s13 =	simm.s32 $0x10800;
	s14 =	simm.s32 $0x1;
	s2 =	sand.u32 $0x1, s2  }
0x7: {  	v0 =	vlaneseq.u32;
	s4 =	sshll.u32 s4, $0xB;
	s26 =	ssub.s32 $0x2, s2;
	s2 =	sshll.u32 s2, $0xA  }
0x8: {  	s16 =	simm.s32 $0x2;
	s17 =	simm.s32 $0x4;
	v0 =	vmul.u32 $0x80, v0;
	s4 =	sor.u32 s2, s4  }
0x9: {  	s21 =	simm.s32 $0x0;
	s6 =	sshrl.u32 s26, $0x1;
	s2 =	sshrl.u32 s4, $0x3  }
0xa: {  	[smem:$0x7FF] =	sst s3;
	v1 =	vor.u32 $0x800, v0;
	s28 =	ssub.s32 s26, s6;
	s0 =	sadd.s32 s0, s2  }
0xb: {  	_ =	strace $0x80000047;
	v2 =	vor.u32 $0x1000, v0;
	v3 =	vor.u32 $0x1800, v0;
	v4 =	vor.u32 $0x2000, v0;
	s29 =	smax.u32 s28, $0x1;
	[dreg:$0x4] =	wrdreg s0  }
0xc: {  	s5 =	sadd.s32 $0x400, s1;
	s1 =	simm.s32 $0x0;
	v5 =	vor.u32 $0x2800, v0;
	v6 =	vor.u32 $0x3000, v0;
	v7 =	vor.u32 $0x3800, v0;
	[dreg:$0x5] =	wrdreg s29  }
.LBB2_1:
0xd: {  	s0 =	simm.s32 $0x0;
	s29 =	rddreg [dreg:$0x4]  }
0xe: {  	[tilespmem:s0], [sflag:$0x5] =	stream.strided.gather [hbm4b:s29+s9], $0x6400, s31, s9, $0x38;
	[tilespmem:$0x18800] =	vst v63  }
0xf: {  	[dreg:$0x6] =	wrdreg s1;
	s31 =	simm.s32 $0x5  }
0x10: {  	_ =	swait.ge [sflag:s31], $0x6400  }
0x11: {  	[sflag:s31] =	ssyncset.done $0x0  }
0x12: {  	s0 =	simm.s32 $0x100;
	[sflag:s31] =	ssyncadd.s32 $0xFFFF9C00  }
0x13: {  	v8 =	vld [tilespmem:s0+$0xFFFFFF00]  }
0x14: {  	v9 =	vld [tilespmem:s0+$0x0]  }
0x15: {  	v10 =	vld [tilespmem:s0+$0x80]  }
0x16: {  	v12 =	vld [tilespmem:s0+$0xFFFFFF80];
	_ =	sdelay $0x1  }
0x17: {  	v11 =	vshrl.u32 v8, $0x5;
	v13 =	vshra.s32 v8, $0x1  }
0x18: {  	s2 =	simm.s32 $0x6500;
	v8 =	vand.u32 $0x7FF, v8;
	v14 =	vshrl.u32 v9, $0x5;
	v11 =	vand.u32 $0x40, v11  }
0x19: {  	v15 =	vshrl.u32 v10, $0x5;
	v16 =	vand.u32 $0x7FF, v10;
	v14 =	vand.u32 $0x40, v14;
	[tilespmem:s2+$0xFFFFFF00] =	vst v11  }
0x1a: {  	v10 =	vshra.s32 v10, $0x1;
	v17 =	vshrl.u32 v12, $0x5;
	v15 =	vand.u32 $0x40, v15;
	[tilespmem:s2+$0x0] =	vst v14;
	v11 =	vld [tilespmem:s0+$0xFFFFFF10]  }
0x1b: {  	v46 =	vshra.s32 v12, $0x1;
	v17 =	vand.u32 $0x40, v17;
	v13 =	vand.u32 $0xFFFFF800, v13;
	[tilespmem:s2+$0x80] =	vst v15;
	v18 =	vld [tilespmem:s0+$0x10]  }
0x1c: {  	v12 =	vand.u32 $0x7FF, v12;
	v10 =	vand.u32 $0xFFFFF800, v10;
	[tilespmem:s2+$0xFFFFFF80] =	vst v17;
	v8 =	vor.u32 v8, v13;
	v15 =	vld [tilespmem:s0+$0x90]  }
0x1d: {  	v14 =	vshra.s32 v9, $0x1;
	v17 =	vand.u32 $0xFFFFF800, v46;
	v10 =	vor.u32 v16, v10;
	[tilespmem:s0+$0xFFFFFF00] =	vst v8;
	v8 =	vld [tilespmem:s0+$0xFFFFFF90]  }
0x1e: {  	v9 =	vand.u32 $0x7FF, v9;
	v14 =	vand.u32 $0xFFFFF800, v14;
	v12 =	vor.u32 v12, v17;
	[tilespmem:s0+$0x80] =	vst v10  }
0x1f: {  	v9 =	vor.u32 v9, v14;
	[tilespmem:s0+$0xFFFFFF80] =	vst v12;
	v13 =	vshrl.u32 v11, $0x5  }
0x20: {  	[tilespmem:s0+$0x0] =	vst v9;
	v12 =	vshrl.u32 v18, $0x5;
	v13 =	vand.u32 $0x40, v13  }
0x21: {  	v9 =	vand.u32 $0x40, v12;
	v12 =	vshrl.u32 v15, $0x5;
	[tilespmem:s2+$0xFFFFFF10] =	vst v13  }
0x22: {  	v10 =	vshra.s32 v11, $0x1;
	v47 =	vshrl.u32 v8, $0x5;
	[tilespmem:s2+$0x10] =	vst v9;
	v9 =	vand.u32 $0x40, v12;
	v13 =	vld [tilespmem:s0+$0xFFFFFF20]  }
0x23: {  	v11 =	vand.u32 $0x7FF, v11;
	v10 =	vand.u32 $0xFFFFF800, v10;
	v12 =	vand.u32 $0x40, v47;
	[tilespmem:s2+$0x90] =	vst v9  }
0x24: {  	v10 =	vor.u32 v11, v10;
	[tilespmem:s2+$0xFFFFFF90] =	vst v12  }
0x25: {  	v14 =	vshra.s32 v18, $0x1;
	v9 =	vshra.s32 v8, $0x1;
	[tilespmem:s0+$0xFFFFFF10] =	vst v10;
	v10 =	vld [tilespmem:s0+$0xFFFFFFA0]  }
0x26: {  	v11 =	vand.u32 $0xFFFFF800, v14;
	v8 =	vand.u32 $0x7FF, v8;
	v9 =	vand.u32 $0xFFFFF800, v9  }
0x27: {  	v12 =	vld [tilespmem:s0+$0xA0];
	v8 =	vor.u32 v8, v9;
	v14 =	vshrl.u32 v13, $0x5;
	v48 =	vshra.s32 v13, $0x1  }
0x28: {  	v49 =	vld [tilespmem:s0+$0x20];
	[tilespmem:s0+$0xFFFFFF90] =	vst v8;
	v13 =	vand.u32 $0x7FF, v13;
	v14 =	vand.u32 $0x40, v14;
	v16 =	vand.u32 $0xFFFFF800, v48  }
0x29: {  	v18 =	vand.u32 $0x7FF, v18;
	[tilespmem:s2+$0xFFFFFF20] =	vst v14;
	v13 =	vor.u32 v13, v16  }
0x2a: {  	v11 =	vor.u32 v18, v11;
	v8 =	vshrl.u32 v10, $0x5;
	v14 =	vshra.s32 v15, $0x1;
	[tilespmem:s0+$0xFFFFFF20] =	vst v13;
	v13 =	vld [tilespmem:s0+$0xFFFFFF30]  }
0x2b: {  	[tilespmem:s0+$0x10] =	vst v11;
	v15 =	vand.u32 $0x7FF, v15;
	v8 =	vand.u32 $0x40, v8;
	v14 =	vand.u32 $0xFFFFF800, v14  }
0x2c: {  	v9 =	vshrl.u32 v12, $0x5;
	[tilespmem:s2+$0xFFFFFFA0] =	vst v8;
	v11 =	vor.u32 v15, v14  }
0x2d: {  	v9 =	vand.u32 $0x40, v9;
	v14 =	vshra.s32 v49, $0x1;
	[tilespmem:s0+$0x90] =	vst v11;
	v11 =	vshrl.u32 v49, $0x5  }
0x2e: {  	v8 =	vand.u32 $0xFFFFF800, v14;
	[tilespmem:s2+$0xA0] =	vst v9;
	v9 =	vand.u32 $0x40, v11;
	v11 =	vand.u32 $0x7FF, v49  }
0x2f: {  	[tilespmem:s2+$0x20] =	vst v9;
	v8 =	vor.u32 v11, v8;
	v14 =	vld [tilespmem:s0+$0xB0];
	v9 =	vshrl.u32 v13, $0x5;
	v11 =	vshra.s32 v13, $0x1  }
0x30: {  	v13 =	vand.u32 $0x7FF, v13;
	[tilespmem:s0+$0x20] =	vst v8;
	v8 =	vand.u32 $0x40, v9;
	v9 =	vand.u32 $0xFFFFF800, v11;
	v11 =	vld [tilespmem:s0+$0xFFFFFFB0]  }
0x31: {  	[tilespmem:s2+$0xFFFFFF30] =	vst v8;
	v8 =	vor.u32 v13, v9;
	v9 =	vshra.s32 v10, $0x1;
	v13 =	vld [tilespmem:s0+$0x30]  }
0x32: {  	[tilespmem:s0+$0xFFFFFF30] =	vst v8;
	v8 =	vand.u32 $0x7FF, v10;
	v10 =	vshra.s32 v12, $0x1;
	v9 =	vand.u32 $0xFFFFF800, v9;
	v15 =	vld [tilespmem:s0+$0xFFFFFF40]  }
0x33: {  	v12 =	vand.u32 $0x7FF, v12;
	v8 =	vor.u32 v8, v9;
	v9 =	vand.u32 $0xFFFFF800, v10  }
0x34: {  	v10 =	vshra.s32 v14, $0x1;
	[tilespmem:s0+$0xFFFFFFA0] =	vst v8;
	v8 =	vor.u32 v12, v9;
	v9 =	vshrl.u32 v14, $0x5  }
0x35: {  	v12 =	vand.u32 $0x7FF, v14;
	v14 =	vshrl.u32 v11, $0x5;
	[tilespmem:s0+$0xA0] =	vst v8;
	v8 =	vand.u32 $0x40, v9  }
0x36: {  	v9 =	vshra.s32 v11, $0x1;
	v14 =	vand.u32 $0x40, v14;
	v50 =	vshrl.u32 v13, $0x5;
	[tilespmem:s2+$0xB0] =	vst v8  }
0x37: {  	v8 =	vand.u32 $0xFFFFF800, v10;
	[tilespmem:s2+$0xFFFFFFB0] =	vst v14;
	v10 =	vand.u32 $0x40, v50;
	v14 =	vld [tilespmem:s0+$0xC0];
	v51 =	vshrl.u32 v15, $0x5  }
0x38: {  	v11 =	vand.u32 $0x7FF, v11;
	v8 =	vor.u32 v12, v8;
	v12 =	vld [tilespmem:s0+$0xFFFFFFC0];
	[tilespmem:s2+$0x30] =	vst v10;
	v10 =	vand.u32 $0x40, v51  }
0x39: {  	v9 =	vand.u32 $0xFFFFF800, v9;
	v52 =	vshra.s32 v13, $0x1;
	v13 =	vand.u32 $0x7FF, v13;
	v53 =	vld [tilespmem:s0+$0x40];
	[tilespmem:s2+$0xFFFFFF40] =	vst v10  }
0x3a: {  	v9 =	vor.u32 v11, v9;
	[tilespmem:s0+$0xB0] =	vst v8;
	v8 =	vshra.s32 v15, $0x1;
	v10 =	vand.u32 $0xFFFFF800, v52;
	v11 =	vld [tilespmem:s0+$0xFFFFFF50]  }
0x3b: {  	[tilespmem:s0+$0xFFFFFFB0] =	vst v9;
	v8 =	vand.u32 $0xFFFFF800, v8;
	v9 =	vor.u32 v13, v10;
	v10 =	vand.u32 $0x7FF, v15  }
0x3c: {  	v8 =	vor.u32 v10, v8;
	[tilespmem:s0+$0x30] =	vst v9;
	v9 =	vshrl.u32 v14, $0x5;
	v10 =	vshra.s32 v14, $0x1  }
0x3d: {  	[tilespmem:s0+$0xFFFFFF40] =	vst v8;
	v8 =	vshrl.u32 v12, $0x5;
	v13 =	vshra.s32 v12, $0x1;
	v9 =	vand.u32 $0x40, v9  }
0x3e: {  	v12 =	vand.u32 $0x7FF, v12;
	v8 =	vand.u32 $0x40, v8;
	v15 =	vshrl.u32 v53, $0x5;
	[tilespmem:s2+$0xC0] =	vst v9  }
0x3f: {  	v13 =	vand.u32 $0xFFFFF800, v13;
	[tilespmem:s2+$0xFFFFFFC0] =	vst v8;
	v8 =	vand.u32 $0x40, v15;
	v9 =	vld [tilespmem:s0+$0xD0];
	v15 =	vshrl.u32 v11, $0x5  }
0x40: {  	v56 =	vshra.s32 v53, $0x1;
	v54 =	vshra.s32 v11, $0x1;
	v55 =	vld [tilespmem:s0+$0xFFFFFFD0];
	[tilespmem:s2+$0x40] =	vst v8;
	v8 =	vand.u32 $0x40, v15  }
0x41: {  	v11 =	vand.u32 $0x7FF, v11;
	v12 =	vor.u32 v12, v13;
	v15 =	vand.u32 $0xFFFFF800, v54;
	[tilespmem:s2+$0xFFFFFF50] =	vst v8;
	v8 =	vld [tilespmem:s0+$0x50]  }
0x42: {  	v13 =	vand.u32 $0xFFFFF800, v56;
	[tilespmem:s0+$0xFFFFFFC0] =	vst v12;
	v11 =	vor.u32 v11, v15;
	v15 =	vand.u32 $0x7FF, v53  }
0x43: {  	v10 =	vand.u32 $0xFFFFF800, v10;
	v12 =	vand.u32 $0x7FF, v14;
	[tilespmem:s0+$0xFFFFFF50] =	vst v11;
	v11 =	vor.u32 v15, v13;
	v13 =	vld [tilespmem:s0+$0xFFFFFF60]  }
0x44: {  	v10 =	vor.u32 v12, v10;
	[tilespmem:s0+$0x40] =	vst v11;
	v11 =	vshrl.u32 v9, $0x5;
	v12 =	vshra.s32 v9, $0x1  }
0x45: {  	[tilespmem:s0+$0xC0] =	vst v10;
	v14 =	vshrl.u32 v55, $0x5;
	v15 =	vshra.s32 v55, $0x1;
	v10 =	vand.u32 $0x40, v11  }
0x46: {  	v11 =	vand.u32 $0x40, v14;
	v14 =	vand.u32 $0xFFFFF800, v15;
	v15 =	vshrl.u32 v8, $0x5;
	[tilespmem:s2+$0xD0] =	vst v10  }
0x47: {  	v10 =	vand.u32 $0x7FF, v55;
	[tilespmem:s2+$0xFFFFFFD0] =	vst v11;
	v11 =	vand.u32 $0x40, v15;
	v15 =	vshra.s32 v8, $0x1;
	v57 =	vld [tilespmem:s0+$0xE0]  }
0x48: {  	v10 =	vor.u32 v10, v14;
	v58 =	vshra.s32 v13, $0x1;
	v14 =	vld [tilespmem:s0+$0xFFFFFFE0];
	[tilespmem:s2+$0x50] =	vst v11;
	v11 =	vshrl.u32 v13, $0x5  }
0x49: {  	v8 =	vand.u32 $0x7FF, v8;
	[tilespmem:s0+$0xFFFFFFD0] =	vst v10;
	v15 =	vand.u32 $0xFFFFF800, v15;
	v10 =	vld [tilespmem:s0+$0x60];
	v11 =	vand.u32 $0x40, v11  }
0x4a: {  	v17 =	vand.u32 $0xFFFFF800, v58;
	v13 =	vand.u32 $0x7FF, v13;
	v8 =	vor.u32 v8, v15;
	[tilespmem:s2+$0xFFFFFF60] =	vst v11  }
0x4b: {  	v9 =	vand.u32 $0x7FF, v9;
	v12 =	vand.u32 $0xFFFFF800, v12;
	v11 =	vor.u32 v13, v17;
	[tilespmem:s0+$0x50] =	vst v8  }
0x4c: {  	v8 =	vor.u32 v9, v12;
	[tilespmem:s0+$0xFFFFFF60] =	vst v11;
	v11 =	vld [tilespmem:s0+$0xFFFFFF70];
	v9 =	vshrl.u32 v57, $0x5  }
0x4d: {  	[tilespmem:s0+$0xD0] =	vst v8;
	v12 =	vshra.s32 v57, $0x1;
	v13 =	vshrl.u32 v14, $0x5;
	v8 =	vand.u32 $0x40, v9  }
0x4e: {  	v15 =	vand.u32 $0x7FF, v57;
	v9 =	vand.u32 $0x40, v13;
	v13 =	vshrl.u32 v10, $0x5;
	[tilespmem:s2+$0xE0] =	vst v8  }
0x4f: {  	v12 =	vand.u32 $0xFFFFF800, v12;
	v8 =	vshra.s32 v14, $0x1;
	[tilespmem:s2+$0xFFFFFFE0] =	vst v9;
	v13 =	vand.u32 $0x40, v13;
	v59 =	vld [tilespmem:s0+$0xF0]  }
0x50: {  	v14 =	vand.u32 $0x7FF, v14;
	v12 =	vor.u32 v15, v12;
	v60 =	vand.u32 $0xFFFFF800, v8;
	v9 =	vld [tilespmem:s0+$0xFFFFFFF0];
	[tilespmem:s2+$0x60] =	vst v13  }
0x51: {  	[tilespmem:s0+$0xE0] =	vst v12;
	v12 =	vand.u32 $0x7FF, v10;
	v13 =	vshra.s32 v10, $0x1;
	v15 =	vshrl.u32 v11, $0x5;
	v8 =	vld [tilespmem:s0+$0x70]  }
0x52: {  	v61 =	vshra.s32 v11, $0x1;
	v14 =	vor.u32 v14, v60;
	v63 =	vand.u32 $0x7FF, v11  }
0x53: {  	v15 =	vand.u32 $0x40, v15;
	v62 =	vand.u32 $0xFFFFF800, v61;
	[tilespmem:s0+$0xFFFFFFE0] =	vst v14;
	v11 =	vand.u32 $0xFFFFF800, v13  }
0x54: {  	[tilespmem:s2+$0xFFFFFF70] =	vst v15;
	v10 =	vor.u32 v63, v62;
	v13 =	vshrl.u32 v59, $0x5;
	v14 =	vshra.s32 v59, $0x1  }
0x55: {  	[tilespmem:s0+$0xFFFFFF70] =	vst v10;
	v16 =	vand.u32 $0x7FF, v59;
	v15 =	vand.u32 $0x40, v13;
	v14 =	vand.u32 $0xFFFFF800, v14  }
0x56: {  	s3 =	simm.s32 $0x0;
	s6 =	simm.s32 $0x300;
	s1 =	simm.s32 $0x6500;
	v10 =	vand.u32 $0x7FF, v9;
	v13 =	vshra.s32 v8, $0x1;
	[tilespmem:s2+$0xF0] =	vst v15;
	v14 =	vor.u32 v16, v14  }
.LBB2_2:
0x57: {  	v15 =	vld [tilespmem:s6+$0xFFFFFF00];
	s3 =	sadd.s32 $0x4, s3;
	v16 =	vshrl.u32 v9, $0x5;
	v9 =	vshra.s32 v9, $0x1;
	v13 =	vand.u32 $0xFFFFF800, v13;
	s2 =	sadd.s32 $0x200, s2  }
0x58: {  	v11 =	vor.u32 v12, v11;
	v12 =	vshrl.u32 v8, $0x5;
	v17 =	vld [tilespmem:s6+$0x80];
	p0 =	slt.u32 s3, $0xC4;
	v16 =	vand.u32 $0x40, v16;
	[tilespmem:s0+$0xF0] =	vst v14  }
0x59: {  	v8 =	vand.u32 $0x7FF, v8;
	v9 =	vand.u32 $0xFFFFF800, v9;
	v14 =	vld [tilespmem:s6+$0x0];
	[tilespmem:s0+$0x60] =	vst v11;
	v11 =	vand.u32 $0x40, v12  }
0x5a: {  	v8 =	vor.u32 v8, v13;
	v9 =	vor.u32 v10, v9;
	v12 =	vld [tilespmem:s6+$0xFFFFFF80];
	[tilespmem:s1+$0xFFFFFFF0] =	vst v16  }
0x5b: {  	[tilespmem:s1+$0x70] =	vst v11;
	s1 =	smov.u32 s2  }
0x5c: {  	v10 =	vshrl.u32 v15, $0x5;
	v11 =	vshra.s32 v15, $0x1;
	v13 =	vand.u32 $0x7FF, v15;
	[tilespmem:s0+$0x70] =	vst v8  }
0x5d: {  	v8 =	vand.u32 $0x40, v10;
	v10 =	vshrl.u32 v17, $0x5;
	v15 =	vand.u32 $0x7FF, v17;
	[tilespmem:s0+$0xFFFFFFF0] =	vst v9;
	s0 =	smov.u32 s6  }
0x5e: {  	[tilespmem:s2+$0xFFFFFF00] =	vst v8;
	v8 =	vshrl.u32 v14, $0x5;
	v9 =	vand.u32 $0x40, v10;
	v10 =	vshra.s32 v17, $0x1  }
0x5f: {  	v18 =	vshra.s32 v14, $0x1;
	v16 =	vld [tilespmem:s6+$0xFFFFFF10];
	v17 =	vshrl.u32 v12, $0x5;
	v8 =	vand.u32 $0x40, v8  }
0x60: {  	v14 =	vand.u32 $0x7FF, v14;
	v17 =	vand.u32 $0x40, v17;
	[tilespmem:s2+$0x0] =	vst v8;
	v8 =	vand.u32 $0xFFFFF800, v18  }
0x61: {  	v18 =	vshra.s32 v12, $0x1;
	v8 =	vor.u32 v14, v8;
	v14 =	vld [tilespmem:s6+$0x10];
	[tilespmem:s2+$0x80] =	vst v9;
	v9 =	vand.u32 $0xFFFFF800, v10  }
0x62: {  	v12 =	vand.u32 $0x7FF, v12;
	v10 =	vand.u32 $0xFFFFF800, v18;
	[tilespmem:s2+$0xFFFFFF80] =	vst v17;
	v9 =	vor.u32 v15, v9;
	v15 =	vld [tilespmem:s6+$0x90]  }
0x63: {  	v11 =	vand.u32 $0xFFFFF800, v11;
	v10 =	vor.u32 v12, v10;
	v12 =	vld [tilespmem:s6+$0xFFFFFF90];
	[tilespmem:s6+$0x80] =	vst v9  }
0x64: {  	v9 =	vor.u32 v13, v11;
	v11 =	vshrl.u32 v16, $0x5;
	v13 =	vshra.s32 v16, $0x1;
	[tilespmem:s6+$0xFFFFFF80] =	vst v10  }
0x65: {  	[tilespmem:s6+$0xFFFFFF00] =	vst v9;
	v9 =	vand.u32 $0x40, v11;
	v10 =	vand.u32 $0xFFFFF800, v13;
	v11 =	vand.u32 $0x7FF, v16  }
0x66: {  	[tilespmem:s2+$0xFFFFFF10] =	vst v9;
	v9 =	vor.u32 v11, v10;
	v10 =	vshrl.u32 v14, $0x5;
	v11 =	vshra.s32 v14, $0x1  }
0x67: {  	v13 =	vld [tilespmem:s6+$0xFFFFFF20];
	[tilespmem:s6+$0x0] =	vst v8;
	v8 =	vand.u32 $0x40, v10;
	v10 =	vand.u32 $0xFFFFF800, v11;
	v11 =	vshrl.u32 v15, $0x5  }
0x68: {  	v16 =	vshrl.u32 v12, $0x5;
	v17 =	vshra.s32 v12, $0x1;
	[tilespmem:s2+$0x10] =	vst v8;
	v8 =	vand.u32 $0x40, v11  }
0x69: {  	v11 =	vand.u32 $0x40, v16;
	v16 =	vand.u32 $0xFFFFF800, v17;
	v17 =	vld [tilespmem:s6+$0x20];
	[tilespmem:s2+$0x90] =	vst v8;
	v8 =	vshra.s32 v15, $0x1  }
0x6a: {  	[tilespmem:s2+$0xFFFFFF90] =	vst v11;
	v11 =	vand.u32 $0x7FF, v12;
	v12 =	vand.u32 $0x7FF, v14;
	v8 =	vand.u32 $0xFFFFF800, v8;
	v14 =	vld [tilespmem:s6+$0xA0]  }
0x6b: {  	[tilespmem:s6+$0xFFFFFF10] =	vst v9;
	v9 =	vor.u32 v11, v16;
	v11 =	vld [tilespmem:s6+$0xFFFFFFA0];
	v10 =	vor.u32 v12, v10;
	v12 =	vand.u32 $0x7FF, v15  }
0x6c: {  	v15 =	vshrl.u32 v13, $0x5;
	v16 =	vshra.s32 v13, $0x1;
	[tilespmem:s6+$0x10] =	vst v10;
	v8 =	vor.u32 v12, v8  }
0x6d: {  	v13 =	vand.u32 $0x7FF, v13;
	v10 =	vand.u32 $0x40, v15;
	v12 =	vand.u32 $0xFFFFF800, v16;
	[tilespmem:s6+$0x90] =	vst v8  }
0x6e: {  	[tilespmem:s2+$0xFFFFFF20] =	vst v10;
	v8 =	vor.u32 v13, v12;
	v10 =	vshrl.u32 v17, $0x5;
	v12 =	vshra.s32 v17, $0x1  }
0x6f: {  	[tilespmem:s6+$0xFFFFFF20] =	vst v8;
	v8 =	vld [tilespmem:s6+$0xFFFFFF30];
	v10 =	vand.u32 $0x40, v10;
	v13 =	vshrl.u32 v14, $0x5;
	v15 =	vand.u32 $0x7FF, v14  }
0x70: {  	[tilespmem:s6+$0xFFFFFF90] =	vst v9;
	v9 =	vshrl.u32 v11, $0x5;
	v16 =	vand.u32 $0x7FF, v11;
	v13 =	vand.u32 $0x40, v13  }
0x71: {  	v11 =	vshra.s32 v11, $0x1;
	v9 =	vand.u32 $0x40, v9;
	[tilespmem:s2+$0xA0] =	vst v13;
	v13 =	vshra.s32 v14, $0x1  }
0x72: {  	[tilespmem:s2+$0xFFFFFFA0] =	vst v9;
	v9 =	vand.u32 $0xFFFFF800, v11;
	v11 =	vand.u32 $0xFFFFF800, v12;
	v12 =	vand.u32 $0x7FF, v17;
	v14 =	vld [tilespmem:s6+$0xB0]  }
0x73: {  	v9 =	vor.u32 v16, v9;
	v16 =	vld [tilespmem:s6+$0xFFFFFFB0];
	[tilespmem:s2+$0x20] =	vst v10;
	v10 =	vor.u32 v12, v11;
	v11 =	vand.u32 $0xFFFFF800, v13  }
0x74: {  	v12 =	vshrl.u32 v8, $0x5;
	v13 =	vshra.s32 v8, $0x1;
	v8 =	vand.u32 $0x7FF, v8;
	[tilespmem:s6+$0x20] =	vst v10;
	v10 =	vld [tilespmem:s6+$0x30]  }
0x75: {  	v12 =	vand.u32 $0x40, v12;
	v13 =	vand.u32 $0xFFFFF800, v13;
	[tilespmem:s6+$0xFFFFFFA0] =	vst v9;
	v9 =	vor.u32 v15, v11  }
0x76: {  	[tilespmem:s2+$0xFFFFFF30] =	vst v12;
	v8 =	vor.u32 v8, v13  }
0x77: {  	[tilespmem:s6+$0xFFFFFF30] =	vst v8;
	v8 =	vld [tilespmem:s6+$0xFFFFFF40];
	v11 =	vshrl.u32 v14, $0x5;
	v12 =	vshra.s32 v14, $0x1;
	v13 =	vand.u32 $0x7FF, v14  }
0x78: {  	v14 =	vshrl.u32 v16, $0x5;
	v15 =	vshra.s32 v16, $0x1;
	[tilespmem:s6+$0xA0] =	vst v9;
	v9 =	vand.u32 $0x40, v11  }
0x79: {  	v11 =	vand.u32 $0x40, v14;
	v14 =	vshrl.u32 v10, $0x5;
	[tilespmem:s2+$0xB0] =	vst v9;
	v9 =	vand.u32 $0xFFFFF800, v12  }
0x7a: {  	[tilespmem:s2+$0xFFFFFFB0] =	vst v11;
	v11 =	vand.u32 $0xFFFFF800, v15;
	v12 =	vand.u32 $0x40, v14;
	v9 =	vor.u32 v13, v9;
	v13 =	vld [tilespmem:s6+$0xC0]  }
0x7b: {  	v14 =	vand.u32 $0x7FF, v16;
	v15 =	vld [tilespmem:s6+$0xFFFFFFC0];
	[tilespmem:s2+$0x30] =	vst v12;
	v12 =	vshra.s32 v10, $0x1;
	v10 =	vand.u32 $0x7FF, v10  }
0x7c: {  	v11 =	vor.u32 v14, v11;
	v16 =	vshrl.u32 v8, $0x5;
	v12 =	vand.u32 $0xFFFFF800, v12;
	v14 =	vld [tilespmem:s6+$0x40];
	[tilespmem:s6+$0xB0] =	vst v9  }
0x7d: {  	v9 =	vand.u32 $0x40, v16;
	v16 =	vshra.s32 v8, $0x1;
	[tilespmem:s6+$0xFFFFFFB0] =	vst v11;
	v10 =	vor.u32 v10, v12  }
0x7e: {  	v8 =	vand.u32 $0x7FF, v8;
	[tilespmem:s2+$0xFFFFFF40] =	vst v9;
	v9 =	vand.u32 $0xFFFFF800, v16  }
0x7f: {  	v8 =	vor.u32 v8, v9;
	v9 =	vld [tilespmem:s6+$0xFFFFFF50];
	[tilespmem:s6+$0x30] =	vst v10;
	v10 =	vshrl.u32 v13, $0x5;
	v11 =	vshra.s32 v13, $0x1  }
0x80: {  	[tilespmem:s6+$0xFFFFFF40] =	vst v8;
	v8 =	vshrl.u32 v15, $0x5;
	v12 =	vshra.s32 v15, $0x1;
	v10 =	vand.u32 $0x40, v10  }
0x81: {  	v8 =	vand.u32 $0x40, v8;
	v12 =	vand.u32 $0xFFFFF800, v12;
	v16 =	vshrl.u32 v14, $0x5;
	[tilespmem:s2+$0xC0] =	vst v10  }
0x82: {  	[tilespmem:s2+$0xFFFFFFC0] =	vst v8;
	v8 =	vand.u32 $0x7FF, v15;
	v10 =	vand.u32 $0x40, v16;
	v15 =	vshra.s32 v14, $0x1;
	v16 =	vld [tilespmem:s6+$0xD0]  }
0x83: {  	v14 =	vand.u32 $0x7FF, v14;
	v8 =	vor.u32 v8, v12;
	v12 =	vld [tilespmem:s6+$0xFFFFFFD0];
	[tilespmem:s2+$0x40] =	vst v10;
	v10 =	vand.u32 $0xFFFFF800, v15  }
0x84: {  	v15 =	vshrl.u32 v9, $0x5;
	v17 =	vshra.s32 v9, $0x1;
	[tilespmem:s6+$0xFFFFFFC0] =	vst v8;
	v8 =	vor.u32 v14, v10;
	v10 =	vld [tilespmem:s6+$0x50]  }
0x85: {  	v9 =	vand.u32 $0x7FF, v9;
	v14 =	vand.u32 $0x40, v15;
	v15 =	vand.u32 $0xFFFFF800, v17;
	[tilespmem:s6+$0x40] =	vst v8  }
0x86: {  	[tilespmem:s2+$0xFFFFFF50] =	vst v14;
	v8 =	vor.u32 v9, v15;
	v9 =	vand.u32 $0xFFFFF800, v11;
	v11 =	vand.u32 $0x7FF, v13  }
0x87: {  	[tilespmem:s6+$0xFFFFFF50] =	vst v8;
	v8 =	vld [tilespmem:s6+$0xFFFFFF60];
	v9 =	vor.u32 v11, v9;
	v11 =	vshrl.u32 v16, $0x5;
	v13 =	vshra.s32 v16, $0x1  }
0x88: {  	v14 =	vshrl.u32 v12, $0x5;
	v15 =	vshra.s32 v12, $0x1;
	[tilespmem:s6+$0xC0] =	vst v9;
	v9 =	vand.u32 $0x40, v11  }
0x89: {  	v11 =	vand.u32 $0x40, v14;
	v14 =	vand.u32 $0xFFFFF800, v15;
	v15 =	vshrl.u32 v10, $0x5;
	[tilespmem:s2+$0xD0] =	vst v9  }
0x8a: {  	v9 =	vand.u32 $0x7FF, v12;
	v12 =	vshra.s32 v10, $0x1;
	[tilespmem:s2+$0xFFFFFFD0] =	vst v11;
	v11 =	vand.u32 $0x40, v15;
	v15 =	vld [tilespmem:s6+$0xE0]  }
0x8b: {  	v10 =	vand.u32 $0x7FF, v10;
	v9 =	vor.u32 v9, v14;
	v14 =	vld [tilespmem:s6+$0xFFFFFFE0];
	[tilespmem:s2+$0x50] =	vst v11;
	v11 =	vand.u32 $0xFFFFF800, v12  }
0x8c: {  	v12 =	vshrl.u32 v8, $0x5;
	v17 =	vshra.s32 v8, $0x1;
	[tilespmem:s6+$0xFFFFFFD0] =	vst v9;
	v9 =	vor.u32 v10, v11;
	v10 =	vld [tilespmem:s6+$0x60]  }
0x8d: {  	v8 =	vand.u32 $0x7FF, v8;
	v11 =	vand.u32 $0x40, v12;
	v12 =	vand.u32 $0xFFFFF800, v17;
	[tilespmem:s6+$0x50] =	vst v9  }
0x8e: {  	v9 =	vand.u32 $0xFFFFF800, v13;
	[tilespmem:s2+$0xFFFFFF60] =	vst v11;
	v8 =	vor.u32 v8, v12;
	v11 =	vand.u32 $0x7FF, v16  }
0x8f: {  	[tilespmem:s6+$0xFFFFFF60] =	vst v8;
	v12 =	vld [tilespmem:s6+$0xFFFFFF70];
	v8 =	vor.u32 v11, v9;
	v9 =	vshrl.u32 v15, $0x5;
	v11 =	vshra.s32 v15, $0x1  }
0x90: {  	v15 =	vand.u32 $0x7FF, v15;
	v13 =	vshrl.u32 v14, $0x5;
	[tilespmem:s6+$0xD0] =	vst v8;
	v8 =	vand.u32 $0x40, v9  }
0x91: {  	v9 =	vand.u32 $0x40, v13;
	v13 =	vshra.s32 v14, $0x1;
	v16 =	vshrl.u32 v10, $0x5;
	[tilespmem:s2+$0xE0] =	vst v8  }
0x92: {  	v11 =	vand.u32 $0xFFFFF800, v11;
	v8 =	vand.u32 $0x7FF, v14;
	[tilespmem:s2+$0xFFFFFFE0] =	vst v9;
	v14 =	vand.u32 $0x40, v16;
	v16 =	vld [tilespmem:s6+$0xF0]  }
0x93: {  	v11 =	vor.u32 v15, v11;
	v13 =	vand.u32 $0xFFFFF800, v13;
	v9 =	vld [tilespmem:s6+$0xFFFFFFF0];
	[tilespmem:s2+$0x60] =	vst v14;
	v14 =	vshra.s32 v10, $0x1  }
0x94: {  	v13 =	vor.u32 v8, v13;
	v15 =	vshrl.u32 v12, $0x5;
	v17 =	vshra.s32 v12, $0x1;
	v8 =	vld [tilespmem:s6+$0x70];
	[tilespmem:s6+$0xE0] =	vst v11  }
.Ltmp0:
0x95: {  	v11 =	vand.u32 $0x40, v15;
	v15 =	vand.u32 $0xFFFFF800, v17;
	v17 =	vand.u32 $0x7FF, v12;
	[tilespmem:s6+$0xFFFFFFE0] =	vst v13;
	(pc) =	sbr.rel @p0 .LBB2_2-.Ltmp0, $4  }
0x96: {  	v12 =	vand.u32 $0x7FF, v10;
	[tilespmem:s2+$0xFFFFFF70] =	vst v11;
	v11 =	vand.u32 $0xFFFFF800, v14  }
0x97: {  	v10 =	vor.u32 v17, v15;
	v13 =	vshrl.u32 v16, $0x5;
	v14 =	vshra.s32 v16, $0x1  }
0x98: {  	v16 =	vand.u32 $0x7FF, v16;
	[tilespmem:s6+$0xFFFFFF70] =	vst v10;
	v15 =	vand.u32 $0x40, v13;
	v14 =	vand.u32 $0xFFFFF800, v14  }
0x99: {  	v10 =	vand.u32 $0x7FF, v9;
	s6 =	sadd.s32 $0x200, s6;
	v13 =	vshra.s32 v8, $0x1;
	[tilespmem:s2+$0xF0] =	vst v15;
	v14 =	vor.u32 v16, v14  }
0x9a: {  	v15 =	vshrl.u32 v9, $0x5;
	v11 =	vor.u32 v12, v11;
	[tilespmem:s0+$0xF0] =	vst v14  }
0x9b: {  	v59 =	vshra.s32 v9, $0x1;
	v61 =	vshrl.u32 v8, $0x5;
	v60 =	vand.u32 $0x40, v15;
	[tilespmem:s0+$0x60] =	vst v11  }
0x9c: {  	v62 =	vand.u32 $0xFFFFF800, v13;
	v8 =	vand.u32 $0x7FF, v8;
	v63 =	vand.u32 $0x40, v61;
	[tilespmem:s1+$0xFFFFFFF0] =	vst v60  }
0x9d: {  	v9 =	vand.u32 $0xFFFFF800, v59;
	v8 =	vor.u32 v8, v62;
	[tilespmem:s1+$0x70] =	vst v63  }
0x9e: {  	v9 =	vor.u32 v10, v9;
	[tilespmem:s0+$0x70] =	vst v8  }
0x9f: {  	s31 =	simm.s32 $0x80;
	s22 =	simm.s32 $0x0;
	[tilespmem:s0+$0xFFFFFFF0] =	vst v9  }
0xa0: {  	[tilespmem:s12], [sflag:$0x1] =	stream.indirect.gather [hbm4b:s5+s31], $0x80, s21, s31, $0xb8;
	[tilespmem:$0x18800] =	vst v63  }
.LBB2_4:
0xa1: {  	s23 =	sshllo.u32 s22, $0x1  }
0xa2: {  	s0 =	sshll.u32 s23, $0x9  }
0xa3: {  	s26 =	simm.s32 $0x80;
	s24 =	sshrl.u32 s0, $0x2  }
0xa4: {  	[tilespmem:s13], [sflag:$0x2] =	stream.indirect.gather [hbm4b:s5+s26], $0x80, s24, s26, $0xb8;
	[tilespmem:$0x18800] =	vst v63  }
0xa5: {  	_ =	swait.ge [sflag:s14], $0x4000  }
0xa6: {  	p0 =	seq.s32 s22, $0x0;
	[sflag:s14] =	ssyncset.done $0x0  }
0xa7: {  	s0 =	simm.s32 @!p0 $0x3;
	[sflag:s14] =	ssyncadd.s32 $0xFFFFC000  }
0xa8: {  	_ =	swait.ge @!p0 [sflag:s0], $0x2000  }
0xa9: {  	s1 =	sshll.u32 s22, $0xA;
	[sflag:s0] =	ssyncset.done @!p0 $0x0  }
0xaa: {  	s25 =	sshrl.u32 s1, $0x2;
	[sflag:s0] =	ssyncadd.s32 @!p0 $0xFFFFE000  }
0xab: {  	v15 =	vld [tilespmem:s25+$0x6400];
	_ =	sdelay $0x3  }
0xac: {  	s11 =	simm.s32 $0x4;
	v14 =	vld [tilespmem:s25+$0x6410]  }
0xad: {  	s3 =	simm.s32 $0x5;
	s0 =	simm.s32 $0x6;
	v13 =	vld [tilespmem:s25+$0x6420];
	v8 =	vadd.s32 s21, v15;
	v20 =	vadd.s32 s11, v15  }
0xae: {  	s6 =	simm.s32 $0x1;
	s8 =	simm.s32 $0xF;
	v12 =	vld [tilespmem:s25+$0x6430];
	v21 =	vadd.s32 s3, v15;
	v22 =	vadd.s32 s0, v15;
	v16 =	vadd.s32 v0, v8  }
0xaf: {  	s7 =	simm.s32 $0x2;
	v11 =	vld [tilespmem:s25+$0x6440];
	v25 =	vadd.s32 s8, v15;
	v8 =	vadd.s32 s6, v15;
	v20 =	vadd.s32 v0, v20  }
0xb0: {  	s10 =	simm.s32 $0x3;
	v10 =	vld [tilespmem:s25+$0x6450];
	v21 =	vadd.s32 v0, v21;
	v17 =	vadd.s32 v0, v8;
	v8 =	vadd.s32 s7, v15  }
0xb1: {  	s1 =	simm.s32 $0x7;
	v9 =	vld [tilespmem:s25+$0x6460];
	v22 =	vadd.s32 v0, v22;
	v18 =	vadd.s32 v0, v8;
	v8 =	vadd.s32 s10, v15  }
0xb2: {  	s2 =	simm.s32 $0x8;
	v23 =	vadd.s32 s1, v15;
	v25 =	vadd.s32 v0, v25;
	v19 =	vadd.s32 v0, v8;
	v8 =	vld [tilespmem:s25+$0x6470]  }
0xb3: {  	s15 =	simm.s32 $0x9;
	v24 =	vadd.s32 s2, v15;
	v23 =	vadd.s32 v0, v23;
	v16 =	vld.idx.msk [tilespmem:v16+s12+$0x0], $0xffff  }
0xb4: {  	s18 =	simm.s32 $0xA;
	v26 =	vadd.s32 s15, v15;
	v24 =	vadd.s32 v0, v24;
	v20 =	vld.idx.msk [tilespmem:v20+s12+$0x0], $0xffff  }
0xb5: {  	s19 =	simm.s32 $0xB;
	v27 =	vadd.s32 s18, v15;
	v26 =	vadd.s32 v0, v26;
	v21 =	vld.idx.msk [tilespmem:v21+s12+$0x0], $0xffff  }
0xb6: {  	s20 =	simm.s32 $0xC;
	v28 =	vadd.s32 s19, v15;
	v27 =	vadd.s32 v0, v27;
	v22 =	vld.idx.msk [tilespmem:v22+s12+$0x0], $0xffff  }
0xb7: {  	s29 =	simm.s32 $0xD;
	v29 =	vadd.s32 s20, v15;
	v28 =	vadd.s32 v0, v28;
	v25 =	vld.idx.msk [tilespmem:v25+s12+$0x0], $0xffff  }
0xb8: {  	v30 =	vadd.s32 s29, v15;
	v29 =	vadd.s32 v0, v29;
	v23 =	vld.idx.msk [tilespmem:v23+s12+$0x0], $0xffff  }
0xb9: {  	v30 =	vadd.s32 v0, v30;
	v24 =	vld.idx.msk [tilespmem:v24+s12+$0x0], $0xffff  }
0xba: {  	v26 =	vld.idx.msk [tilespmem:v26+s12+$0x0], $0xffff  }
0xbb: {  	s9 =	smov.u32 s30;
	s30 =	simm.s32 $0xE;
	s28 =	simm.s32 $0x14C00;
	v27 =	vld.idx.msk [tilespmem:v27+s12+$0x0], $0xffff  }
0xbc: {  	v31 =	vadd.s32 s30, v15;
	v28 =	vld.idx.msk [tilespmem:v28+s12+$0x0], $0xffff;
	[tilespmem:s28+$0x380] =	vst v25  }
0xbd: {  	v32 =	vadd.s32 s8, v14;
	v31 =	vadd.s32 v0, v31;
	v29 =	vld.idx.msk [tilespmem:v29+s12+$0x0], $0xffff;
	[tilespmem:s28+$0xFFFFFE00] =	vst v20  }
0xbe: {  	v36 =	vadd.s32 s11, v14;
	v32 =	vadd.s32 v1, v32;
	v30 =	vld.idx.msk [tilespmem:v30+s12+$0x0], $0xffff;
	[tilespmem:s28+$0xFFFFFE80] =	vst v21  }
0xbf: {  	v33 =	vadd.s32 s6, v14;
	v36 =	vadd.s32 v1, v36;
	v17 =	vld.idx.msk [tilespmem:v17+s12+$0x0], $0xffff;
	[tilespmem:s28+$0xFFFFFF00] =	vst v22  }
0xc0: {  	v34 =	vadd.s32 s7, v14;
	v33 =	vadd.s32 v1, v33;
	v18 =	vld.idx.msk [tilespmem:v18+s12+$0x0], $0xffff;
	[tilespmem:s28+$0xFFFFFF80] =	vst v23  }
0xc1: {  	v35 =	vadd.s32 s10, v14;
	v34 =	vadd.s32 v1, v34;
	v19 =	vld.idx.msk [tilespmem:v19+s12+$0x0], $0xffff;
	[tilespmem:s28+$0x0] =	vst v24  }
0xc2: {  	v42 =	vadd.s32 s19, v14;
	v35 =	vadd.s32 v1, v35;
	v31 =	vld.idx.msk [tilespmem:v31+s12+$0x0], $0xffff;
	[tilespmem:s28+$0x80] =	vst v26  }
0xc3: {  	v43 =	vadd.s32 s20, v14;
	v23 =	vadd.s32 v1, v42;
	[tilespmem:s28+$0x180] =	vst v28;
	v32 =	vld.idx.msk [tilespmem:v32+s12+$0x0], $0xffff  }
0xc4: {  	v45 =	vadd.s32 s21, v14;
	v24 =	vadd.s32 v1, v43;
	[tilespmem:s28+$0xFFFFFC80] =	vst v17;
	v36 =	vld.idx.msk [tilespmem:v36+s12+$0x0], $0xffff  }
0xc5: {  	v37 =	vadd.s32 s3, v14;
	v28 =	vadd.s32 v1, v45;
	v33 =	vld.idx.msk [tilespmem:v33+s12+$0x0], $0xffff;
	[tilespmem:s28+$0xFFFFFD00] =	vst v18  }
0xc6: {  	v20 =	vadd.s32 s2, v14;
	v17 =	vadd.s32 v1, v37;
	v34 =	vld.idx.msk [tilespmem:v34+s12+$0x0], $0xffff;
	[tilespmem:s28+$0xFFFFFD80] =	vst v19  }
0xc7: {  	v21 =	vadd.s32 s15, v14;
	[tilespmem:s28+$0x100] =	vst v27;
	v20 =	vadd.s32 v1, v20;
	v35 =	vld.idx.msk [tilespmem:v35+s12+$0x0], $0xffff  }
0xc8: {  	v22 =	vadd.s32 s18, v14;
	[tilespmem:s28+$0x200] =	vst v29;
	v21 =	vadd.s32 v1, v21;
	v23 =	vld.idx.msk [tilespmem:v23+s12+$0x0], $0xffff  }
0xc9: {  	v26 =	vadd.s32 s29, v14;
	[tilespmem:s28+$0xFFFFFC00] =	vst v16;
	v22 =	vadd.s32 v1, v22;
	v24 =	vld.idx.msk [tilespmem:v24+s12+$0x0], $0xffff  }
0xca: {  	v27 =	vadd.s32 s30, v14;
	[tilespmem:s28+$0x280] =	vst v30;
	v26 =	vadd.s32 v1, v26;
	v28 =	vld.idx.msk [tilespmem:v28+s12+$0x0], $0xffff  }
0xcb: {  	v25 =	vadd.s32 s0, v14;
	[tilespmem:s28+$0x300] =	vst v31;
	v27 =	vadd.s32 v1, v27;
	v17 =	vld.idx.msk [tilespmem:v17+s12+$0x0], $0xffff  }
0xcc: {  	v18 =	vadd.s32 v1, v25;
	v25 =	vadd.s32 s8, v13;
	[tilespmem:s28+$0x390] =	vst v32;
	v20 =	vld.idx.msk [tilespmem:v20+s12+$0x0], $0xffff  }
0xcd: {  	v16 =	vadd.s32 s11, v13;
	v25 =	vadd.s32 v2, v25;
	v21 =	vld.idx.msk [tilespmem:v21+s12+$0x0], $0xffff;
	[tilespmem:s28+$0xFFFFFE10] =	vst v36  }
0xce: {  	v16 =	vadd.s32 v2, v16;
	v19 =	vadd.s32 s1, v14;
	v22 =	vld.idx.msk [tilespmem:v22+s12+$0x0], $0xffff;
	[tilespmem:s28+$0xFFFFFC90] =	vst v33  }
0xcf: {  	v46 =	vadd.s32 s6, v13;
	v19 =	vadd.s32 v1, v19;
	v26 =	vld.idx.msk [tilespmem:v26+s12+$0x0], $0xffff;
	[tilespmem:s28+$0xFFFFFD10] =	vst v34  }
0xd0: {  	v50 =	vadd.s32 s3, v13;
	v29 =	vadd.s32 v2, v46;
	v27 =	vld.idx.msk [tilespmem:v27+s12+$0x0], $0xffff;
	[tilespmem:s28+$0xFFFFFD90] =	vst v35  }
0xd1: {  	v51 =	vadd.s32 s0, v13;
	v18 =	vld.idx.msk [tilespmem:v18+s12+$0x0], $0xffff;
	v33 =	vadd.s32 v2, v50;
	[tilespmem:s28+$0x210] =	vst v24  }
0xd2: {  	v44 =	vadd.s32 s8, v12;
	v25 =	vld.idx.msk [tilespmem:v25+s12+$0x0], $0xffff;
	v34 =	vadd.s32 v2, v51;
	[tilespmem:s28+$0xFFFFFC10] =	vst v28  }
0xd3: {  	v48 =	vadd.s32 s10, v13;
	v32 =	vadd.s32 v3, v44;
	v16 =	vld.idx.msk [tilespmem:v16+s12+$0x0], $0xffff;
	[tilespmem:s28+$0xFFFFFE90] =	vst v17  }
0xd4: {  	v52 =	vadd.s32 s1, v13;
	v49 =	vadd.s32 v2, v48;
	v19 =	vld.idx.msk [tilespmem:v19+s12+$0x0], $0xffff;
	[tilespmem:s28+$0x10] =	vst v20  }
0xd5: {  	v57 =	vadd.s32 s6, v12;
	v29 =	vld.idx.msk [tilespmem:v29+s12+$0x0], $0xffff;
	v35 =	vadd.s32 v2, v52;
	[tilespmem:s28+$0x90] =	vst v21  }
0xd6: {  	v54 =	vadd.s32 s15, v13;
	v24 =	vadd.s32 v3, v57;
	v33 =	vld.idx.msk [tilespmem:v33+s12+$0x0], $0xffff;
	[tilespmem:s28+$0xFFFFFF10] =	vst v18  }
0xd7: {  	v56 =	vadd.s32 s30, v13;
	v17 =	vadd.s32 v2, v54;
	[tilespmem:s28+$0x3A0] =	vst v25;
	v34 =	vld.idx.msk [tilespmem:v34+s12+$0x0], $0xffff  }
0xd8: {  	v28 =	vadd.s32 s11, v12;
	[tilespmem:s28+$0x110] =	vst v22;
	v22 =	vadd.s32 v2, v56;
	v30 =	vld.idx.msk [tilespmem:v32+s12+$0x0], $0xffff  }
0xd9: {  	v20 =	vadd.s32 s20, v13;
	v28 =	vadd.s32 v3, v28;
	v32 =	vld.idx.msk [tilespmem:v49+s12+$0x0], $0xffff;
	[tilespmem:s28+$0xFFFFFF90] =	vst v19  }
0xda: {  	v21 =	vadd.s32 s29, v13;
	v20 =	vadd.s32 v2, v20;
	[tilespmem:s28+$0xFFFFFCA0] =	vst v29;
	v35 =	vld.idx.msk [tilespmem:v35+s12+$0x0], $0xffff  }
0xdb: {  	v47 =	vadd.s32 s7, v13;
	v21 =	vadd.s32 v2, v21;
	v24 =	vld.idx.msk [tilespmem:v24+s12+$0x0], $0xffff  }
0xdc: {  	[tilespmem:s28+$0x310] =	vst v27;
	v18 =	vadd.s32 s18, v13;
	v25 =	vadd.s32 v2, v47;
	v17 =	vld.idx.msk [tilespmem:v17+s12+$0x0], $0xffff  }
0xdd: {  	v60 =	vadd.s32 s3, v12;
	[tilespmem:s28+$0xFFFFFE20] =	vst v16;
	v18 =	vadd.s32 v2, v18;
	v22 =	vld.idx.msk [tilespmem:v22+s12+$0x0], $0xffff  }
0xde: {  	v31 =	vadd.s32 s8, v11;
	v29 =	vadd.s32 v3, v60;
	v28 =	vld.idx.msk [tilespmem:v28+s12+$0x0], $0xffff  }
0xdf: {  	v31 =	vadd.s32 v4, v31;
	[tilespmem:s28+$0x290] =	vst v26;
	v19 =	vadd.s32 s19, v13;
	v20 =	vld.idx.msk [tilespmem:v20+s12+$0x0], $0xffff  }
0xe0: {  	v59 =	vadd.s32 s10, v12;
	[tilespmem:s28+$0x190] =	vst v23;
	v19 =	vadd.s32 v2, v19;
	v21 =	vld.idx.msk [tilespmem:v21+s12+$0x0], $0xffff  }
0xe1: {  	v63 =	vadd.s32 s1, v12;
	v27 =	vadd.s32 v3, v59;
	[tilespmem:s28+$0xFFFFFEA0] =	vst v33;
	v25 =	vld.idx.msk [tilespmem:v25+s12+$0x0], $0xffff  }
0xe2: {  	v38 =	vadd.s32 s15, v12;
	v16 =	vadd.s32 v3, v63;
	v18 =	vld.idx.msk [tilespmem:v18+s12+$0x0], $0xffff;
	[tilespmem:s28+$0xFFFFFF20] =	vst v34  }
0xe3: {  	v53 =	vadd.s32 s2, v13;
	v33 =	vadd.s32 v3, v38;
	v29 =	vld.idx.msk [tilespmem:v29+s12+$0x0], $0xffff;
	[tilespmem:s28+$0x3B0] =	vst v30  }
0xe4: {  	v58 =	vadd.s32 s7, v12;
	v30 =	vadd.s32 v2, v53;
	[tilespmem:s28+$0xFFFFFDA0] =	vst v32;
	v31 =	vld.idx.msk [tilespmem:v31+s12+$0x0], $0xffff  }
0xe5: {  	v39 =	vadd.s32 s18, v12;
	v26 =	vadd.s32 v3, v58;
	v19 =	vld.idx.msk [tilespmem:v19+s12+$0x0], $0xffff;
	[tilespmem:s28+$0xFFFFFFA0] =	vst v35  }
0xe6: {  	v55 =	vadd.s32 s8, v10;
	v34 =	vadd.s32 v3, v39;
	v27 =	vld.idx.msk [tilespmem:v27+s12+$0x0], $0xffff;
	[tilespmem:s28+$0xA0] =	vst v17  }
0xe7: {  	v41 =	vadd.s32 s20, v12;
	v36 =	vadd.s32 v5, v55;
	v38 =	vld.idx.msk [tilespmem:v16+s12+$0x0], $0xffff;
	[tilespmem:s28+$0x320] =	vst v22  }
0xe8: {  	v48 =	vadd.s32 s11, v11;
	v16 =	vadd.s32 v3, v41;
	v33 =	vld.idx.msk [tilespmem:v33+s12+$0x0], $0xffff;
	[tilespmem:s28+$0x220] =	vst v20  }
0xe9: {  	v17 =	vadd.s32 s29, v12;
	v22 =	vadd.s32 v4, v48;
	[tilespmem:s28+$0xFFFFFD20] =	vst v25;
	v30 =	vld.idx.msk [tilespmem:v30+s12+$0x0], $0xffff  }
0xea: {  	v44 =	vadd.s32 s6, v11;
	v17 =	vadd.s32 v3, v17;
	[tilespmem:s28+$0x120] =	vst v18;
	v26 =	vld.idx.msk [tilespmem:v26+s12+$0x0], $0xffff  }
0xeb: {  	v47 =	vadd.s32 s10, v11;
	v20 =	vadd.s32 v4, v44;
	v34 =	vld.idx.msk [tilespmem:v34+s12+$0x0], $0xffff;
	[tilespmem:s28+$0x3C0] =	vst v31  }
0xec: {  	v61 =	vadd.s32 s0, v12;
	[tilespmem:s28+$0x2A0] =	vst v21;
	v21 =	vadd.s32 v4, v47;
	v36 =	vld.idx.msk [tilespmem:v36+s12+$0x0], $0xffff  }
0xed: {  	[tilespmem:s28+$0xFFFFFE30] =	vst v28;
	v25 =	vadd.s32 v3, v61;
	v18 =	vadd.s32 s30, v12;
	v46 =	vld.idx.msk [tilespmem:v16+s12+$0x0], $0xffff  }
0xee: {  	v37 =	vadd.s32 s2, v12;
	[tilespmem:s28+$0xFFFFFCB0] =	vst v24;
	v18 =	vadd.s32 v3, v18;
	v22 =	vld.idx.msk [tilespmem:v22+s12+$0x0], $0xffff  }
0xef: {  	v32 =	vadd.s32 v3, v37;
	v31 =	vadd.s32 s21, v13;
	[tilespmem:s28+$0x1A0] =	vst v19;
	v17 =	vld.idx.msk [tilespmem:v17+s12+$0x0], $0xffff  }
0xf0: {  	v23 =	vadd.s32 s8, v9;
	[tilespmem:s28+$0xFFFFFDB0] =	vst v27;
	v31 =	vadd.s32 v2, v31;
	v20 =	vld.idx.msk [tilespmem:v20+s12+$0x0], $0xffff  }
0xf1: {  	s26 =	simm.s32 $0x10;
	v51 =	vadd.s32 s29, v11;
	v23 =	vadd.s32 v6, v23;
	v21 =	vld.idx.msk [tilespmem:v21+s12+$0x0], $0xffff;
	[tilespmem:s28+$0xB0] =	vst v33  }
0xf2: {  	v42 =	vadd.s32 s26, v15;
	v52 =	vadd.s32 v4, v51;
	v25 =	vld.idx.msk [tilespmem:v25+s12+$0x0], $0xffff;
	[tilespmem:s28+$0x20] =	vst v30  }
0xf3: {  	v49 =	vadd.s32 s20, v11;
	v30 =	vadd.s32 v0, v42;
	v18 =	vld.idx.msk [tilespmem:v18+s12+$0x0], $0xffff;
	[tilespmem:s28+$0x130] =	vst v34  }
0xf4: {  	v50 =	vadd.s32 v4, v49;
	v53 =	vadd.s32 s30, v11;
	v32 =	vld.idx.msk [tilespmem:v32+s12+$0x0], $0xffff;
	[tilespmem:s28+$0x3D0] =	vst v36  }
0xf5: {  	v43 =	vadd.s32 s21, v12;
	v55 =	vadd.s32 v4, v53;
	v31 =	vld.idx.msk [tilespmem:v31+s12+$0x0], $0xffff;
	[tilespmem:s28+$0x230] =	vst v46  }
0xf6: {  	v59 =	vadd.s32 s10, v10;
	v19 =	vadd.s32 v3, v43;
	v23 =	vld.idx.msk [tilespmem:v23+s12+$0x0], $0xffff;
	[tilespmem:s28+$0x2B0] =	vst v17  }
0xf7: {  	v62 =	vadd.s32 s8, v8;
	v17 =	vadd.s32 v5, v59;
	[tilespmem:s28+$0xFFFFFDC0] =	vst v21;
	v33 =	vld.idx.msk [tilespmem:v52+s12+$0x0], $0xffff  }
0xf8: {  	v45 =	vadd.s32 s7, v11;
	v36 =	vadd.s32 v7, v62;
	v16 =	vld.idx.msk [tilespmem:v30+s12+$0x0], $0xffff;
	[tilespmem:s28+$0x330] =	vst v18  }
0xf9: {  	v60 =	vadd.s32 s11, v10;
	v30 =	vadd.s32 v4, v45;
	[tilespmem:s28+$0x30] =	vst v32;
	v32 =	vld.idx.msk [tilespmem:v50+s12+$0x0], $0xffff  }
0xfa: {  	v40 =	vadd.s32 s19, v12;
	v18 =	vadd.s32 v5, v60;
	v34 =	vld.idx.msk [tilespmem:v55+s12+$0x0], $0xffff;
	[tilespmem:s28+$0xFFFFFC20] =	vst v31  }
0xfb: {  	v31 =	vadd.s32 s3, v11;
	[tilespmem:s28+$0x3E0] =	vst v23;
	v23 =	vadd.s32 v3, v40;
	v19 =	vld.idx.msk [tilespmem:v19+s12+$0x0], $0xffff  }
0xfc: {  	[tilespmem:s28+$0xFFFFFEB0] =	vst v29;
	v24 =	vadd.s32 v4, v31;
	v31 =	vadd.s32 s0, v11;
	v17 =	vld.idx.msk [tilespmem:v17+s12+$0x0], $0xffff  }
0xfd: {  	v54 =	vadd.s32 s21, v11;
	[tilespmem:s28+$0xFFFFFD30] =	vst v26;
	v36 =	vld.idx.msk [tilespmem:v36+s12+$0x0], $0xffff;
	v26 =	vadd.s32 v4, v31  }
0xfe: {  	v56 =	vadd.s32 v4, v54;
	v41 =	vadd.s32 s10, v9;
	[tilespmem:s28+$0xFFFFFE40] =	vst v22;
	v30 =	vld.idx.msk [tilespmem:v30+s12+$0x0], $0xffff  }
0xff: {  	[tilespmem:s28+$0xFFFFFFB0] =	vst v38;
	v42 =	vadd.s32 v6, v41;
	v31 =	vadd.s32 s1, v11;
	v18 =	vld.idx.msk [tilespmem:v18+s12+$0x0], $0xffff  }
0x100: {  	[tilespmem:s28+$0xFFFFFCC0] =	vst v20;
	v27 =	vadd.s32 v4, v31;
	v31 =	vadd.s32 s2, v11;
	v23 =	vld.idx.msk [tilespmem:v23+s12+$0x0], $0xffff  }
0x101: {  	v43 =	vadd.s32 s11, v9;
	[tilespmem:s28+$0xFFFFFF30] =	vst v25;
	v28 =	vadd.s32 v4, v31;
	v24 =	vld.idx.msk [tilespmem:v24+s12+$0x0], $0xffff  }
0x102: {  	v44 =	vadd.s32 v6, v43;
	v31 =	vadd.s32 s15, v11;
	[tilespmem:s28+$0xFFFFFC30] =	vst v19;
	v26 =	vld.idx.msk [tilespmem:v26+s12+$0x0], $0xffff  }
0x103: {  	v29 =	vadd.s32 v4, v31;
	v31 =	vadd.s32 s18, v11;
	[tilespmem:s28+$0xFFFFFDD0] =	vst v17;
	v35 =	vld.idx.msk [tilespmem:v56+s12+$0x0], $0xffff  }
0x104: {  	[tilespmem:s28+$0x2C0] =	vst v33;
	v25 =	vadd.s32 v4, v31;
	v31 =	vadd.s32 s19, v11;
	v33 =	vld.idx.msk [tilespmem:v42+s12+$0x0], $0xffff  }
0x105: {  	v58 =	vadd.s32 s7, v10;
	[tilespmem:s28+$0x3F0] =	vst v36;
	v31 =	vadd.s32 v4, v31;
	v27 =	vld.idx.msk [tilespmem:v27+s12+$0x0], $0xffff  }
0x106: {  	v19 =	vadd.s32 s3, v10;
	v36 =	vadd.s32 v5, v58;
	[tilespmem:s28+$0xFFFFFE50] =	vst v18;
	v28 =	vld.idx.msk [tilespmem:v28+s12+$0x0], $0xffff  }
0x107: {  	v20 =	vadd.s32 s0, v10;
	[tilespmem:s28+$0x340] =	vst v34;
	v19 =	vadd.s32 v5, v19;
	v34 =	vld.idx.msk [tilespmem:v44+s12+$0x0], $0xffff  }
0x108: {  	v20 =	vadd.s32 v5, v20;
	[tilespmem:s28+$0xFFFFFD40] =	vst v30;
	v30 =	vadd.s32 s1, v10;
	v29 =	vld.idx.msk [tilespmem:v29+s12+$0x0], $0xffff  }
0x109: {  	v21 =	vadd.s32 v5, v30;
	v30 =	vadd.s32 s2, v10;
	v25 =	vld.idx.msk [tilespmem:v25+s12+$0x0], $0xffff;
	[tilespmem:s28+$0x1B0] =	vst v23  }
0x10a: {  	v57 =	vadd.s32 s6, v10;
	v22 =	vadd.s32 v5, v30;
	v31 =	vld.idx.msk [tilespmem:v31+s12+$0x0], $0xffff  }
0x10b: {  	v30 =	vadd.s32 s15, v10;
	v23 =	vadd.s32 v5, v57;
	[tilespmem:s28+$0xFFFFFEC0] =	vst v24;
	v36 =	vld.idx.msk [tilespmem:v36+s12+$0x0], $0xffff  }
0x10c: {  	v24 =	vadd.s32 v5, v30;
	v30 =	vadd.s32 s18, v10;
	v19 =	vld.idx.msk [tilespmem:v19+s12+$0x0], $0xffff;
	[tilespmem:s28+$0xFFFFFF40] =	vst v26  }
0x10d: {  	v26 =	vadd.s32 v5, v30;
	v30 =	vadd.s32 s19, v10;
	v20 =	vld.idx.msk [tilespmem:v20+s12+$0x0], $0xffff;
	[tilespmem:s28+$0xFFFFFFC0] =	vst v27  }
0x10e: {  	v63 =	vadd.s32 s7, v9;
	v27 =	vadd.s32 v5, v30;
	v21 =	vld.idx.msk [tilespmem:v21+s12+$0x0], $0xffff;
	[tilespmem:s28+$0x40] =	vst v28  }
0x10f: {  	v40 =	vadd.s32 v6, v63;
	[tilespmem:s28+$0xFFFFFC40] =	vst v35;
	v30 =	vadd.s32 s20, v10;
	v22 =	vld.idx.msk [tilespmem:v22+s12+$0x0], $0xffff  }
0x110: {  	v46 =	vadd.s32 s0, v9;
	v28 =	vadd.s32 v5, v30;
	[tilespmem:s28+$0xC0] =	vst v29;
	v23 =	vld.idx.msk [tilespmem:v23+s12+$0x0], $0xffff  }
0x111: {  	v35 =	vadd.s32 v6, v46;
	v30 =	vadd.s32 s29, v10;
	v24 =	vld.idx.msk [tilespmem:v24+s12+$0x0], $0xffff;
	[tilespmem:s28+$0x140] =	vst v25  }
0x112: {  	v47 =	vadd.s32 s1, v9;
	v29 =	vadd.s32 v5, v30;
	v26 =	vld.idx.msk [tilespmem:v26+s12+$0x0], $0xffff;
	[tilespmem:s28+$0x1C0] =	vst v31  }
0x113: {  	v17 =	vadd.s32 v6, v47;
	v30 =	vadd.s32 s30, v10;
	[tilespmem:s28+$0xFFFFFD50] =	vst v36;
	v27 =	vld.idx.msk [tilespmem:v27+s12+$0x0], $0xffff  }
0x114: {  	v61 =	vadd.s32 s21, v10;
	[tilespmem:s28+$0x240] =	vst v32;
	v25 =	vadd.s32 v5, v30;
	v32 =	vld.idx.msk [tilespmem:v40+s12+$0x0], $0xffff  }
0x115: {  	v48 =	vadd.s32 s2, v9;
	v30 =	vadd.s32 v5, v61;
	[tilespmem:s28+$0xFFFFFF50] =	vst v20;
	v28 =	vld.idx.msk [tilespmem:v28+s12+$0x0], $0xffff  }
0x116: {  	v62 =	vadd.s32 s6, v9;
	v18 =	vadd.s32 v6, v48;
	v35 =	vld.idx.msk [tilespmem:v35+s12+$0x0], $0xffff  }
0x117: {  	v49 =	vadd.s32 s15, v9;
	v31 =	vadd.s32 v6, v62;
	[tilespmem:s28+$0xFFFFFFD0] =	vst v21;
	v29 =	vld.idx.msk [tilespmem:v29+s12+$0x0], $0xffff  }
0x118: {  	v50 =	vadd.s32 s18, v9;
	[tilespmem:s28+$0xFFFFFED0] =	vst v19;
	v19 =	vadd.s32 v6, v49;
	v53 =	vld.idx.msk [tilespmem:v17+s12+$0x0], $0xffff  }
0x119: {  	v51 =	vadd.s32 s19, v9;
	[tilespmem:s28+$0xFFFFFDE0] =	vst v33;
	v20 =	vadd.s32 v6, v50;
	v25 =	vld.idx.msk [tilespmem:v25+s12+$0x0], $0xffff  }
0x11a: {  	v52 =	vadd.s32 s20, v9;
	v21 =	vadd.s32 v6, v51;
	[tilespmem:s28+$0x50] =	vst v22;
	v30 =	vld.idx.msk [tilespmem:v30+s12+$0x0], $0xffff  }
0x11b: {  	v45 =	vadd.s32 s3, v9;
	v17 =	vadd.s32 v6, v52;
	[tilespmem:s28+$0xFFFFFCD0] =	vst v23;
	v54 =	vld.idx.msk [tilespmem:v18+s12+$0x0], $0xffff  }
0x11c: {  	v22 =	vadd.s32 s29, v9;
	v23 =	vadd.s32 v6, v45;
	[tilespmem:s28+$0xD0] =	vst v24;
	v31 =	vld.idx.msk [tilespmem:v31+s12+$0x0], $0xffff  }
0x11d: {  	v18 =	vadd.s32 v6, v22;
	v22 =	vadd.s32 s30, v9;
	v55 =	vld.idx.msk [tilespmem:v19+s12+$0x0], $0xffff;
	[tilespmem:s28+$0x150] =	vst v26  }
0x11e: {  	v24 =	vadd.s32 s21, v9;
	v19 =	vadd.s32 v6, v22;
	v26 =	vld.idx.msk [tilespmem:v20+s12+$0x0], $0xffff;
	[tilespmem:s28+$0x1D0] =	vst v27  }
0x11f: {  	v22 =	vadd.s32 s6, v8;
	v24 =	vadd.s32 v6, v24;
	v27 =	vld.idx.msk [tilespmem:v21+s12+$0x0], $0xffff;
	[tilespmem:s28+$0x250] =	vst v28  }
0x120: {  	v20 =	vadd.s32 s7, v8;
	v22 =	vadd.s32 v7, v22;
	[tilespmem:s28+$0xFFFFFD60] =	vst v32;
	v28 =	vld.idx.msk [tilespmem:v17+s12+$0x0], $0xffff  }
0x121: {  	v21 =	vadd.s32 s10, v8;
	v20 =	vadd.s32 v7, v20;
	[tilespmem:s28+$0x2D0] =	vst v29;
	v23 =	vld.idx.msk [tilespmem:v23+s12+$0x0], $0xffff  }
0x122: {  	v17 =	vadd.s32 s11, v8;
	v21 =	vadd.s32 v7, v21;
	v29 =	vld.idx.msk [tilespmem:v18+s12+$0x0], $0xffff;
	[tilespmem:s28+$0x350] =	vst v25  }
0x123: {  	v56 =	vadd.s32 s20, v8;
	[tilespmem:s28+$0xFFFFFC50] =	vst v30;
	v17 =	vadd.s32 v7, v17;
	v30 =	vld.idx.msk [tilespmem:v19+s12+$0x0], $0xffff  }
0x124: {  	v32 =	vadd.s32 v7, v56;
	v18 =	vadd.s32 s3, v8;
	v24 =	vld.idx.msk [tilespmem:v24+s12+$0x0], $0xffff;
	[tilespmem:s28+$0xFFFFFCE0] =	vst v31  }
0x125: {  	[tilespmem:s28+$0xFFFFFE60] =	vst v34;
	v25 =	vadd.s32 s19, v8;
	v18 =	vadd.s32 v7, v18;
	v31 =	vld.idx.msk [tilespmem:v22+s12+$0x0], $0xffff  }
0x126: {  	v57 =	vadd.s32 s29, v8;
	v25 =	vadd.s32 v7, v25;
	[tilespmem:s28+$0x160] =	vst v26;
	v39 =	vld.idx.msk [tilespmem:v20+s12+$0x0], $0xffff  }
0x127: {  	v58 =	vadd.s32 s30, v8;
	v33 =	vadd.s32 v7, v57;
	s30 =	simm.s32 $0x12;
	v19 =	vadd.s32 s0, v8;
	[tilespmem:s28+$0x1E0] =	vst v27;
	v40 =	vld.idx.msk [tilespmem:v21+s12+$0x0], $0xffff  }
0x128: {  	v19 =	vadd.s32 v7, v19;
	v27 =	vadd.s32 s30, v15;
	[tilespmem:s28+$0x260] =	vst v28;
	v17 =	vld.idx.msk [tilespmem:v17+s12+$0x0], $0xffff  }
0x129: {  	v59 =	vadd.s32 s21, v8;
	s29 =	simm.s32 $0x11;
	v26 =	vadd.s32 v7, v58;
	v62 =	vadd.s32 v0, v27;
	[tilespmem:s28+$0xFFFFFEE0] =	vst v23;
	v27 =	vld.idx.msk [tilespmem:v32+s12+$0x0], $0xffff  }
0x12a: {  	v60 =	vadd.s32 s29, v15;
	[tilespmem:s28+$0xFFFFFF60] =	vst v35;
	v35 =	vadd.s32 v7, v59;
	v18 =	vld.idx.msk [tilespmem:v18+s12+$0x0], $0xffff  }
0x12b: {  	v61 =	vadd.s32 v0, v60;
	v22 =	vadd.s32 s1, v8;
	[tilespmem:s28+$0x2E0] =	vst v29;
	v25 =	vld.idx.msk [tilespmem:v25+s12+$0x0], $0xffff  }
0x12c: {  	v20 =	vadd.s32 v7, v22;
	v22 =	vadd.s32 s2, v8;
	v28 =	vld.idx.msk [tilespmem:v33+s12+$0x0], $0xffff  }
0x12d: {  	s3 =	simm.s32 $0x13;
	v21 =	vadd.s32 v7, v22;
	v22 =	vadd.s32 s15, v8;
	[tilespmem:s28+$0x360] =	vst v30;
	v19 =	vld.idx.msk [tilespmem:v19+s12+$0x0], $0xffff  }
0x12e: {  	s2 =	simm.s32 $0x15;
	v22 =	vadd.s32 v7, v22;
	v30 =	vadd.s32 s3, v15;
	[tilespmem:s28+$0xFFFFFC60] =	vst v24;
	v29 =	vld.idx.msk [tilespmem:v26+s12+$0x0], $0xffff  }
0x12f: {  	v23 =	vadd.s32 s18, v8;
	v24 =	vadd.s32 s2, v15;
	v34 =	vadd.s32 v0, v30;
	v30 =	vld.idx.msk [tilespmem:v35+s12+$0x0], $0xffff  }
0x130: {  	s31 =	simm.s32 $0x14;
	[tilespmem:s28+$0xFFFFFFE0] =	vst v53;
	v23 =	vadd.s32 v7, v23;
	v33 =	vadd.s32 v0, v24;
	v24 =	vld.idx.msk [tilespmem:v61+s12+$0x0], $0xffff  }
0x131: {  	v63 =	vadd.s32 s31, v15;
	s6 =	simm.s32 $0x16;
	[tilespmem:s28+$0x60] =	vst v54;
	v20 =	vld.idx.msk [tilespmem:v20+s12+$0x0], $0xffff  }
0x132: {  	[tilespmem:s28+$0xE0] =	vst v55;
	v32 =	vadd.s32 v0, v63;
	v26 =	vadd.s32 s6, v15;
	v21 =	vld.idx.msk [tilespmem:v21+s12+$0x0], $0xffff  }
0x133: {  	s0 =	simm.s32 $0x17;
	[tilespmem:s28+$0xFFFFFCF0] =	vst v31;
	v35 =	vadd.s32 v0, v26;
	v26 =	vld.idx.msk [tilespmem:v62+s12+$0x0], $0xffff  }
0x134: {  	s7 =	simm.s32 $0x18;
	v31 =	vadd.s32 s0, v15;
	[tilespmem:s28+$0xFFFFFD70] =	vst v39;
	v22 =	vld.idx.msk [tilespmem:v22+s12+$0x0], $0xffff  }
0x135: {  	s8 =	simm.s32 $0x1F;
	v36 =	vadd.s32 s7, v15;
	s10 =	simm.s32 $0x20;
	v31 =	vadd.s32 v0, v31;
	[tilespmem:s28+$0xFFFFFDF0] =	vst v40;
	v23 =	vld.idx.msk [tilespmem:v23+s12+$0x0], $0xffff  }
.LBB2_5:
0x136: {  	p1 =	slt.u32 s10, $0x30;
	v34 =	vld.idx.msk [tilespmem:v34+s12+$0x0], $0xffff;
	v36 =	vadd.s32 v0, v36;
	s19 =	sadd.s32 $0x9, s26;
	v37 =	vadd.s32 s8, v15;
	[tilespmem:s28+$0xFFFFFE70] =	vst v17  }
0x137: {  	s20 =	sadd.s32 $0xA, s26;
	v17 =	vld.idx.msk [tilespmem:v32+s12+$0x0], $0xffff;
	v32 =	vadd.s32 s19, v15;
	v37 =	vadd.s32 v0, v37;
	[tilespmem:s28+$0xFFFFFEF0] =	vst v18  }
0x138: {  	s15 =	sadd.s32 $0xB, s26;
	v18 =	vld.idx.msk [tilespmem:v33+s12+$0x0], $0xffff;
	v32 =	vadd.s32 v0, v32;
	v33 =	vadd.s32 s20, v15;
	[tilespmem:s28+$0xFFFFFF70] =	vst v19  }
0x139: {  	s18 =	sadd.s32 $0xC, s26;
	v19 =	vld.idx.msk [tilespmem:v35+s12+$0x0], $0xffff;
	v33 =	vadd.s32 v0, v33;
	v35 =	vadd.s32 s15, v15;
	[tilespmem:s28+$0xFFFFFFF0] =	vst v20  }
0x13a: {  	s11 =	sadd.s32 $0xD, s26;
	v20 =	vld.idx.msk [tilespmem:v31+s12+$0x0], $0xffff;
	v31 =	vadd.s32 v0, v35;
	v35 =	vadd.s32 s18, v15;
	[tilespmem:s28+$0x70] =	vst v21  }
0x13b: {  	s1 =	sadd.s32 $0xE, s26;
	v21 =	vld.idx.msk [tilespmem:v36+s12+$0x0], $0xffff;
	v35 =	vadd.s32 v0, v35;
	v36 =	vadd.s32 s11, v15;
	[tilespmem:s28+$0xF0] =	vst v22  }
0x13c: {  	v22 =	vadd.s32 v0, v36;
	v36 =	vadd.s32 s1, v15;
	v37 =	vld.idx.msk [tilespmem:v37+s12+$0x0], $0xffff;
	[tilespmem:s28+$0x170] =	vst v23  }
0x13d: {  	v23 =	vld.idx.msk [tilespmem:v32+s12+$0x0], $0xffff;
	v32 =	vadd.s32 v0, v36;
	v36 =	vadd.s32 s8, v14;
	[tilespmem:s28+$0x1F0] =	vst v25  }
0x13e: {  	v25 =	vadd.s32 s29, v14;
	v33 =	vld.idx.msk [tilespmem:v33+s12+$0x0], $0xffff;
	v36 =	vadd.s32 v1, v36;
	[tilespmem:s28+$0x270] =	vst v27  }
0x13f: {  	v25 =	vadd.s32 v1, v25;
	v27 =	vadd.s32 s30, v14;
	v31 =	vld.idx.msk [tilespmem:v31+s12+$0x0], $0xffff;
	[tilespmem:s28+$0x2F0] =	vst v28  }
0x140: {  	v27 =	vadd.s32 v1, v27;
	v28 =	vadd.s32 s3, v14;
	v35 =	vld.idx.msk [tilespmem:v35+s12+$0x0], $0xffff;
	[tilespmem:s28+$0x370] =	vst v29  }
0x141: {  	v28 =	vadd.s32 v1, v28;
	v29 =	vadd.s32 s31, v14;
	v22 =	vld.idx.msk [tilespmem:v22+s12+$0x0], $0xffff;
	[tilespmem:s28+$0xFFFFFC70] =	vst v30;
	s28 =	sadd.s32 $0x800, s28  }
0x142: {  	v29 =	vadd.s32 v1, v29;
	v30 =	vadd.s32 s2, v14;
	v32 =	vld.idx.msk [tilespmem:v32+s12+$0x0], $0xffff;
	[tilespmem:s28+$0x380] =	vst v37  }
0x143: {  	[tilespmem:s28+$0xFFFFFC80] =	vst v24;
	v24 =	vadd.s32 v1, v30;
	v30 =	vadd.s32 s6, v14;
	v36 =	vld.idx.msk [tilespmem:v36+s12+$0x0], $0xffff  }
0x144: {  	v25 =	vld.idx.msk [tilespmem:v25+s12+$0x0], $0xffff;
	[tilespmem:s28+$0xFFFFFD00] =	vst v26;
	v26 =	vadd.s32 v1, v30;
	v30 =	vadd.s32 s8, v13  }
0x145: {  	v27 =	vld.idx.msk [tilespmem:v27+s12+$0x0], $0xffff;
	[tilespmem:s28+$0xFFFFFD80] =	vst v34;
	v34 =	vadd.s32 s0, v14;
	v30 =	vadd.s32 v2, v30  }
0x146: {  	v28 =	vld.idx.msk [tilespmem:v28+s12+$0x0], $0xffff;
	[tilespmem:s28+$0xFFFFFE00] =	vst v17;
	v17 =	vadd.s32 v1, v34;
	v34 =	vadd.s32 s7, v14  }
0x147: {  	v29 =	vld.idx.msk [tilespmem:v29+s12+$0x0], $0xffff;
	[tilespmem:s28+$0xFFFFFE80] =	vst v18;
	v18 =	vadd.s32 v1, v34;
	v34 =	vadd.s32 s19, v14  }
0x148: {  	v24 =	vld.idx.msk [tilespmem:v24+s12+$0x0], $0xffff;
	[tilespmem:s28+$0xFFFFFF00] =	vst v19;
	v19 =	vadd.s32 v1, v34;
	v34 =	vadd.s32 s20, v14  }
0x149: {  	v37 =	vadd.s32 s15, v14;
	v26 =	vld.idx.msk [tilespmem:v26+s12+$0x0], $0xffff;
	v34 =	vadd.s32 v1, v34;
	[tilespmem:s28+$0x390] =	vst v36  }
0x14a: {  	v36 =	vadd.s32 s18, v14;
	[tilespmem:s28+$0xFFFFFF80] =	vst v20;
	v20 =	vadd.s32 v1, v37;
	v30 =	vld.idx.msk [tilespmem:v30+s12+$0x0], $0xffff  }
0x14b: {  	v17 =	vld.idx.msk [tilespmem:v17+s12+$0x0], $0xffff;
	[tilespmem:s28+$0x0] =	vst v21;
	v21 =	vadd.s32 v1, v36;
	v36 =	vadd.s32 s8, v12  }
0x14c: {  	v18 =	vld.idx.msk [tilespmem:v18+s12+$0x0], $0xffff;
	[tilespmem:s28+$0x80] =	vst v23;
	v23 =	vadd.s32 s11, v14;
	v36 =	vadd.s32 v3, v36  }
0x14d: {  	v19 =	vld.idx.msk [tilespmem:v19+s12+$0x0], $0xffff;
	[tilespmem:s28+$0x100] =	vst v33;
	v23 =	vadd.s32 v1, v23;
	v33 =	vadd.s32 s1, v14  }
0x14e: {  	v37 =	vadd.s32 s26, v14;
	v34 =	vld.idx.msk [tilespmem:v34+s12+$0x0], $0xffff;
	[tilespmem:s28+$0x180] =	vst v31;
	v31 =	vadd.s32 v1, v33  }
0x14f: {  	v33 =	vadd.s32 v1, v37;
	v37 =	vadd.s32 s29, v13;
	v20 =	vld.idx.msk [tilespmem:v20+s12+$0x0], $0xffff;
	[tilespmem:s28+$0x200] =	vst v35  }
0x150: {  	v35 =	vadd.s32 v2, v37;
	v37 =	vadd.s32 s30, v13;
	v21 =	vld.idx.msk [tilespmem:v21+s12+$0x0], $0xffff;
	[tilespmem:s28+$0x3A0] =	vst v30  }
0x151: {  	v30 =	vadd.s32 v2, v37;
	v37 =	vadd.s32 s3, v13;
	[tilespmem:s28+$0x280] =	vst v22;
	v22 =	vld.idx.msk [tilespmem:v36+s12+$0x0], $0xffff  }
0x152: {  	v36 =	vadd.s32 v2, v37;
	v23 =	vld.idx.msk [tilespmem:v23+s12+$0x0], $0xffff;
	[tilespmem:s28+$0x300] =	vst v32;
	v32 =	vadd.s32 s8, v11  }
0x153: {  	[tilespmem:s28+$0xFFFFFC00] =	vst v16;
	v16 =	vadd.s32 s31, v13;
	v31 =	vld.idx.msk [tilespmem:v31+s12+$0x0], $0xffff;
	v32 =	vadd.s32 v4, v32  }
0x154: {  	v33 =	vld.idx.msk [tilespmem:v33+s12+$0x0], $0xffff;
	[tilespmem:s28+$0xFFFFFC90] =	vst v25;
	v16 =	vadd.s32 v2, v16;
	v25 =	vadd.s32 s2, v13  }
0x155: {  	v35 =	vld.idx.msk [tilespmem:v35+s12+$0x0], $0xffff;
	[tilespmem:s28+$0xFFFFFD10] =	vst v27;
	v25 =	vadd.s32 v2, v25;
	v27 =	vadd.s32 s6, v13  }
0x156: {  	v30 =	vld.idx.msk [tilespmem:v30+s12+$0x0], $0xffff;
	[tilespmem:s28+$0xFFFFFD90] =	vst v28;
	v27 =	vadd.s32 v2, v27;
	v28 =	vadd.s32 s0, v13  }
0x157: {  	v37 =	vadd.s32 s7, v13;
	v36 =	vld.idx.msk [tilespmem:v36+s12+$0x0], $0xffff;
	v28 =	vadd.s32 v2, v28;
	[tilespmem:s28+$0x3B0] =	vst v22  }
0x158: {  	v22 =	vadd.s32 v2, v37;
	[tilespmem:s28+$0xFFFFFE10] =	vst v29;
	v29 =	vadd.s32 s19, v13;
	v32 =	vld.idx.msk [tilespmem:v32+s12+$0x0], $0xffff  }
0x159: {  	v16 =	vld.idx.msk [tilespmem:v16+s12+$0x0], $0xffff;
	[tilespmem:s28+$0xFFFFFE90] =	vst v24;
	v24 =	vadd.s32 v2, v29;
	v29 =	vadd.s32 s8, v10  }
0x15a: {  	v25 =	vld.idx.msk [tilespmem:v25+s12+$0x0], $0xffff;
	[tilespmem:s28+$0xFFFFFF10] =	vst v26;
	v26 =	vadd.s32 s20, v13;
	v29 =	vadd.s32 v5, v29  }
0x15b: {  	v27 =	vld.idx.msk [tilespmem:v27+s12+$0x0], $0xffff;
	[tilespmem:s28+$0xFFFFFF90] =	vst v17;
	v17 =	vadd.s32 v2, v26;
	v26 =	vadd.s32 s15, v13  }
0x15c: {  	v28 =	vld.idx.msk [tilespmem:v28+s12+$0x0], $0xffff;
	[tilespmem:s28+$0x10] =	vst v18;
	v18 =	vadd.s32 v2, v26;
	v26 =	vadd.s32 s18, v13  }
0x15d: {  	v22 =	vld.idx.msk [tilespmem:v22+s12+$0x0], $0xffff;
	[tilespmem:s28+$0x90] =	vst v19;
	v19 =	vadd.s32 v2, v26;
	v26 =	vadd.s32 s11, v13  }
0x15e: {  	v37 =	vadd.s32 s1, v13;
	v24 =	vld.idx.msk [tilespmem:v24+s12+$0x0], $0xffff;
	v26 =	vadd.s32 v2, v26;
	[tilespmem:s28+$0x3C0] =	vst v32  }
0x15f: {  	v32 =	vadd.s32 s26, v13;
	[tilespmem:s28+$0x110] =	vst v34;
	v34 =	vadd.s32 v2, v37;
	v29 =	vld.idx.msk [tilespmem:v29+s12+$0x0], $0xffff  }
0x160: {  	v32 =	vadd.s32 v2, v32;
	v17 =	vld.idx.msk [tilespmem:v17+s12+$0x0], $0xffff;
	[tilespmem:s28+$0x190] =	vst v20;
	v20 =	vadd.s32 s8, v9  }
0x161: {  	v37 =	vadd.s32 s29, v12;
	v18 =	vld.idx.msk [tilespmem:v18+s12+$0x0], $0xffff;
	[tilespmem:s28+$0x210] =	vst v21;
	v20 =	vadd.s32 v6, v20  }
0x162: {  	v21 =	vadd.s32 v3, v37;
	v37 =	vadd.s32 s30, v12;
	v19 =	vld.idx.msk [tilespmem:v19+s12+$0x0], $0xffff;
	[tilespmem:s28+$0x290] =	vst v23  }
0x163: {  	v23 =	vadd.s32 v3, v37;
	v37 =	vadd.s32 s3, v12;
	v26 =	vld.idx.msk [tilespmem:v26+s12+$0x0], $0xffff;
	[tilespmem:s28+$0x310] =	vst v31  }
0x164: {  	v31 =	vadd.s32 v3, v37;
	[tilespmem:s28+$0xFFFFFC10] =	vst v33;
	v33 =	vadd.s32 s31, v12;
	v34 =	vld.idx.msk [tilespmem:v34+s12+$0x0], $0xffff  }
0x165: {  	v37 =	vadd.s32 s2, v12;
	v32 =	vld.idx.msk [tilespmem:v32+s12+$0x0], $0xffff;
	v33 =	vadd.s32 v3, v33;
	[tilespmem:s28+$0x3D0] =	vst v29  }
0x166: {  	v29 =	vadd.s32 v3, v37;
	[tilespmem:s28+$0xFFFFFCA0] =	vst v35;
	v35 =	vadd.s32 s6, v12;
	v20 =	vld.idx.msk [tilespmem:v20+s12+$0x0], $0xffff  }
0x167: {  	v21 =	vld.idx.msk [tilespmem:v21+s12+$0x0], $0xffff;
	[tilespmem:s28+$0xFFFFFD20] =	vst v30;
	v30 =	vadd.s32 v3, v35;
	v35 =	vadd.s32 s8, v8  }
0x168: {  	v23 =	vld.idx.msk [tilespmem:v23+s12+$0x0], $0xffff;
	[tilespmem:s28+$0xFFFFFDA0] =	vst v36;
	v36 =	vadd.s32 s0, v12;
	v35 =	vadd.s32 v7, v35  }
0x169: {  	v31 =	vld.idx.msk [tilespmem:v31+s12+$0x0], $0xffff;
	[tilespmem:s28+$0xFFFFFE20] =	vst v16;
	v16 =	vadd.s32 v3, v36;
	v36 =	vadd.s32 s7, v12  }
0x16a: {  	v33 =	vld.idx.msk [tilespmem:v33+s12+$0x0], $0xffff;
	[tilespmem:s28+$0xFFFFFEA0] =	vst v25;
	v25 =	vadd.s32 v3, v36;
	v36 =	vadd.s32 s19, v12  }
0x16b: {  	v29 =	vld.idx.msk [tilespmem:v29+s12+$0x0], $0xffff;
	[tilespmem:s28+$0xFFFFFF20] =	vst v27;
	v27 =	vadd.s32 v3, v36;
	v36 =	vadd.s32 s20, v12  }
0x16c: {  	v37 =	vadd.s32 s15, v12;
	v30 =	vld.idx.msk [tilespmem:v30+s12+$0x0], $0xffff;
	v36 =	vadd.s32 v3, v36;
	[tilespmem:s28+$0x3E0] =	vst v20  }
0x16d: {  	v20 =	vadd.s32 v3, v37;
	[tilespmem:s28+$0xFFFFFFA0] =	vst v28;
	v28 =	vadd.s32 s18, v12;
	v35 =	vld.idx.msk [tilespmem:v35+s12+$0x0], $0xffff  }
0x16e: {  	v37 =	vadd.s32 s10, v15;
	v38 =	vld.idx.msk [tilespmem:v16+s12+$0x0], $0xffff;
	[tilespmem:s28+$0x20] =	vst v22;
	v16 =	vadd.s32 v3, v28  }
0x16f: {  	v22 =	vadd.s32 v0, v37;
	v25 =	vld.idx.msk [tilespmem:v25+s12+$0x0], $0xffff;
	[tilespmem:s28+$0xA0] =	vst v24;
	v24 =	vadd.s32 s11, v12  }
0x170: {  	v27 =	vld.idx.msk [tilespmem:v27+s12+$0x0], $0xffff;
	[tilespmem:s28+$0x120] =	vst v17;
	v17 =	vadd.s32 v3, v24;
	v24 =	vadd.s32 s1, v12  }
0x171: {  	v28 =	vadd.s32 s26, v12;
	v36 =	vld.idx.msk [tilespmem:v36+s12+$0x0], $0xffff;
	[tilespmem:s28+$0x1A0] =	vst v18;
	v18 =	vadd.s32 v3, v24  }
0x172: {  	v24 =	vadd.s32 v3, v28;
	v28 =	vadd.s32 s29, v11;
	v20 =	vld.idx.msk [tilespmem:v20+s12+$0x0], $0xffff;
	[tilespmem:s28+$0x220] =	vst v19  }
0x173: {  	v19 =	vadd.s32 v4, v28;
	v28 =	vadd.s32 s30, v11;
	v37 =	vld.idx.msk [tilespmem:v16+s12+$0x0], $0xffff;
	[tilespmem:s28+$0x3F0] =	vst v35  }
0x174: {  	v16 =	vld.idx.msk [tilespmem:v22+s12+$0x0], $0xffff;
	v22 =	vadd.s32 v4, v28;
	v28 =	vadd.s32 s3, v11;
	[tilespmem:s28+$0x2A0] =	vst v26  }
0x175: {  	v26 =	vadd.s32 v4, v28;
	v28 =	vadd.s32 s31, v11;
	v17 =	vld.idx.msk [tilespmem:v17+s12+$0x0], $0xffff;
	[tilespmem:s28+$0x320] =	vst v34  }
0x176: {  	[tilespmem:s28+$0xFFFFFC20] =	vst v32;
	v28 =	vadd.s32 v4, v28;
	v32 =	vadd.s32 s2, v11;
	v18 =	vld.idx.msk [tilespmem:v18+s12+$0x0], $0xffff  }
0x177: {  	v24 =	vld.idx.msk [tilespmem:v24+s12+$0x0], $0xffff;
	[tilespmem:s28+$0xFFFFFCB0] =	vst v21;
	v21 =	vadd.s32 v4, v32;
	v32 =	vadd.s32 s6, v11  }
0x178: {  	v19 =	vld.idx.msk [tilespmem:v19+s12+$0x0], $0xffff;
	[tilespmem:s28+$0xFFFFFD30] =	vst v23;
	v23 =	vadd.s32 v4, v32;
	v32 =	vadd.s32 s0, v11  }
0x179: {  	v22 =	vld.idx.msk [tilespmem:v22+s12+$0x0], $0xffff;
	[tilespmem:s28+$0xFFFFFDB0] =	vst v31;
	v31 =	vadd.s32 v4, v32;
	v32 =	vadd.s32 s7, v11  }
0x17a: {  	v26 =	vld.idx.msk [tilespmem:v26+s12+$0x0], $0xffff;
	[tilespmem:s28+$0xFFFFFE30] =	vst v33;
	v32 =	vadd.s32 v4, v32;
	v33 =	vadd.s32 s19, v11  }
0x17b: {  	v28 =	vld.idx.msk [tilespmem:v28+s12+$0x0], $0xffff;
	[tilespmem:s28+$0xFFFFFEB0] =	vst v29;
	v29 =	vadd.s32 v4, v33;
	v33 =	vadd.s32 s20, v11  }
0x17c: {  	v21 =	vld.idx.msk [tilespmem:v21+s12+$0x0], $0xffff;
	[tilespmem:s28+$0xFFFFFF30] =	vst v30;
	v30 =	vadd.s32 v4, v33;
	v33 =	vadd.s32 s15, v11  }
0x17d: {  	v34 =	vadd.s32 s18, v11;
	v23 =	vld.idx.msk [tilespmem:v23+s12+$0x0], $0xffff;
	[tilespmem:s28+$0xFFFFFFB0] =	vst v38;
	v33 =	vadd.s32 v4, v33  }
0x17e: {  	v31 =	vld.idx.msk [tilespmem:v31+s12+$0x0], $0xffff;
	[tilespmem:s28+$0x30] =	vst v25;
	v25 =	vadd.s32 v4, v34;
	v34 =	vadd.s32 s11, v11  }
0x17f: {  	v32 =	vld.idx.msk [tilespmem:v32+s12+$0x0], $0xffff;
	[tilespmem:s28+$0xB0] =	vst v27;
	v27 =	vadd.s32 v4, v34;
	v34 =	vadd.s32 s1, v11  }
0x180: {  	v35 =	vadd.s32 s26, v11;
	v29 =	vld.idx.msk [tilespmem:v29+s12+$0x0], $0xffff;
	[tilespmem:s28+$0x130] =	vst v36;
	v34 =	vadd.s32 v4, v34  }
0x181: {  	v35 =	vadd.s32 v4, v35;
	v36 =	vadd.s32 s29, v10;
	v30 =	vld.idx.msk [tilespmem:v30+s12+$0x0], $0xffff;
	[tilespmem:s28+$0x1B0] =	vst v20  }
0x182: {  	v20 =	vadd.s32 v5, v36;
	v36 =	vadd.s32 s30, v10;
	v33 =	vld.idx.msk [tilespmem:v33+s12+$0x0], $0xffff;
	[tilespmem:s28+$0x230] =	vst v37  }
0x183: {  	v36 =	vadd.s32 v5, v36;
	v37 =	vadd.s32 s3, v10;
	v25 =	vld.idx.msk [tilespmem:v25+s12+$0x0], $0xffff;
	[tilespmem:s28+$0x2B0] =	vst v17  }
0x184: {  	v17 =	vadd.s32 v5, v37;
	v37 =	vadd.s32 s31, v10;
	v27 =	vld.idx.msk [tilespmem:v27+s12+$0x0], $0xffff;
	[tilespmem:s28+$0x330] =	vst v18  }
0x185: {  	v18 =	vadd.s32 v5, v37;
	[tilespmem:s28+$0xFFFFFC30] =	vst v24;
	v24 =	vadd.s32 s2, v10;
	v34 =	vld.idx.msk [tilespmem:v34+s12+$0x0], $0xffff  }
0x186: {  	v35 =	vld.idx.msk [tilespmem:v35+s12+$0x0], $0xffff;
	[tilespmem:s28+$0xFFFFFCC0] =	vst v19;
	v19 =	vadd.s32 v5, v24;
	v24 =	vadd.s32 s6, v10  }
0x187: {  	v20 =	vld.idx.msk [tilespmem:v20+s12+$0x0], $0xffff;
	[tilespmem:s28+$0xFFFFFD40] =	vst v22;
	v22 =	vadd.s32 v5, v24;
	v24 =	vadd.s32 s0, v10  }
0x188: {  	v36 =	vld.idx.msk [tilespmem:v36+s12+$0x0], $0xffff;
	[tilespmem:s28+$0xFFFFFDC0] =	vst v26;
	v24 =	vadd.s32 v5, v24;
	v26 =	vadd.s32 s7, v10  }
0x189: {  	v17 =	vld.idx.msk [tilespmem:v17+s12+$0x0], $0xffff;
	[tilespmem:s28+$0xFFFFFE40] =	vst v28;
	v26 =	vadd.s32 v5, v26;
	v28 =	vadd.s32 s19, v10  }
0x18a: {  	v18 =	vld.idx.msk [tilespmem:v18+s12+$0x0], $0xffff;
	[tilespmem:s28+$0xFFFFFEC0] =	vst v21;
	v21 =	vadd.s32 v5, v28;
	v28 =	vadd.s32 s20, v10  }
0x18b: {  	v19 =	vld.idx.msk [tilespmem:v19+s12+$0x0], $0xffff;
	[tilespmem:s28+$0xFFFFFF40] =	vst v23;
	v23 =	vadd.s32 v5, v28;
	v28 =	vadd.s32 s15, v10  }
0x18c: {  	v22 =	vld.idx.msk [tilespmem:v22+s12+$0x0], $0xffff;
	[tilespmem:s28+$0xFFFFFFC0] =	vst v31;
	v28 =	vadd.s32 v5, v28;
	v31 =	vadd.s32 s18, v10  }
0x18d: {  	v24 =	vld.idx.msk [tilespmem:v24+s12+$0x0], $0xffff;
	[tilespmem:s28+$0x40] =	vst v32;
	v31 =	vadd.s32 v5, v31;
	v32 =	vadd.s32 s11, v10  }
0x18e: {  	v26 =	vld.idx.msk [tilespmem:v26+s12+$0x0], $0xffff;
	[tilespmem:s28+$0xC0] =	vst v29;
	v29 =	vadd.s32 v5, v32;
	v32 =	vadd.s32 s1, v10  }
0x18f: {  	v37 =	vadd.s32 s26, v10;
	v21 =	vld.idx.msk [tilespmem:v21+s12+$0x0], $0xffff;
	[tilespmem:s28+$0x140] =	vst v30;
	v30 =	vadd.s32 v5, v32  }
0x190: {  	v32 =	vadd.s32 v5, v37;
	v37 =	vadd.s32 s29, v9;
	v23 =	vld.idx.msk [tilespmem:v23+s12+$0x0], $0xffff;
	[tilespmem:s28+$0x1C0] =	vst v33  }
0x191: {  	v33 =	vadd.s32 v6, v37;
	v37 =	vadd.s32 s30, v9;
	v28 =	vld.idx.msk [tilespmem:v28+s12+$0x0], $0xffff;
	[tilespmem:s28+$0x240] =	vst v25  }
0x192: {  	v25 =	vadd.s32 v6, v37;
	v37 =	vadd.s32 s3, v9;
	v31 =	vld.idx.msk [tilespmem:v31+s12+$0x0], $0xffff;
	[tilespmem:s28+$0x2C0] =	vst v27  }
0x193: {  	v27 =	vadd.s32 v6, v37;
	v37 =	vadd.s32 s31, v9;
	v29 =	vld.idx.msk [tilespmem:v29+s12+$0x0], $0xffff;
	[tilespmem:s28+$0x340] =	vst v34  }
0x194: {  	v34 =	vadd.s32 v6, v37;
	[tilespmem:s28+$0xFFFFFC40] =	vst v35;
	v35 =	vadd.s32 s2, v9;
	v30 =	vld.idx.msk [tilespmem:v30+s12+$0x0], $0xffff  }
0x195: {  	v32 =	vld.idx.msk [tilespmem:v32+s12+$0x0], $0xffff;
	[tilespmem:s28+$0xFFFFFCD0] =	vst v20;
	v20 =	vadd.s32 v6, v35;
	v35 =	vadd.s32 s6, v9  }
0x196: {  	v33 =	vld.idx.msk [tilespmem:v33+s12+$0x0], $0xffff;
	[tilespmem:s28+$0xFFFFFD50] =	vst v36;
	v35 =	vadd.s32 v6, v35;
	v36 =	vadd.s32 s0, v9  }
0x197: {  	v25 =	vld.idx.msk [tilespmem:v25+s12+$0x0], $0xffff;
	[tilespmem:s28+$0xFFFFFDD0] =	vst v17;
	v17 =	vadd.s32 v6, v36;
	v36 =	vadd.s32 s7, v9  }
0x198: {  	v27 =	vld.idx.msk [tilespmem:v27+s12+$0x0], $0xffff;
	[tilespmem:s28+$0xFFFFFE50] =	vst v18;
	v18 =	vadd.s32 v6, v36;
	v36 =	vadd.s32 s19, v9  }
0x199: {  	v34 =	vld.idx.msk [tilespmem:v34+s12+$0x0], $0xffff;
	[tilespmem:s28+$0xFFFFFED0] =	vst v19;
	v19 =	vadd.s32 v6, v36;
	v36 =	vadd.s32 s20, v9  }
0x19a: {  	v20 =	vld.idx.msk [tilespmem:v20+s12+$0x0], $0xffff;
	[tilespmem:s28+$0xFFFFFF50] =	vst v22;
	v22 =	vadd.s32 v6, v36;
	v36 =	vadd.s32 s15, v9  }
0x19b: {  	v35 =	vld.idx.msk [tilespmem:v35+s12+$0x0], $0xffff;
	[tilespmem:s28+$0xFFFFFFD0] =	vst v24;
	v24 =	vadd.s32 v6, v36;
	v36 =	vadd.s32 s18, v9  }
0x19c: {  	v37 =	vld.idx.msk [tilespmem:v17+s12+$0x0], $0xffff;
	[tilespmem:s28+$0x50] =	vst v26;
	v17 =	vadd.s32 v6, v36;
	v26 =	vadd.s32 s11, v9  }
0x19d: {  	v36 =	vld.idx.msk [tilespmem:v18+s12+$0x0], $0xffff;
	[tilespmem:s28+$0xD0] =	vst v21;
	v18 =	vadd.s32 v6, v26;
	v21 =	vadd.s32 s1, v9  }
0x19e: {  	v26 =	vadd.s32 s26, v9;
	v38 =	vld.idx.msk [tilespmem:v19+s12+$0x0], $0xffff;
	[tilespmem:s28+$0x150] =	vst v23;
	v19 =	vadd.s32 v6, v21  }
0x19f: {  	v21 =	vadd.s32 v6, v26;
	v23 =	vadd.s32 s29, v8;
	v26 =	vld.idx.msk [tilespmem:v22+s12+$0x0], $0xffff;
	[tilespmem:s28+$0x1D0] =	vst v28  }
0x1a0: {  	v22 =	vadd.s32 v7, v23;
	v23 =	vadd.s32 s30, v8;
	v24 =	vld.idx.msk [tilespmem:v24+s12+$0x0], $0xffff;
	[tilespmem:s28+$0x250] =	vst v31  }
0x1a1: {  	v28 =	vadd.s32 s3, v8;
	v23 =	vadd.s32 v7, v23;
	v31 =	vld.idx.msk [tilespmem:v17+s12+$0x0], $0xffff;
	[tilespmem:s28+$0x2D0] =	vst v29  }
0x1a2: {  	v17 =	vadd.s32 v7, v28;
	v28 =	vadd.s32 s31, v8;
	v29 =	vld.idx.msk [tilespmem:v18+s12+$0x0], $0xffff;
	[tilespmem:s28+$0x350] =	vst v30  }
0x1a3: {  	v18 =	vadd.s32 v7, v28;
	v28 =	vadd.s32 s2, v8;
	[tilespmem:s28+$0xFFFFFC50] =	vst v32;
	v30 =	vld.idx.msk [tilespmem:v19+s12+$0x0], $0xffff  }
0x1a4: {  	v19 =	vadd.s32 v7, v28;
	v39 =	vld.idx.msk [tilespmem:v21+s12+$0x0], $0xffff;
	[tilespmem:s28+$0xFFFFFCE0] =	vst v33;
	v21 =	vadd.s32 s6, v8  }
0x1a5: {  	v40 =	vld.idx.msk [tilespmem:v22+s12+$0x0], $0xffff;
	[tilespmem:s28+$0xFFFFFD60] =	vst v25;
	v21 =	vadd.s32 v7, v21;
	v22 =	vadd.s32 s0, v8  }
0x1a6: {  	v41 =	vld.idx.msk [tilespmem:v23+s12+$0x0], $0xffff;
	[tilespmem:s28+$0xFFFFFDE0] =	vst v27;
	v22 =	vadd.s32 v7, v22;
	v23 =	vadd.s32 s7, v8  }
0x1a7: {  	v25 =	vadd.s32 s19, v8;
	v42 =	vld.idx.msk [tilespmem:v17+s12+$0x0], $0xffff;
	[tilespmem:s28+$0xFFFFFE60] =	vst v34;
	v23 =	vadd.s32 v7, v23  }
0x1a8: {  	v25 =	vadd.s32 v7, v25;
	v17 =	vld.idx.msk [tilespmem:v18+s12+$0x0], $0xffff;
	[tilespmem:s28+$0xFFFFFEE0] =	vst v20;
	v20 =	vadd.s32 s20, v8  }
0x1a9: {  	v18 =	vld.idx.msk [tilespmem:v19+s12+$0x0], $0xffff;
	[tilespmem:s28+$0xFFFFFF60] =	vst v35;
	v27 =	vadd.s32 v7, v20;
	v20 =	vadd.s32 s15, v8  }
0x1aa: {  	v19 =	vld.idx.msk [tilespmem:v21+s12+$0x0], $0xffff;
	[tilespmem:s28+$0xFFFFFFE0] =	vst v37;
	v28 =	vadd.s32 v7, v20;
	v21 =	vadd.s32 s18, v8  }
0x1ab: {  	v20 =	vld.idx.msk [tilespmem:v22+s12+$0x0], $0xffff;
	[tilespmem:s28+$0x60] =	vst v36;
	v32 =	vadd.s32 v7, v21;
	v22 =	vadd.s32 s11, v8  }
0x1ac: {  	v21 =	vld.idx.msk [tilespmem:v23+s12+$0x0], $0xffff;
	[tilespmem:s28+$0xE0] =	vst v38;
	v33 =	vadd.s32 v7, v22;
	v23 =	vadd.s32 s1, v8  }
0x1ad: {  	s29 =	sadd.s32 $0x1, s10;
	v34 =	vadd.s32 s26, v8;
	s26 =	smov.u32 s10;
	v22 =	vld.idx.msk [tilespmem:v25+s12+$0x0], $0xffff;
	[tilespmem:s28+$0x160] =	vst v26;
	v26 =	vadd.s32 v7, v23  }
0x1ae: {  	s30 =	sadd.s32 $0x2, s10;
	v35 =	vadd.s32 v7, v34;
	v25 =	vadd.s32 s29, v15;
	v23 =	vld.idx.msk [tilespmem:v27+s12+$0x0], $0xffff;
	[tilespmem:s28+$0x1E0] =	vst v24  }
0x1af: {  	s3 =	sadd.s32 $0x3, s10;
	v24 =	vadd.s32 v0, v25;
	v27 =	vadd.s32 s30, v15;
	v25 =	vld.idx.msk [tilespmem:v28+s12+$0x0], $0xffff;
	[tilespmem:s28+$0x260] =	vst v31  }
0x1b0: {  	s31 =	sadd.s32 $0x4, s10;
	v31 =	vadd.s32 v0, v27;
	v28 =	vadd.s32 s3, v15;
	v27 =	vld.idx.msk [tilespmem:v32+s12+$0x0], $0xffff;
	[tilespmem:s28+$0x2E0] =	vst v29  }
.Ltmp1:
0x1b1: {  	s2 =	sadd.s32 $0x5, s10;
	v34 =	vadd.s32 v0, v28;
	v29 =	vadd.s32 s31, v15;
	v28 =	vld.idx.msk [tilespmem:v33+s12+$0x0], $0xffff;
	[tilespmem:s28+$0x360] =	vst v30;
	(pc) =	sbr.rel @p1 .LBB2_5-.Ltmp1, $4  }
0x1b2: {  	s6 =	sadd.s32 $0x6, s10;
	v32 =	vadd.s32 v0, v29;
	v30 =	vadd.s32 s2, v15;
	[tilespmem:s28+$0xFFFFFC60] =	vst v39;
	v29 =	vld.idx.msk [tilespmem:v26+s12+$0x0], $0xffff  }
0x1b3: {  	s0 =	sadd.s32 $0x7, s10;
	v33 =	vadd.s32 v0, v30;
	v26 =	vadd.s32 s6, v15;
	v30 =	vld.idx.msk [tilespmem:v35+s12+$0x0], $0xffff;
	[tilespmem:s28+$0xFFFFFCF0] =	vst v40  }
0x1b4: {  	s7 =	sadd.s32 $0x8, s10;
	v36 =	vadd.s32 s0, v15;
	v35 =	vadd.s32 v0, v26;
	v24 =	vld.idx.msk [tilespmem:v24+s12+$0x0], $0xffff;
	[tilespmem:s28+$0xFFFFFD70] =	vst v41  }
0x1b5: {  	s10 =	sadd.s32 $0x10, s10;
	s8 =	sadd.s32 $0xF, s26;
	v26 =	vld.idx.msk [tilespmem:v31+s12+$0x0], $0xffff;
	v31 =	vadd.s32 v0, v36;
	v36 =	vadd.s32 s7, v15;
	[tilespmem:s28+$0xFFFFFDF0] =	vst v42  }
0x1b6: {  	[tilespmem:s28+$0xFFFFFE70] =	vst v17  }
0x1b7: {  	[tilespmem:s28+$0xFFFFFEF0] =	vst v18  }
0x1b8: {  	[tilespmem:s28+$0xFFFFFF70] =	vst v19  }
0x1b9: {  	[tilespmem:s28+$0xFFFFFFF0] =	vst v20  }
0x1ba: {  	[tilespmem:s28+$0x70] =	vst v21  }
0x1bb: {  	[tilespmem:s28+$0xF0] =	vst v22  }
0x1bc: {  	[tilespmem:s28+$0x170] =	vst v23  }
0x1bd: {  	[tilespmem:s28+$0x1F0] =	vst v25  }
0x1be: {  	[tilespmem:s28+$0x270] =	vst v27  }
0x1bf: {  	[tilespmem:s28+$0x2F0] =	vst v28  }
0x1c0: {  	v42 =	vadd.s32 s8, v15;
	v44 =	vld.idx.msk [tilespmem:v34+s12+$0x0], $0xffff;
	v45 =	vadd.s32 v0, v36;
	s1 =	sadd.s32 $0x800, s28;
	[tilespmem:s28+$0x370] =	vst v29  }
0x1c1: {  	v46 =	vld.idx.msk [tilespmem:v32+s12+$0x0], $0xffff;
	v34 =	vadd.s32 s31, v14;
	v17 =	vadd.s32 v0, v42;
	[tilespmem:s1+$0xFFFFFC00] =	vst v16  }
0x1c2: {  	s10 =	sadd.s32 $0x9, s26;
	v50 =	vld.idx.msk [tilespmem:v35+s12+$0x0], $0xffff;
	v36 =	vadd.s32 s6, v14;
	v21 =	vadd.s32 v1, v34;
	[tilespmem:s28+$0xFFFFFC70] =	vst v30  }
0x1c3: {  	s11 =	sadd.s32 $0xA, s26;
	v48 =	vld.idx.msk [tilespmem:v33+s12+$0x0], $0xffff;
	v47 =	vadd.s32 s10, v15;
	v23 =	vadd.s32 v1, v36;
	[tilespmem:s1+$0xFFFFFC80] =	vst v24  }
0x1c4: {  	s15 =	sadd.s32 $0xB, s26;
	v54 =	vld.idx.msk [tilespmem:v31+s12+$0x0], $0xffff;
	v49 =	vadd.s32 s11, v15;
	v22 =	vadd.s32 v0, v47;
	[tilespmem:s1+$0xFFFFFD00] =	vst v26  }
0x1c5: {  	s18 =	sadd.s32 $0xC, s26;
	v51 =	vadd.s32 s15, v15;
	v25 =	vadd.s32 v0, v49;
	[tilespmem:s1+$0xFFFFFD80] =	vst v44;
	v56 =	vld.idx.msk [tilespmem:v45+s12+$0x0], $0xffff  }
0x1c6: {  	s19 =	sadd.s32 $0xD, s26;
	v53 =	vadd.s32 s18, v15;
	v52 =	vadd.s32 v0, v51;
	[tilespmem:s1+$0xFFFFFE00] =	vst v46;
	v17 =	vld.idx.msk [tilespmem:v17+s12+$0x0], $0xffff  }
0x1c7: {  	s20 =	sadd.s32 $0xE, s26;
	v57 =	vadd.s32 s19, v15;
	v27 =	vadd.s32 v0, v53;
	[tilespmem:s1+$0xFFFFFF00] =	vst v50;
	v41 =	vld.idx.msk [tilespmem:v21+s12+$0x0], $0xffff  }
0x1c8: {  	v58 =	vadd.s32 s20, v15;
	v20 =	vadd.s32 v0, v57;
	[tilespmem:s1+$0xFFFFFE80] =	vst v48;
	v46 =	vld.idx.msk [tilespmem:v23+s12+$0x0], $0xffff  }
0x1c9: {  	v43 =	vadd.s32 s8, v14;
	v15 =	vadd.s32 v0, v58;
	v30 =	vadd.s32 s3, v14;
	[tilespmem:s1+$0xFFFFFF80] =	vst v54;
	v59 =	vld.idx.msk [tilespmem:v22+s12+$0x0], $0xffff  }
0x1ca: {  	v61 =	vadd.s32 s29, v14;
	v37 =	vadd.s32 s0, v14;
	v32 =	vadd.s32 v1, v30;
	v60 =	vld.idx.msk [tilespmem:v25+s12+$0x0], $0xffff;
	[tilespmem:s1+$0x0] =	vst v56  }
0x1cb: {  	v63 =	vadd.s32 s30, v14;
	v35 =	vadd.s32 s2, v14;
	v24 =	vadd.s32 v1, v37;
	v62 =	vld.idx.msk [tilespmem:v52+s12+$0x0], $0xffff;
	[tilespmem:s1+$0x380] =	vst v17  }
0x1cc: {  	v38 =	vadd.s32 s7, v14;
	v18 =	vadd.s32 v1, v43;
	v40 =	vadd.s32 s10, v14;
	v29 =	vld.idx.msk [tilespmem:v27+s12+$0x0], $0xffff;
	[tilespmem:s1+$0xFFFFFE10] =	vst v41  }
0x1cd: {  	v47 =	vadd.s32 s15, v14;
	v49 =	vadd.s32 s18, v14;
	v20 =	vld.idx.msk [tilespmem:v20+s12+$0x0], $0xffff;
	v22 =	vadd.s32 v1, v35;
	[tilespmem:s1+$0xFFFFFF10] =	vst v46  }
0x1ce: {  	v39 =	vadd.s32 v1, v38;
	v51 =	vadd.s32 s19, v14;
	v53 =	vadd.s32 s26, v14;
	v15 =	vld.idx.msk [tilespmem:v15+s12+$0x0], $0xffff;
	[tilespmem:s1+$0x80] =	vst v59  }
0x1cf: {  	v45 =	vadd.s32 s11, v14;
	v52 =	vadd.s32 s20, v14;
	v14 =	vadd.s32 v1, v53;
	v19 =	vld.idx.msk [tilespmem:v32+s12+$0x0], $0xffff;
	[tilespmem:s1+$0x100] =	vst v60  }
0x1d0: {  	v42 =	vadd.s32 v1, v40;
	v24 =	vld.idx.msk [tilespmem:v24+s12+$0x0], $0xffff;
	[tilespmem:s1+$0x180] =	vst v62  }
0x1d1: {  	v50 =	vadd.s32 v1, v49;
	v18 =	vld.idx.msk [tilespmem:v18+s12+$0x0], $0xffff;
	[tilespmem:s1+$0x200] =	vst v29  }
0x1d2: {  	v23 =	vadd.s32 v1, v51;
	[tilespmem:s1+$0x280] =	vst v20;
	v44 =	vld.idx.msk [tilespmem:v22+s12+$0x0], $0xffff  }
0x1d3: {  	v54 =	vadd.s32 v1, v52;
	[tilespmem:s1+$0x300] =	vst v15;
	v20 =	vld.idx.msk [tilespmem:v39+s12+$0x0], $0xffff  }
0x1d4: {  	v17 =	vadd.s32 v1, v61;
	v14 =	vld.idx.msk [tilespmem:v14+s12+$0x0], $0xffff;
	[tilespmem:s1+$0xFFFFFD90] =	vst v19  }
0x1d5: {  	v55 =	vadd.s32 s8, v13;
	v22 =	vadd.s32 v1, v45;
	v21 =	vld.idx.msk [tilespmem:v42+s12+$0x0], $0xffff;
	[tilespmem:s1+$0xFFFFFF90] =	vst v24  }
0x1d6: {  	v28 =	vadd.s32 v2, v55;
	v61 =	vadd.s32 s3, v13;
	v19 =	vld.idx.msk [tilespmem:v50+s12+$0x0], $0xffff;
	[tilespmem:s1+$0x390] =	vst v18  }
0x1d7: {  	v35 =	vadd.s32 s7, v13;
	v62 =	vadd.s32 v2, v61;
	v23 =	vld.idx.msk [tilespmem:v23+s12+$0x0], $0xffff;
	[tilespmem:s1+$0xFFFFFE90] =	vst v44  }
0x1d8: {  	v37 =	vadd.s32 s10, v13;
	v36 =	vadd.s32 v2, v35;
	v15 =	vld.idx.msk [tilespmem:v54+s12+$0x0], $0xffff;
	[tilespmem:s1+$0x10] =	vst v20  }
0x1d9: {  	v38 =	vadd.s32 v2, v37;
	v17 =	vld.idx.msk [tilespmem:v17+s12+$0x0], $0xffff;
	[tilespmem:s1+$0xFFFFFC10] =	vst v14  }
0x1da: {  	v43 =	vadd.s32 s8, v11;
	v34 =	vadd.s32 s0, v13;
	v18 =	vadd.s32 v1, v63;
	v56 =	vld.idx.msk [tilespmem:v22+s12+$0x0], $0xffff;
	[tilespmem:s1+$0x90] =	vst v21  }
0x1db: {  	v26 =	vadd.s32 v4, v43;
	v43 =	vadd.s32 s18, v13;
	v20 =	vadd.s32 v2, v34;
	v31 =	vld.idx.msk [tilespmem:v28+s12+$0x0], $0xffff;
	[tilespmem:s1+$0x210] =	vst v19  }
0x1dc: {  	v45 =	vadd.s32 v2, v43;
	v63 =	vadd.s32 s31, v13;
	[tilespmem:s1+$0x290] =	vst v23;
	v21 =	vld.idx.msk [tilespmem:v62+s12+$0x0], $0xffff  }
0x1dd: {  	v33 =	vadd.s32 s8, v12;
	v24 =	vadd.s32 v2, v63;
	[tilespmem:s1+$0x310] =	vst v15;
	v15 =	vld.idx.msk [tilespmem:v36+s12+$0x0], $0xffff  }
0x1de: {  	v25 =	vadd.s32 v3, v33;
	v28 =	vadd.s32 s2, v13;
	v14 =	vld.idx.msk [tilespmem:v38+s12+$0x0], $0xffff;
	[tilespmem:s1+$0xFFFFFC90] =	vst v17  }
0x1df: {  	v58 =	vadd.s32 s29, v13;
	v29 =	vadd.s32 v2, v28;
	v18 =	vld.idx.msk [tilespmem:v18+s12+$0x0], $0xffff;
	[tilespmem:s1+$0x110] =	vst v56  }
0x1e0: {  	v17 =	vadd.s32 v2, v58;
	v44 =	vld.idx.msk [tilespmem:v20+s12+$0x0], $0xffff;
	[tilespmem:s1+$0x3A0] =	vst v31  }
0x1e1: {  	v57 =	vadd.s32 s8, v10;
	v48 =	vadd.s32 v1, v47;
	v59 =	vadd.s32 s30, v13;
	v20 =	vld.idx.msk [tilespmem:v45+s12+$0x0], $0xffff;
	[tilespmem:s1+$0xFFFFFDA0] =	vst v21  }
0x1e2: {  	v60 =	vadd.s32 v2, v59;
	v22 =	vadd.s32 v5, v57;
	v57 =	vadd.s32 s31, v12;
	v24 =	vld.idx.msk [tilespmem:v24+s12+$0x0], $0xffff;
	[tilespmem:s1+$0x20] =	vst v15  }
0x1e3: {  	v59 =	vadd.s32 v3, v57;
	v25 =	vld.idx.msk [tilespmem:v25+s12+$0x0], $0xffff;
	[tilespmem:s1+$0xA0] =	vst v14  }
0x1e4: {  	v30 =	vadd.s32 s6, v13;
	v16 =	vld.idx.msk [tilespmem:v29+s12+$0x0], $0xffff;
	v29 =	vadd.s32 s0, v12;
	[tilespmem:s1+$0xFFFFFD10] =	vst v18  }
0x1e5: {  	v47 =	vadd.s32 s19, v13;
	v31 =	vadd.s32 v2, v30;
	v30 =	vadd.s32 v3, v29;
	v17 =	vld.idx.msk [tilespmem:v17+s12+$0x0], $0xffff;
	[tilespmem:s1+$0xFFFFFFA0] =	vst v44  }
0x1e6: {  	v49 =	vadd.s32 s26, v13;
	v41 =	vadd.s32 s15, v13;
	v18 =	vld.idx.msk [tilespmem:v48+s12+$0x0], $0xffff;
	[tilespmem:s1+$0x220] =	vst v20  }
0x1e7: {  	v39 =	vadd.s32 s11, v13;
	v48 =	vadd.s32 s20, v13;
	v13 =	vadd.s32 v2, v49;
	v33 =	vld.idx.msk [tilespmem:v60+s12+$0x0], $0xffff;
	[tilespmem:s1+$0xFFFFFE20] =	vst v24  }
0x1e8: {  	v42 =	vadd.s32 v2, v41;
	[tilespmem:s1+$0x3B0] =	vst v25;
	v34 =	vld.idx.msk [tilespmem:v59+s12+$0x0], $0xffff  }
0x1e9: {  	v51 =	vadd.s32 s29, v12;
	v52 =	vadd.s32 s30, v12;
	v50 =	vadd.s32 v2, v48;
	[tilespmem:s1+$0xFFFFFEA0] =	vst v16;
	v55 =	vld.idx.msk [tilespmem:v26+s12+$0x0], $0xffff  }
0x1ea: {  	v32 =	vadd.s32 s8, v9;
	v53 =	vadd.s32 v3, v52;
	v60 =	vadd.s32 s2, v12;
	v43 =	vld.idx.msk [tilespmem:v30+s12+$0x0], $0xffff;
	[tilespmem:s1+$0xFFFFFCA0] =	vst v17  }
0x1eb: {  	v40 =	vadd.s32 v2, v39;
	v54 =	vadd.s32 s3, v12;
	v61 =	vadd.s32 v3, v60;
	[tilespmem:s1+$0x190] =	vst v18;
	v18 =	vld.idx.msk [tilespmem:v31+s12+$0x0], $0xffff  }
0x1ec: {  	v39 =	vadd.s32 s15, v12;
	v62 =	vadd.s32 s6, v12;
	v21 =	vadd.s32 v2, v47;
	v13 =	vld.idx.msk [tilespmem:v13+s12+$0x0], $0xffff;
	[tilespmem:s1+$0xFFFFFD20] =	vst v33  }
0x1ed: {  	v36 =	vadd.s32 s11, v12;
	v56 =	vadd.s32 v3, v54;
	v45 =	vadd.s32 s19, v12;
	v17 =	vld.idx.msk [tilespmem:v42+s12+$0x0], $0xffff;
	[tilespmem:s1+$0xFFFFFE30] =	vst v34  }
0x1ee: {  	v49 =	vadd.s32 s26, v12;
	v31 =	vadd.s32 s7, v12;
	v58 =	vld.idx.msk [tilespmem:v50+s12+$0x0], $0xffff;
	[tilespmem:s1+$0x3C0] =	vst v55  }
0x1ef: {  	v48 =	vadd.s32 s20, v12;
	v25 =	vadd.s32 v6, v32;
	v32 =	vadd.s32 v3, v31;
	v19 =	vld.idx.msk [tilespmem:v53+s12+$0x0], $0xffff;
	[tilespmem:s1+$0xFFFFFFB0] =	vst v43  }
0x1f0: {  	v33 =	vadd.s32 s10, v12;
	v42 =	vadd.s32 s18, v12;
	v12 =	vadd.s32 v3, v49;
	v37 =	vld.idx.msk [tilespmem:v61+s12+$0x0], $0xffff;
	[tilespmem:s1+$0xFFFFFF20] =	vst v18  }
0x1f1: {  	v35 =	vadd.s32 v3, v33;
	v55 =	vld.idx.msk [tilespmem:v21+s12+$0x0], $0xffff;
	[tilespmem:s1+$0xFFFFFC20] =	vst v13  }
0x1f2: {  	v41 =	vadd.s32 v3, v39;
	v21 =	vld.idx.msk [tilespmem:v56+s12+$0x0], $0xffff;
	[tilespmem:s1+$0x1A0] =	vst v17  }
0x1f3: {  	v46 =	vadd.s32 s8, v8;
	v60 =	vadd.s32 s31, v11;
	v44 =	vadd.s32 v3, v42;
	v22 =	vld.idx.msk [tilespmem:v22+s12+$0x0], $0xffff;
	[tilespmem:s1+$0x320] =	vst v58  }
0x1f4: {  	v23 =	vadd.s32 v7, v46;
	v61 =	vadd.s32 v4, v60;
	v46 =	vld.idx.msk [tilespmem:v32+s12+$0x0], $0xffff;
	[tilespmem:s1+$0xFFFFFD30] =	vst v19  }
0x1f5: {  	v50 =	vadd.s32 v3, v48;
	v12 =	vld.idx.msk [tilespmem:v12+s12+$0x0], $0xffff;
	[tilespmem:s1+$0xFFFFFEB0] =	vst v37  }
0x1f6: {  	v16 =	vld.idx.msk [tilespmem:v35+s12+$0x0], $0xffff;
	[tilespmem:s1+$0x2A0] =	vst v55  }
0x1f7: {  	v28 =	vadd.s32 v3, v62;
	v53 =	vld.idx.msk [tilespmem:v41+s12+$0x0], $0xffff;
	[tilespmem:s1+$0xFFFFFDB0] =	vst v21  }
0x1f8: {  	v56 =	vld.idx.msk [tilespmem:v44+s12+$0x0], $0xffff;
	[tilespmem:s1+$0x3D0] =	vst v22  }
0x1f9: {  	v18 =	vadd.s32 v3, v51;
	v58 =	vadd.s32 s3, v11;
	v19 =	vld.idx.msk [tilespmem:v61+s12+$0x0], $0xffff;
	[tilespmem:s1+$0x30] =	vst v46  }
0x1fa: {  	v30 =	vadd.s32 s7, v11;
	v59 =	vadd.s32 v4, v58;
	v21 =	vld.idx.msk [tilespmem:v50+s12+$0x0], $0xffff;
	[tilespmem:s1+$0xFFFFFC30] =	vst v12  }
0x1fb: {  	v39 =	vadd.s32 s18, v11;
	v32 =	vadd.s32 v4, v30;
	v22 =	vld.idx.msk [tilespmem:v40+s12+$0x0], $0xffff;
	[tilespmem:s1+$0xB0] =	vst v16  }
0x1fc: {  	v41 =	vadd.s32 v4, v39;
	v55 =	vadd.s32 s30, v11;
	v40 =	vld.idx.msk [tilespmem:v28+s12+$0x0], $0xffff;
	[tilespmem:s1+$0x1B0] =	vst v53  }
0x1fd: {  	v27 =	vadd.s32 s0, v11;
	v57 =	vadd.s32 v4, v55;
	v25 =	vld.idx.msk [tilespmem:v25+s12+$0x0], $0xffff;
	[tilespmem:s1+$0x230] =	vst v56  }
0x1fe: {  	v29 =	vadd.s32 v4, v27;
	v63 =	vld.idx.msk [tilespmem:v18+s12+$0x0], $0xffff;
	[tilespmem:s1+$0xFFFFFE40] =	vst v19  }
0x1ff: {  	v52 =	vadd.s32 s29, v11;
	v38 =	vadd.s32 v3, v36;
	v24 =	vadd.s32 s6, v11;
	v31 =	vld.idx.msk [tilespmem:v59+s12+$0x0], $0xffff;
	[tilespmem:s1+$0x330] =	vst v21  }
0x200: {  	v62 =	vadd.s32 s2, v11;
	v36 =	vadd.s32 s15, v11;
	v26 =	vadd.s32 v4, v24;
	v43 =	vld.idx.msk [tilespmem:v32+s12+$0x0], $0xffff;
	[tilespmem:s1+$0x120] =	vst v22  }
0x201: {  	v47 =	vadd.s32 v3, v45;
	v45 =	vadd.s32 s20, v11;
	v33 =	vadd.s32 s10, v11;
	v20 =	vld.idx.msk [tilespmem:v41+s12+$0x0], $0xffff;
	[tilespmem:s1+$0xFFFFFF30] =	vst v40  }
0x202: {  	v54 =	vadd.s32 v4, v52;
	v34 =	vadd.s32 s11, v11;
	v46 =	vadd.s32 s26, v11;
	v28 =	vld.idx.msk [tilespmem:v57+s12+$0x0], $0xffff;
	[tilespmem:s1+$0x3E0] =	vst v25  }
0x203: {  	v42 =	vadd.s32 s19, v11;
	v55 =	vadd.s32 s31, v10;
	v11 =	vadd.s32 v4, v46;
	v40 =	vld.idx.msk [tilespmem:v29+s12+$0x0], $0xffff;
	[tilespmem:s1+$0xFFFFFCB0] =	vst v63  }
0x204: {  	v56 =	vadd.s32 v5, v55;
	v51 =	vld.idx.msk [tilespmem:v38+s12+$0x0], $0xffff;
	[tilespmem:s1+$0xFFFFFDC0] =	vst v31  }
0x205: {  	v63 =	vadd.s32 v4, v62;
	v37 =	vld.idx.msk [tilespmem:v26+s12+$0x0], $0xffff;
	[tilespmem:s1+$0x40] =	vst v43  }
0x206: {  	v60 =	vadd.s32 s0, v10;
	v38 =	vadd.s32 v4, v36;
	v23 =	vld.idx.msk [tilespmem:v23+s12+$0x0], $0xffff;
	[tilespmem:s1+$0x240] =	vst v20  }
0x207: {  	v61 =	vadd.s32 v5, v60;
	v25 =	vld.idx.msk [tilespmem:v54+s12+$0x0], $0xffff;
	[tilespmem:s1+$0xFFFFFD40] =	vst v28  }
0x208: {  	v11 =	vld.idx.msk [tilespmem:v11+s12+$0x0], $0xffff;
	[tilespmem:s1+$0xFFFFFFC0] =	vst v40  }
0x209: {  	v22 =	vadd.s32 v4, v33;
	v14 =	vld.idx.msk [tilespmem:v56+s12+$0x0], $0xffff;
	[tilespmem:s1+$0x130] =	vst v51  }
0x20a: {  	v35 =	vadd.s32 v4, v34;
	v16 =	vld.idx.msk [tilespmem:v63+s12+$0x0], $0xffff;
	[tilespmem:s1+$0xFFFFFF40] =	vst v37  }
0x20b: {  	v48 =	vadd.s32 v4, v45;
	v53 =	vadd.s32 s3, v10;
	v18 =	vld.idx.msk [tilespmem:v38+s12+$0x0], $0xffff;
	[tilespmem:s1+$0x3F0] =	vst v23  }
0x20c: {  	v59 =	vadd.s32 s6, v10;
	v54 =	vadd.s32 v5, v53;
	v31 =	vld.idx.msk [tilespmem:v61+s12+$0x0], $0xffff;
	[tilespmem:s1+$0xFFFFFCC0] =	vst v25  }
0x20d: {  	v49 =	vadd.s32 s29, v10;
	v19 =	vadd.s32 v5, v59;
	v23 =	vld.idx.msk [tilespmem:v47+s12+$0x0], $0xffff;
	[tilespmem:s1+$0xFFFFFC40] =	vst v11  }
0x20e: {  	v50 =	vadd.s32 v5, v49;
	v62 =	vadd.s32 s7, v10;
	v47 =	vld.idx.msk [tilespmem:v22+s12+$0x0], $0xffff;
	[tilespmem:s1+$0xFFFFFE50] =	vst v14  }
0x20f: {  	v30 =	vadd.s32 s18, v10;
	v63 =	vadd.s32 v5, v62;
	v21 =	vld.idx.msk [tilespmem:v35+s12+$0x0], $0xffff;
	[tilespmem:s1+$0xFFFFFEC0] =	vst v16  }
0x210: {  	v32 =	vadd.s32 v5, v30;
	v51 =	vadd.s32 s30, v10;
	v22 =	vld.idx.msk [tilespmem:v48+s12+$0x0], $0xffff;
	[tilespmem:s1+$0x1C0] =	vst v18  }
0x211: {  	v57 =	vadd.s32 s2, v10;
	v52 =	vadd.s32 v5, v51;
	v15 =	vld.idx.msk [tilespmem:v54+s12+$0x0], $0xffff;
	[tilespmem:s1+$0xFFFFFFD0] =	vst v31  }
0x212: {  	v27 =	vadd.s32 s15, v10;
	v24 =	vadd.s32 s10, v10;
	v58 =	vadd.s32 v5, v57;
	v28 =	vld.idx.msk [tilespmem:v19+s12+$0x0], $0xffff;
	[tilespmem:s1+$0x2B0] =	vst v23  }
0x213: {  	v29 =	vadd.s32 v5, v27;
	v33 =	vadd.s32 s19, v10;
	v37 =	vadd.s32 s26, v10;
	v16 =	vld.idx.msk [tilespmem:v50+s12+$0x0], $0xffff;
	[tilespmem:s1+$0xC0] =	vst v47  }
0x214: {  	v26 =	vadd.s32 s11, v10;
	v36 =	vadd.s32 s20, v10;
	v10 =	vadd.s32 v5, v37;
	v34 =	vld.idx.msk [tilespmem:v63+s12+$0x0], $0xffff;
	[tilespmem:s1+$0x140] =	vst v21  }
0x215: {  	v44 =	vadd.s32 v4, v42;
	v18 =	vld.idx.msk [tilespmem:v32+s12+$0x0], $0xffff;
	[tilespmem:s1+$0x340] =	vst v22  }
0x216: {  	v25 =	vadd.s32 v5, v24;
	v12 =	vld.idx.msk [tilespmem:v52+s12+$0x0], $0xffff;
	[tilespmem:s1+$0xFFFFFDD0] =	vst v15  }
0x217: {  	v40 =	vadd.s32 s29, v9;
	v13 =	vld.idx.msk [tilespmem:v58+s12+$0x0], $0xffff;
	v21 =	vadd.s32 v5, v26;
	[tilespmem:s1+$0xFFFFFF50] =	vst v28  }
0x218: {  	v45 =	vadd.s32 s31, v9;
	v41 =	vadd.s32 v6, v40;
	v19 =	vld.idx.msk [tilespmem:v29+s12+$0x0], $0xffff;
	[tilespmem:s1+$0xFFFFFCD0] =	vst v16  }
0x219: {  	v46 =	vadd.s32 v6, v45;
	v50 =	vadd.s32 s0, v9;
	v10 =	vld.idx.msk [tilespmem:v10+s12+$0x0], $0xffff;
	[tilespmem:s1+$0x50] =	vst v34  }
0x21a: {  	v61 =	vadd.s32 s18, v9;
	v51 =	vadd.s32 v6, v50;
	v17 =	vld.idx.msk [tilespmem:v44+s12+$0x0], $0xffff;
	[tilespmem:s1+$0x250] =	vst v18  }
0x21b: {  	v42 =	vadd.s32 s30, v9;
	v63 =	vadd.s32 v6, v61;
	v38 =	vld.idx.msk [tilespmem:v25+s12+$0x0], $0xffff;
	[tilespmem:s1+$0xFFFFFD50] =	vst v12  }
0x21c: {  	v49 =	vadd.s32 s6, v9;
	v27 =	vadd.s32 s20, v9;
	v39 =	vadd.s32 v5, v36;
	v21 =	vld.idx.msk [tilespmem:v21+s12+$0x0], $0xffff;
	[tilespmem:s1+$0xFFFFFED0] =	vst v13  }
0x21d: {  	v43 =	vadd.s32 v6, v42;
	v56 =	vadd.s32 s11, v9;
	v47 =	vadd.s32 s2, v9;
	v13 =	vld.idx.msk [tilespmem:v41+s12+$0x0], $0xffff;
	[tilespmem:s1+$0x1D0] =	vst v19  }
0x21e: {  	v54 =	vadd.s32 s10, v9;
	v52 =	vadd.s32 s7, v9;
	v48 =	vadd.s32 v6, v47;
	v12 =	vld.idx.msk [tilespmem:v46+s12+$0x0], $0xffff;
	[tilespmem:s1+$0xFFFFFC50] =	vst v10  }
0x21f: {  	v24 =	vadd.s32 s19, v9;
	v28 =	vadd.s32 s26, v9;
	v53 =	vadd.s32 v6, v52;
	v62 =	vld.idx.msk [tilespmem:v51+s12+$0x0], $0xffff;
	[tilespmem:s1+$0x2C0] =	vst v17  }
0x220: {  	v58 =	vadd.s32 s15, v9;
	v44 =	vadd.s32 s3, v9;
	v9 =	vadd.s32 v6, v28;
	v19 =	vld.idx.msk [tilespmem:v63+s12+$0x0], $0xffff;
	[tilespmem:s1+$0xD0] =	vst v38  }
0x221: {  	v35 =	vadd.s32 v5, v33;
	v17 =	vld.idx.msk [tilespmem:v39+s12+$0x0], $0xffff;
	[tilespmem:s1+$0x150] =	vst v21  }
0x222: {  	v14 =	vadd.s32 v6, v44;
	v11 =	vld.idx.msk [tilespmem:v43+s12+$0x0], $0xffff;
	[tilespmem:s1+$0xFFFFFCE0] =	vst v13  }
0x223: {  	v55 =	vadd.s32 v6, v54;
	v15 =	vld.idx.msk [tilespmem:v48+s12+$0x0], $0xffff;
	[tilespmem:s1+$0xFFFFFE60] =	vst v12  }
0x224: {  	v16 =	vadd.s32 v6, v49;
	v25 =	vld.idx.msk [tilespmem:v53+s12+$0x0], $0xffff;
	[tilespmem:s1+$0xFFFFFFE0] =	vst v62  }
0x225: {  	v36 =	vadd.s32 s31, v8;
	v60 =	vadd.s32 v6, v58;
	v9 =	vld.idx.msk [tilespmem:v9+s12+$0x0], $0xffff;
	[tilespmem:s1+$0x260] =	vst v19  }
0x226: {  	v57 =	vadd.s32 v6, v56;
	v56 =	vadd.s32 s20, v8;
	v40 =	vadd.s32 s6, v8;
	v20 =	vld.idx.msk [tilespmem:v35+s12+$0x0], $0xffff;
	[tilespmem:s1+$0x350] =	vst v17  }
0x227: {  	v37 =	vadd.s32 v7, v36;
	v31 =	vadd.s32 s29, v8;
	v41 =	vadd.s32 s0, v8;
	v14 =	vld.idx.msk [tilespmem:v14+s12+$0x0], $0xffff;
	[tilespmem:s1+$0xFFFFFD60] =	vst v11  }
0x228: {  	v32 =	vadd.s32 s30, v8;
	v50 =	vadd.s32 s18, v8;
	v42 =	vadd.s32 v7, v41;
	v29 =	vld.idx.msk [tilespmem:v55+s12+$0x0], $0xffff;
	[tilespmem:s1+$0xFFFFFEE0] =	vst v15  }
0x229: {  	v47 =	vadd.s32 s15, v8;
	v52 =	vadd.s32 v7, v50;
	v44 =	vadd.s32 s10, v8;
	v59 =	vld.idx.msk [tilespmem:v16+s12+$0x0], $0xffff;
	[tilespmem:s1+$0x60] =	vst v25  }
0x22a: {  	v30 =	vadd.s32 v6, v27;
	v34 =	vadd.s32 s3, v8;
	v46 =	vadd.s32 s11, v8;
	v16 =	vld.idx.msk [tilespmem:v60+s12+$0x0], $0xffff;
	[tilespmem:s1+$0xFFFFFC60] =	vst v9  }
0x22b: {  	v33 =	vadd.s32 v7, v32;
	v38 =	vadd.s32 s2, v8;
	v43 =	vadd.s32 s7, v8;
	v17 =	vld.idx.msk [tilespmem:v57+s12+$0x0], $0xffff;
	[tilespmem:s1+$0x2D0] =	vst v20  }
0x22c: {  	v53 =	vadd.s32 s19, v8;
	v8 =	vadd.s32 s26, v8;
	v39 =	vadd.s32 v7, v38;
	v11 =	vld.idx.msk [tilespmem:v37+s12+$0x0], $0xffff;
	[tilespmem:s1+$0xFFFFFDE0] =	vst v14  }
0x22d: {  	v8 =	vadd.s32 v7, v8;
	v51 =	vld.idx.msk [tilespmem:v42+s12+$0x0], $0xffff;
	[tilespmem:s1+$0xE0] =	vst v29  }
0x22e: {  	v26 =	vadd.s32 v6, v24;
	v61 =	vld.idx.msk [tilespmem:v52+s12+$0x0], $0xffff;
	[tilespmem:s1+$0xFFFFFF60] =	vst v59  }
0x22f: {  	v35 =	vadd.s32 v7, v34;
	v20 =	vld.idx.msk [tilespmem:v30+s12+$0x0], $0xffff;
	[tilespmem:s1+$0x1E0] =	vst v16  }
0x230: {  	v45 =	vadd.s32 v7, v44;
	v10 =	vld.idx.msk [tilespmem:v33+s12+$0x0], $0xffff;
	[tilespmem:s1+$0x160] =	vst v17  }
0x231: {  	v12 =	vadd.s32 v7, v31;
	v14 =	vld.idx.msk [tilespmem:v39+s12+$0x0], $0xffff;
	[tilespmem:s1+$0xFFFFFE70] =	vst v11  }
0x232: {  	v49 =	vadd.s32 v7, v47;
	v8 =	vld.idx.msk [tilespmem:v8+s12+$0x0], $0xffff;
	[tilespmem:s1+$0xFFFFFFF0] =	vst v51  }
0x233: {  	v15 =	vadd.s32 v7, v40;
	v18 =	vld.idx.msk [tilespmem:v26+s12+$0x0], $0xffff;
	[tilespmem:s1+$0x270] =	vst v61  }
0x234: {  	v19 =	vadd.s32 v7, v46;
	v13 =	vld.idx.msk [tilespmem:v35+s12+$0x0], $0xffff;
	[tilespmem:s1+$0x360] =	vst v20  }
0x235: {  	v58 =	vadd.s32 v7, v56;
	v57 =	vld.idx.msk [tilespmem:v45+s12+$0x0], $0xffff;
	[tilespmem:s1+$0xFFFFFD70] =	vst v10  }
0x236: {  	v55 =	vadd.s32 v7, v53;
	v12 =	vld.idx.msk [tilespmem:v12+s12+$0x0], $0xffff;
	[tilespmem:s1+$0xFFFFFEF0] =	vst v14  }
0x237: {  	v60 =	vld.idx.msk [tilespmem:v49+s12+$0x0], $0xffff;
	v17 =	vadd.s32 v7, v43;
	[tilespmem:s1+$0xFFFFFC70] =	vst v8  }
0x238: {  	v48 =	vld.idx.msk [tilespmem:v15+s12+$0x0], $0xffff;
	[tilespmem:s1+$0x2E0] =	vst v18  }
0x239: {  	v59 =	vld.idx.msk [tilespmem:v19+s12+$0x0], $0xffff;
	[tilespmem:s1+$0xFFFFFDF0] =	vst v13  }
0x23a: {  	v63 =	vld.idx.msk [tilespmem:v58+s12+$0x0], $0xffff;
	[tilespmem:s1+$0xF0] =	vst v57  }
0x23b: {  	v62 =	vld.idx.msk [tilespmem:v55+s12+$0x0], $0xffff;
	[tilespmem:s1+$0xFFFFFCF0] =	vst v12  }
0x23c: {  	[tilespmem:s1+$0x1F0] =	vst v60;
	v54 =	vld.idx.msk [tilespmem:v17+s12+$0x0], $0xffff  }
0x23d: {  	p1 =	sne.s32 s22, $0x63;
	[tilespmem:s1+$0xFFFFFF70] =	vst v48  }
.Ltmp2:
0x23e: {  	s28 =	sshll.u32 s22, $0x13;
	[tilespmem:s1+$0x170] =	vst v59;
	(pc) =	sbr.rel @p1 .LBB2_8-.Ltmp2, $4  }
0x23f: {  	s0 =	sor.u32 s4, s28;
	[tilespmem:s1+$0x370] =	vst v63  }
0x240: {  	s31 =	simm.s32 $0x8000;
	s30 =	smov.u32 s9;
	s0 =	sshrl.u32 s0, $0x3;
	[tilespmem:s1+$0x2F0] =	vst v62  }
0x241: {  	s29 =	simm.s32 $0x14800;
	s0 =	sadd.s32 s9, s0;
	s9 =	simm.s32 $0x400;
	[tilespmem:s1+$0x70] =	vst v54  }
0x242: {  	[hbm4b:s0+s9] =	stream.strided.scatter [tilespmem:s29], [sflag:$0x3], $0x2000, s31, s9, $0x38;
	[tilespmem:$0x18800] =	vst v63  }
.Ltmp3:
0x243: {  	(pc) =	sbr.rel .LBB2_9-.Ltmp3, $4  }
0x244: {  	_ = 	snop  }
0x245: {  	_ =	swait.ge [sflag:s16], $0x4000  }
0x246: {  	[sflag:s16] =	ssyncset.done $0x0  }
0x247: {  	[sflag:s16] =	ssyncadd.s32 $0xFFFFC000  }
.LBB2_8:
.Ltmp4:
0x248: {  	s0 =	sadd.s32 $0x100, s25;
	s1 =	simm.s32 $0x80;
	(pc) =	sbr.rel @p0 .LBB2_10-.Ltmp4, $4  }
0x249: {  	[tilespmem:s12], [sflag:$0x1] =	stream.indirect.gather [hbm4b:s5+s1], $0x80, s0, s1, $0xb8;
	[tilespmem:$0x18800] =	vst v63  }
0x24a: {  	_ =	swait.ge [sflag:s16], $0x4000  }
0x24b: {  	[sflag:s16] =	ssyncset.done $0x0  }
0x24c: {  	[sflag:s16] =	ssyncadd.s32 $0xFFFFC000  }
.LBB2_9:
0x24d: {  	_ =	swait.ge [sflag:s17], $0x2000  }
0x24e: {  	[sflag:s17] =	ssyncset.done $0x0  }
0x24f: {  	[sflag:s17] =	ssyncadd.s32 $0xFFFFE000  }
.LBB2_10:
0x250: {  	v15 =	vld [tilespmem:s24+$0x6400];
	_ =	sdelay $0x3  }
0x251: {  	v14 =	vld [tilespmem:s24+$0x6410];
	s0 =	simm.s32 $0x0;
	s15 =	simm.s32 $0x4  }
0x252: {  	v13 =	vld [tilespmem:s24+$0x6420];
	s6 =	simm.s32 $0x5;
	s1 =	simm.s32 $0x6;
	v8 =	vadd.s32 s0, v15;
	v20 =	vadd.s32 s15, v15  }
0x253: {  	s7 =	simm.s32 $0x1;
	v12 =	vld [tilespmem:s24+$0x6430];
	s8 =	simm.s32 $0xF;
	v21 =	vadd.s32 s6, v15;
	v22 =	vadd.s32 s1, v15;
	v16 =	vadd.s32 v0, v8  }
0x254: {  	s10 =	simm.s32 $0x2;
	v11 =	vld [tilespmem:s24+$0x6440];
	v25 =	vadd.s32 s8, v15;
	v8 =	vadd.s32 s7, v15;
	v20 =	vadd.s32 v0, v20  }
0x255: {  	s11 =	simm.s32 $0x3;
	v10 =	vld [tilespmem:s24+$0x6450];
	v21 =	vadd.s32 v0, v21;
	v17 =	vadd.s32 v0, v8;
	v8 =	vadd.s32 s10, v15  }
0x256: {  	v9 =	vld [tilespmem:s24+$0x6460];
	s2 =	simm.s32 $0x7;
	v22 =	vadd.s32 v0, v22;
	v18 =	vadd.s32 v0, v8;
	v8 =	vadd.s32 s11, v15  }
0x257: {  	s3 =	simm.s32 $0x8;
	v23 =	vadd.s32 s2, v15;
	v25 =	vadd.s32 v0, v25;
	v19 =	vadd.s32 v0, v8;
	v8 =	vld [tilespmem:s24+$0x6470]  }
0x258: {  	s18 =	simm.s32 $0x9;
	v24 =	vadd.s32 s3, v15;
	v23 =	vadd.s32 v0, v23;
	v16 =	vld.idx.msk [tilespmem:v16+s13+$0x0], $0xffff  }
0x259: {  	s19 =	simm.s32 $0xA;
	v26 =	vadd.s32 s18, v15;
	v24 =	vadd.s32 v0, v24;
	v20 =	vld.idx.msk [tilespmem:v20+s13+$0x0], $0xffff  }
0x25a: {  	s20 =	simm.s32 $0xB;
	v27 =	vadd.s32 s19, v15;
	v26 =	vadd.s32 v0, v26;
	v21 =	vld.idx.msk [tilespmem:v21+s13+$0x0], $0xffff  }
0x25b: {  	s26 =	simm.s32 $0xC;
	v28 =	vadd.s32 s20, v15;
	v27 =	vadd.s32 v0, v27;
	v22 =	vld.idx.msk [tilespmem:v22+s13+$0x0], $0xffff  }
0x25c: {  	s28 =	simm.s32 $0xD;
	v29 =	vadd.s32 s26, v15;
	v28 =	vadd.s32 v0, v28;
	v25 =	vld.idx.msk [tilespmem:v25+s13+$0x0], $0xffff  }
0x25d: {  	v30 =	vadd.s32 s28, v15;
	v29 =	vadd.s32 v0, v29;
	v23 =	vld.idx.msk [tilespmem:v23+s13+$0x0], $0xffff  }
0x25e: {  	v30 =	vadd.s32 v0, v30;
	v24 =	vld.idx.msk [tilespmem:v24+s13+$0x0], $0xffff  }
0x25f: {  	v26 =	vld.idx.msk [tilespmem:v26+s13+$0x0], $0xffff  }
0x260: {  	s29 =	simm.s32 $0xE;
	s25 =	simm.s32 $0x16C00;
	v27 =	vld.idx.msk [tilespmem:v27+s13+$0x0], $0xffff  }
0x261: {  	v31 =	vadd.s32 s29, v15;
	v28 =	vld.idx.msk [tilespmem:v28+s13+$0x0], $0xffff;
	[tilespmem:s25+$0x380] =	vst v25  }
0x262: {  	v32 =	vadd.s32 s8, v14;
	v31 =	vadd.s32 v0, v31;
	v29 =	vld.idx.msk [tilespmem:v29+s13+$0x0], $0xffff;
	[tilespmem:s25+$0xFFFFFE00] =	vst v20  }
0x263: {  	v36 =	vadd.s32 s15, v14;
	v32 =	vadd.s32 v1, v32;
	v30 =	vld.idx.msk [tilespmem:v30+s13+$0x0], $0xffff;
	[tilespmem:s25+$0xFFFFFE80] =	vst v21  }
0x264: {  	v33 =	vadd.s32 s7, v14;
	v36 =	vadd.s32 v1, v36;
	v17 =	vld.idx.msk [tilespmem:v17+s13+$0x0], $0xffff;
	[tilespmem:s25+$0xFFFFFF00] =	vst v22  }
0x265: {  	v34 =	vadd.s32 s10, v14;
	v33 =	vadd.s32 v1, v33;
	v18 =	vld.idx.msk [tilespmem:v18+s13+$0x0], $0xffff;
	[tilespmem:s25+$0xFFFFFF80] =	vst v23  }
0x266: {  	v35 =	vadd.s32 s11, v14;
	v34 =	vadd.s32 v1, v34;
	v19 =	vld.idx.msk [tilespmem:v19+s13+$0x0], $0xffff;
	[tilespmem:s25+$0x0] =	vst v24  }
0x267: {  	v63 =	vadd.s32 s20, v14;
	v35 =	vadd.s32 v1, v35;
	v31 =	vld.idx.msk [tilespmem:v31+s13+$0x0], $0xffff;
	[tilespmem:s25+$0x80] =	vst v26  }
0x268: {  	v39 =	vadd.s32 s26, v14;
	v23 =	vadd.s32 v1, v63;
	[tilespmem:s25+$0x180] =	vst v28;
	v32 =	vld.idx.msk [tilespmem:v32+s13+$0x0], $0xffff  }
0x269: {  	v41 =	vadd.s32 s0, v14;
	v24 =	vadd.s32 v1, v39;
	[tilespmem:s25+$0xFFFFFC80] =	vst v17;
	v36 =	vld.idx.msk [tilespmem:v36+s13+$0x0], $0xffff  }
0x26a: {  	v37 =	vadd.s32 s6, v14;
	v28 =	vadd.s32 v1, v41;
	v33 =	vld.idx.msk [tilespmem:v33+s13+$0x0], $0xffff;
	[tilespmem:s25+$0xFFFFFD00] =	vst v18  }
0x26b: {  	v20 =	vadd.s32 s3, v14;
	v17 =	vadd.s32 v1, v37;
	v34 =	vld.idx.msk [tilespmem:v34+s13+$0x0], $0xffff;
	[tilespmem:s25+$0xFFFFFD80] =	vst v19  }
0x26c: {  	v21 =	vadd.s32 s18, v14;
	[tilespmem:s25+$0x100] =	vst v27;
	v20 =	vadd.s32 v1, v20;
	v35 =	vld.idx.msk [tilespmem:v35+s13+$0x0], $0xffff  }
0x26d: {  	v22 =	vadd.s32 s19, v14;
	[tilespmem:s25+$0x200] =	vst v29;
	v21 =	vadd.s32 v1, v21;
	v23 =	vld.idx.msk [tilespmem:v23+s13+$0x0], $0xffff  }
0x26e: {  	v26 =	vadd.s32 s28, v14;
	[tilespmem:s25+$0xFFFFFC00] =	vst v16;
	v22 =	vadd.s32 v1, v22;
	v24 =	vld.idx.msk [tilespmem:v24+s13+$0x0], $0xffff  }
0x26f: {  	v27 =	vadd.s32 s29, v14;
	[tilespmem:s25+$0x280] =	vst v30;
	v26 =	vadd.s32 v1, v26;
	v28 =	vld.idx.msk [tilespmem:v28+s13+$0x0], $0xffff  }
0x270: {  	v25 =	vadd.s32 s1, v14;
	[tilespmem:s25+$0x300] =	vst v31;
	v27 =	vadd.s32 v1, v27;
	v17 =	vld.idx.msk [tilespmem:v17+s13+$0x0], $0xffff  }
0x271: {  	v18 =	vadd.s32 v1, v25;
	v25 =	vadd.s32 s8, v13;
	[tilespmem:s25+$0x390] =	vst v32;
	v20 =	vld.idx.msk [tilespmem:v20+s13+$0x0], $0xffff  }
0x272: {  	v16 =	vadd.s32 s15, v13;
	v25 =	vadd.s32 v2, v25;
	v21 =	vld.idx.msk [tilespmem:v21+s13+$0x0], $0xffff;
	[tilespmem:s25+$0xFFFFFE10] =	vst v36  }
0x273: {  	v16 =	vadd.s32 v2, v16;
	v19 =	vadd.s32 s2, v14;
	v22 =	vld.idx.msk [tilespmem:v22+s13+$0x0], $0xffff;
	[tilespmem:s25+$0xFFFFFC90] =	vst v33  }
0x274: {  	v42 =	vadd.s32 s7, v13;
	v19 =	vadd.s32 v1, v19;
	v26 =	vld.idx.msk [tilespmem:v26+s13+$0x0], $0xffff;
	[tilespmem:s25+$0xFFFFFD10] =	vst v34  }
0x275: {  	v46 =	vadd.s32 s6, v13;
	v29 =	vadd.s32 v2, v42;
	v27 =	vld.idx.msk [tilespmem:v27+s13+$0x0], $0xffff;
	[tilespmem:s25+$0xFFFFFD90] =	vst v35  }
0x276: {  	v47 =	vadd.s32 s1, v13;
	v18 =	vld.idx.msk [tilespmem:v18+s13+$0x0], $0xffff;
	v33 =	vadd.s32 v2, v46;
	[tilespmem:s25+$0x210] =	vst v24  }
0x277: {  	v40 =	vadd.s32 s8, v12;
	v25 =	vld.idx.msk [tilespmem:v25+s13+$0x0], $0xffff;
	v34 =	vadd.s32 v2, v47;
	[tilespmem:s25+$0xFFFFFC10] =	vst v28  }
0x278: {  	v44 =	vadd.s32 s11, v13;
	v32 =	vadd.s32 v3, v40;
	v16 =	vld.idx.msk [tilespmem:v16+s13+$0x0], $0xffff;
	[tilespmem:s25+$0xFFFFFE90] =	vst v17  }
0x279: {  	v48 =	vadd.s32 s2, v13;
	v45 =	vadd.s32 v2, v44;
	v19 =	vld.idx.msk [tilespmem:v19+s13+$0x0], $0xffff;
	[tilespmem:s25+$0x10] =	vst v20  }
0x27a: {  	v53 =	vadd.s32 s7, v12;
	v29 =	vld.idx.msk [tilespmem:v29+s13+$0x0], $0xffff;
	v35 =	vadd.s32 v2, v48;
	[tilespmem:s25+$0x90] =	vst v21  }
0x27b: {  	v50 =	vadd.s32 s18, v13;
	v24 =	vadd.s32 v3, v53;
	v33 =	vld.idx.msk [tilespmem:v33+s13+$0x0], $0xffff;
	[tilespmem:s25+$0xFFFFFF10] =	vst v18  }
0x27c: {  	v52 =	vadd.s32 s29, v13;
	v17 =	vadd.s32 v2, v50;
	[tilespmem:s25+$0x3A0] =	vst v25;
	v34 =	vld.idx.msk [tilespmem:v34+s13+$0x0], $0xffff  }
0x27d: {  	v28 =	vadd.s32 s15, v12;
	[tilespmem:s25+$0x110] =	vst v22;
	v22 =	vadd.s32 v2, v52;
	v30 =	vld.idx.msk [tilespmem:v32+s13+$0x0], $0xffff  }
0x27e: {  	v20 =	vadd.s32 s26, v13;
	v28 =	vadd.s32 v3, v28;
	v32 =	vld.idx.msk [tilespmem:v45+s13+$0x0], $0xffff;
	[tilespmem:s25+$0xFFFFFF90] =	vst v19  }
0x27f: {  	v21 =	vadd.s32 s28, v13;
	v20 =	vadd.s32 v2, v20;
	[tilespmem:s25+$0xFFFFFCA0] =	vst v29;
	v35 =	vld.idx.msk [tilespmem:v35+s13+$0x0], $0xffff  }
0x280: {  	v43 =	vadd.s32 s10, v13;
	v21 =	vadd.s32 v2, v21;
	v24 =	vld.idx.msk [tilespmem:v24+s13+$0x0], $0xffff  }
0x281: {  	[tilespmem:s25+$0x310] =	vst v27;
	v18 =	vadd.s32 s19, v13;
	v25 =	vadd.s32 v2, v43;
	v17 =	vld.idx.msk [tilespmem:v17+s13+$0x0], $0xffff  }
0x282: {  	v56 =	vadd.s32 s6, v12;
	[tilespmem:s25+$0xFFFFFE20] =	vst v16;
	v18 =	vadd.s32 v2, v18;
	v22 =	vld.idx.msk [tilespmem:v22+s13+$0x0], $0xffff  }
0x283: {  	v31 =	vadd.s32 s8, v11;
	v29 =	vadd.s32 v3, v56;
	v28 =	vld.idx.msk [tilespmem:v28+s13+$0x0], $0xffff  }
0x284: {  	v31 =	vadd.s32 v4, v31;
	[tilespmem:s25+$0x290] =	vst v26;
	v19 =	vadd.s32 s20, v13;
	v20 =	vld.idx.msk [tilespmem:v20+s13+$0x0], $0xffff  }
0x285: {  	v55 =	vadd.s32 s11, v12;
	[tilespmem:s25+$0x190] =	vst v23;
	v19 =	vadd.s32 v2, v19;
	v21 =	vld.idx.msk [tilespmem:v21+s13+$0x0], $0xffff  }
0x286: {  	v59 =	vadd.s32 s2, v12;
	v27 =	vadd.s32 v3, v55;
	[tilespmem:s25+$0xFFFFFEA0] =	vst v33;
	v25 =	vld.idx.msk [tilespmem:v25+s13+$0x0], $0xffff  }
0x287: {  	v61 =	vadd.s32 s18, v12;
	v16 =	vadd.s32 v3, v59;
	v18 =	vld.idx.msk [tilespmem:v18+s13+$0x0], $0xffff;
	[tilespmem:s25+$0xFFFFFF20] =	vst v34  }
0x288: {  	v49 =	vadd.s32 s3, v13;
	v33 =	vadd.s32 v3, v61;
	v29 =	vld.idx.msk [tilespmem:v29+s13+$0x0], $0xffff;
	[tilespmem:s25+$0x3B0] =	vst v30  }
0x289: {  	v54 =	vadd.s32 s10, v12;
	v30 =	vadd.s32 v2, v49;
	[tilespmem:s25+$0xFFFFFDA0] =	vst v32;
	v31 =	vld.idx.msk [tilespmem:v31+s13+$0x0], $0xffff  }
0x28a: {  	v62 =	vadd.s32 s19, v12;
	v26 =	vadd.s32 v3, v54;
	v19 =	vld.idx.msk [tilespmem:v19+s13+$0x0], $0xffff;
	[tilespmem:s25+$0xFFFFFFA0] =	vst v35  }
0x28b: {  	v51 =	vadd.s32 s8, v10;
	v34 =	vadd.s32 v3, v62;
	v27 =	vld.idx.msk [tilespmem:v27+s13+$0x0], $0xffff;
	[tilespmem:s25+$0xA0] =	vst v17  }
0x28c: {  	v36 =	vadd.s32 v5, v51;
	v40 =	vadd.s32 s26, v12;
	v38 =	vld.idx.msk [tilespmem:v16+s13+$0x0], $0xffff;
	[tilespmem:s25+$0x320] =	vst v22  }
0x28d: {  	v47 =	vadd.s32 s15, v11;
	v16 =	vadd.s32 v3, v40;
	v33 =	vld.idx.msk [tilespmem:v33+s13+$0x0], $0xffff;
	[tilespmem:s25+$0x220] =	vst v20  }
0x28e: {  	v17 =	vadd.s32 s28, v12;
	v22 =	vadd.s32 v4, v47;
	[tilespmem:s25+$0xFFFFFD20] =	vst v25;
	v30 =	vld.idx.msk [tilespmem:v30+s13+$0x0], $0xffff  }
0x28f: {  	v43 =	vadd.s32 s7, v11;
	v17 =	vadd.s32 v3, v17;
	[tilespmem:s25+$0x120] =	vst v18;
	v26 =	vld.idx.msk [tilespmem:v26+s13+$0x0], $0xffff  }
0x290: {  	v46 =	vadd.s32 s11, v11;
	v20 =	vadd.s32 v4, v43;
	v34 =	vld.idx.msk [tilespmem:v34+s13+$0x0], $0xffff;
	[tilespmem:s25+$0x3C0] =	vst v31  }
0x291: {  	v57 =	vadd.s32 s1, v12;
	[tilespmem:s25+$0x2A0] =	vst v21;
	v21 =	vadd.s32 v4, v46;
	v36 =	vld.idx.msk [tilespmem:v36+s13+$0x0], $0xffff  }
0x292: {  	[tilespmem:s25+$0xFFFFFE30] =	vst v28;
	v25 =	vadd.s32 v3, v57;
	v18 =	vadd.s32 s29, v12;
	v45 =	vld.idx.msk [tilespmem:v16+s13+$0x0], $0xffff  }
0x293: {  	v60 =	vadd.s32 s3, v12;
	[tilespmem:s25+$0xFFFFFCB0] =	vst v24;
	v18 =	vadd.s32 v3, v18;
	v22 =	vld.idx.msk [tilespmem:v22+s13+$0x0], $0xffff  }
0x294: {  	v32 =	vadd.s32 v3, v60;
	v31 =	vadd.s32 s0, v13;
	[tilespmem:s25+$0x1A0] =	vst v19;
	v17 =	vld.idx.msk [tilespmem:v17+s13+$0x0], $0xffff  }
0x295: {  	v23 =	vadd.s32 s8, v9;
	[tilespmem:s25+$0xFFFFFDB0] =	vst v27;
	v31 =	vadd.s32 v2, v31;
	v20 =	vld.idx.msk [tilespmem:v20+s13+$0x0], $0xffff  }
0x296: {  	s24 =	simm.s32 $0x10;
	v23 =	vadd.s32 v6, v23;
	v50 =	vadd.s32 s28, v11;
	v21 =	vld.idx.msk [tilespmem:v21+s13+$0x0], $0xffff;
	[tilespmem:s25+$0xB0] =	vst v33  }
0x297: {  	v41 =	vadd.s32 s24, v15;
	v51 =	vadd.s32 v4, v50;
	v25 =	vld.idx.msk [tilespmem:v25+s13+$0x0], $0xffff;
	[tilespmem:s25+$0x20] =	vst v30  }
0x298: {  	v48 =	vadd.s32 s26, v11;
	v30 =	vadd.s32 v0, v41;
	v18 =	vld.idx.msk [tilespmem:v18+s13+$0x0], $0xffff;
	[tilespmem:s25+$0x130] =	vst v34  }
0x299: {  	v52 =	vadd.s32 s29, v11;
	v49 =	vadd.s32 v4, v48;
	v32 =	vld.idx.msk [tilespmem:v32+s13+$0x0], $0xffff;
	[tilespmem:s25+$0x3D0] =	vst v36  }
0x29a: {  	v58 =	vadd.s32 s8, v8;
	v42 =	vadd.s32 s0, v12;
	v54 =	vadd.s32 v4, v52;
	v31 =	vld.idx.msk [tilespmem:v31+s13+$0x0], $0xffff;
	[tilespmem:s25+$0x230] =	vst v45  }
0x29b: {  	v19 =	vadd.s32 v3, v42;
	v36 =	vadd.s32 v7, v58;
	v58 =	vadd.s32 s11, v10;
	v23 =	vld.idx.msk [tilespmem:v23+s13+$0x0], $0xffff;
	[tilespmem:s25+$0x2B0] =	vst v17  }
0x29c: {  	v17 =	vadd.s32 v5, v58;
	[tilespmem:s25+$0xFFFFFDC0] =	vst v21;
	v33 =	vld.idx.msk [tilespmem:v51+s13+$0x0], $0xffff  }
0x29d: {  	v44 =	vadd.s32 s10, v11;
	v16 =	vld.idx.msk [tilespmem:v30+s13+$0x0], $0xffff;
	[tilespmem:s25+$0x330] =	vst v18  }
0x29e: {  	v59 =	vadd.s32 s15, v10;
	v30 =	vadd.s32 v4, v44;
	[tilespmem:s25+$0x30] =	vst v32;
	v32 =	vld.idx.msk [tilespmem:v49+s13+$0x0], $0xffff  }
0x29f: {  	v63 =	vadd.s32 s20, v12;
	v18 =	vadd.s32 v5, v59;
	v34 =	vld.idx.msk [tilespmem:v54+s13+$0x0], $0xffff;
	[tilespmem:s25+$0xFFFFFC20] =	vst v31  }
0x2a0: {  	v31 =	vadd.s32 s6, v11;
	[tilespmem:s25+$0x3E0] =	vst v23;
	v23 =	vadd.s32 v3, v63;
	v19 =	vld.idx.msk [tilespmem:v19+s13+$0x0], $0xffff  }
0x2a1: {  	[tilespmem:s25+$0xFFFFFEB0] =	vst v29;
	v24 =	vadd.s32 v4, v31;
	v31 =	vadd.s32 s1, v11;
	v17 =	vld.idx.msk [tilespmem:v17+s13+$0x0], $0xffff  }
0x2a2: {  	v53 =	vadd.s32 s0, v11;
	[tilespmem:s25+$0xFFFFFD30] =	vst v26;
	v36 =	vld.idx.msk [tilespmem:v36+s13+$0x0], $0xffff;
	v26 =	vadd.s32 v4, v31  }
0x2a3: {  	v55 =	vadd.s32 v4, v53;
	v40 =	vadd.s32 s11, v9;
	[tilespmem:s25+$0xFFFFFE40] =	vst v22;
	v30 =	vld.idx.msk [tilespmem:v30+s13+$0x0], $0xffff  }
0x2a4: {  	[tilespmem:s25+$0xFFFFFFB0] =	vst v38;
	v41 =	vadd.s32 v6, v40;
	v31 =	vadd.s32 s2, v11;
	v18 =	vld.idx.msk [tilespmem:v18+s13+$0x0], $0xffff  }
0x2a5: {  	[tilespmem:s25+$0xFFFFFCC0] =	vst v20;
	v27 =	vadd.s32 v4, v31;
	v31 =	vadd.s32 s3, v11;
	v23 =	vld.idx.msk [tilespmem:v23+s13+$0x0], $0xffff  }
0x2a6: {  	v42 =	vadd.s32 s15, v9;
	[tilespmem:s25+$0xFFFFFF30] =	vst v25;
	v28 =	vadd.s32 v4, v31;
	v24 =	vld.idx.msk [tilespmem:v24+s13+$0x0], $0xffff  }
0x2a7: {  	v43 =	vadd.s32 v6, v42;
	v31 =	vadd.s32 s18, v11;
	[tilespmem:s25+$0xFFFFFC30] =	vst v19;
	v26 =	vld.idx.msk [tilespmem:v26+s13+$0x0], $0xffff  }
0x2a8: {  	v29 =	vadd.s32 v4, v31;
	v31 =	vadd.s32 s19, v11;
	[tilespmem:s25+$0xFFFFFDD0] =	vst v17;
	v35 =	vld.idx.msk [tilespmem:v55+s13+$0x0], $0xffff  }
0x2a9: {  	[tilespmem:s25+$0x2C0] =	vst v33;
	v25 =	vadd.s32 v4, v31;
	v31 =	vadd.s32 s20, v11;
	v33 =	vld.idx.msk [tilespmem:v41+s13+$0x0], $0xffff  }
0x2aa: {  	v57 =	vadd.s32 s10, v10;
	[tilespmem:s25+$0x3F0] =	vst v36;
	v31 =	vadd.s32 v4, v31;
	v27 =	vld.idx.msk [tilespmem:v27+s13+$0x0], $0xffff  }
0x2ab: {  	v19 =	vadd.s32 s6, v10;
	v36 =	vadd.s32 v5, v57;
	[tilespmem:s25+$0xFFFFFE50] =	vst v18;
	v28 =	vld.idx.msk [tilespmem:v28+s13+$0x0], $0xffff  }
0x2ac: {  	v20 =	vadd.s32 s1, v10;
	[tilespmem:s25+$0x340] =	vst v34;
	v19 =	vadd.s32 v5, v19;
	v34 =	vld.idx.msk [tilespmem:v43+s13+$0x0], $0xffff  }
0x2ad: {  	v20 =	vadd.s32 v5, v20;
	[tilespmem:s25+$0xFFFFFD40] =	vst v30;
	v30 =	vadd.s32 s2, v10;
	v29 =	vld.idx.msk [tilespmem:v29+s13+$0x0], $0xffff  }
0x2ae: {  	v21 =	vadd.s32 v5, v30;
	v30 =	vadd.s32 s3, v10;
	v25 =	vld.idx.msk [tilespmem:v25+s13+$0x0], $0xffff;
	[tilespmem:s25+$0x1B0] =	vst v23  }
0x2af: {  	v56 =	vadd.s32 s7, v10;
	v22 =	vadd.s32 v5, v30;
	v31 =	vld.idx.msk [tilespmem:v31+s13+$0x0], $0xffff  }
0x2b0: {  	v30 =	vadd.s32 s18, v10;
	v23 =	vadd.s32 v5, v56;
	[tilespmem:s25+$0xFFFFFEC0] =	vst v24;
	v36 =	vld.idx.msk [tilespmem:v36+s13+$0x0], $0xffff  }
0x2b1: {  	v24 =	vadd.s32 v5, v30;
	v30 =	vadd.s32 s19, v10;
	v19 =	vld.idx.msk [tilespmem:v19+s13+$0x0], $0xffff;
	[tilespmem:s25+$0xFFFFFF40] =	vst v26  }
0x2b2: {  	v26 =	vadd.s32 v5, v30;
	v30 =	vadd.s32 s20, v10;
	v20 =	vld.idx.msk [tilespmem:v20+s13+$0x0], $0xffff;
	[tilespmem:s25+$0xFFFFFFC0] =	vst v27  }
0x2b3: {  	v62 =	vadd.s32 s10, v9;
	v27 =	vadd.s32 v5, v30;
	v21 =	vld.idx.msk [tilespmem:v21+s13+$0x0], $0xffff;
	[tilespmem:s25+$0x40] =	vst v28  }
0x2b4: {  	v63 =	vadd.s32 v6, v62;
	[tilespmem:s25+$0xFFFFFC40] =	vst v35;
	v30 =	vadd.s32 s26, v10;
	v22 =	vld.idx.msk [tilespmem:v22+s13+$0x0], $0xffff  }
0x2b5: {  	v45 =	vadd.s32 s1, v9;
	v28 =	vadd.s32 v5, v30;
	[tilespmem:s25+$0xC0] =	vst v29;
	v23 =	vld.idx.msk [tilespmem:v23+s13+$0x0], $0xffff  }
0x2b6: {  	v35 =	vadd.s32 v6, v45;
	v30 =	vadd.s32 s28, v10;
	v24 =	vld.idx.msk [tilespmem:v24+s13+$0x0], $0xffff;
	[tilespmem:s25+$0x140] =	vst v25  }
0x2b7: {  	v46 =	vadd.s32 s2, v9;
	v29 =	vadd.s32 v5, v30;
	v26 =	vld.idx.msk [tilespmem:v26+s13+$0x0], $0xffff;
	[tilespmem:s25+$0x1C0] =	vst v31  }
0x2b8: {  	v17 =	vadd.s32 v6, v46;
	v30 =	vadd.s32 s29, v10;
	[tilespmem:s25+$0xFFFFFD50] =	vst v36;
	v27 =	vld.idx.msk [tilespmem:v27+s13+$0x0], $0xffff  }
0x2b9: {  	v60 =	vadd.s32 s0, v10;
	[tilespmem:s25+$0x240] =	vst v32;
	v25 =	vadd.s32 v5, v30;
	v32 =	vld.idx.msk [tilespmem:v63+s13+$0x0], $0xffff  }
0x2ba: {  	v47 =	vadd.s32 s3, v9;
	v30 =	vadd.s32 v5, v60;
	[tilespmem:s25+$0xFFFFFF50] =	vst v20;
	v28 =	vld.idx.msk [tilespmem:v28+s13+$0x0], $0xffff  }
0x2bb: {  	v61 =	vadd.s32 s7, v9;
	v18 =	vadd.s32 v6, v47;
	v35 =	vld.idx.msk [tilespmem:v35+s13+$0x0], $0xffff  }
0x2bc: {  	v48 =	vadd.s32 s18, v9;
	v31 =	vadd.s32 v6, v61;
	[tilespmem:s25+$0xFFFFFFD0] =	vst v21;
	v29 =	vld.idx.msk [tilespmem:v29+s13+$0x0], $0xffff  }
0x2bd: {  	v49 =	vadd.s32 s19, v9;
	[tilespmem:s25+$0xFFFFFED0] =	vst v19;
	v19 =	vadd.s32 v6, v48;
	v52 =	vld.idx.msk [tilespmem:v17+s13+$0x0], $0xffff  }
0x2be: {  	v50 =	vadd.s32 s20, v9;
	[tilespmem:s25+$0xFFFFFDE0] =	vst v33;
	v20 =	vadd.s32 v6, v49;
	v25 =	vld.idx.msk [tilespmem:v25+s13+$0x0], $0xffff  }
0x2bf: {  	v51 =	vadd.s32 s26, v9;
	v21 =	vadd.s32 v6, v50;
	[tilespmem:s25+$0x50] =	vst v22;
	v30 =	vld.idx.msk [tilespmem:v30+s13+$0x0], $0xffff  }
0x2c0: {  	v44 =	vadd.s32 s6, v9;
	v17 =	vadd.s32 v6, v51;
	[tilespmem:s25+$0xFFFFFCD0] =	vst v23;
	v53 =	vld.idx.msk [tilespmem:v18+s13+$0x0], $0xffff  }
0x2c1: {  	v22 =	vadd.s32 s28, v9;
	v23 =	vadd.s32 v6, v44;
	[tilespmem:s25+$0xD0] =	vst v24;
	v31 =	vld.idx.msk [tilespmem:v31+s13+$0x0], $0xffff  }
0x2c2: {  	v18 =	vadd.s32 v6, v22;
	v22 =	vadd.s32 s29, v9;
	v54 =	vld.idx.msk [tilespmem:v19+s13+$0x0], $0xffff;
	[tilespmem:s25+$0x150] =	vst v26  }
0x2c3: {  	v24 =	vadd.s32 s0, v9;
	v19 =	vadd.s32 v6, v22;
	v26 =	vld.idx.msk [tilespmem:v20+s13+$0x0], $0xffff;
	[tilespmem:s25+$0x1D0] =	vst v27  }
0x2c4: {  	v22 =	vadd.s32 v6, v24;
	v24 =	vadd.s32 s7, v8;
	v27 =	vld.idx.msk [tilespmem:v21+s13+$0x0], $0xffff;
	[tilespmem:s25+$0x250] =	vst v28  }
0x2c5: {  	[tilespmem:s25+$0xFFFFFE60] =	vst v34;
	v20 =	vadd.s32 v7, v24;
	v24 =	vadd.s32 s10, v8;
	v28 =	vld.idx.msk [tilespmem:v17+s13+$0x0], $0xffff  }
0x2c6: {  	v21 =	vadd.s32 v7, v24;
	v24 =	vadd.s32 s11, v8;
	[tilespmem:s25+$0x2D0] =	vst v29;
	v23 =	vld.idx.msk [tilespmem:v23+s13+$0x0], $0xffff  }
0x2c7: {  	v17 =	vadd.s32 v7, v24;
	v24 =	vadd.s32 s15, v8;
	v29 =	vld.idx.msk [tilespmem:v18+s13+$0x0], $0xffff;
	[tilespmem:s25+$0x350] =	vst v25  }
0x2c8: {  	v56 =	vadd.s32 s26, v8;
	[tilespmem:s25+$0xFFFFFC50] =	vst v30;
	v18 =	vadd.s32 v7, v24;
	v30 =	vld.idx.msk [tilespmem:v19+s13+$0x0], $0xffff  }
0x2c9: {  	v33 =	vadd.s32 v7, v56;
	v24 =	vadd.s32 s6, v8;
	v39 =	vld.idx.msk [tilespmem:v22+s13+$0x0], $0xffff;
	[tilespmem:s25+$0xFFFFFCE0] =	vst v31  }
0x2ca: {  	v57 =	vadd.s32 s28, v8;
	[tilespmem:s25+$0xFFFFFD60] =	vst v32;
	v19 =	vadd.s32 v7, v24;
	v24 =	vld.idx.msk [tilespmem:v20+s13+$0x0], $0xffff  }
0x2cb: {  	v34 =	vadd.s32 v7, v57;
	v22 =	vadd.s32 s1, v8;
	[tilespmem:s25+$0x160] =	vst v26;
	v31 =	vld.idx.msk [tilespmem:v21+s13+$0x0], $0xffff  }
0x2cc: {  	v58 =	vadd.s32 s29, v8;
	s28 =	simm.s32 $0x12;
	v20 =	vadd.s32 v7, v22;
	[tilespmem:s25+$0x1E0] =	vst v27;
	v40 =	vld.idx.msk [tilespmem:v17+s13+$0x0], $0xffff  }
0x2cd: {  	v22 =	vadd.s32 s2, v8;
	v26 =	vadd.s32 v7, v58;
	v27 =	vadd.s32 s28, v15;
	[tilespmem:s25+$0x260] =	vst v28;
	v17 =	vld.idx.msk [tilespmem:v18+s13+$0x0], $0xffff  }
0x2ce: {  	v21 =	vadd.s32 v7, v22;
	v22 =	vadd.s32 s3, v8;
	v61 =	vadd.s32 v0, v27;
	[tilespmem:s25+$0xFFFFFEE0] =	vst v23;
	v27 =	vld.idx.msk [tilespmem:v33+s13+$0x0], $0xffff  }
0x2cf: {  	v25 =	vadd.s32 s18, v8;
	v22 =	vadd.s32 v7, v22;
	[tilespmem:s25+$0x2E0] =	vst v29;
	v18 =	vld.idx.msk [tilespmem:v19+s13+$0x0], $0xffff  }
0x2d0: {  	[tilespmem:s25+$0xFFFFFF60] =	vst v35;
	v23 =	vadd.s32 v7, v25;
	v25 =	vadd.s32 s19, v8;
	v28 =	vld.idx.msk [tilespmem:v34+s13+$0x0], $0xffff  }
0x2d1: {  	v55 =	vadd.s32 s20, v8;
	v25 =	vadd.s32 v7, v25;
	[tilespmem:s25+$0x360] =	vst v30;
	v19 =	vld.idx.msk [tilespmem:v20+s13+$0x0], $0xffff  }
0x2d2: {  	v59 =	vadd.s32 s0, v8;
	s26 =	simm.s32 $0x11;
	v32 =	vadd.s32 v7, v55;
	[tilespmem:s25+$0xFFFFFFE0] =	vst v52;
	v29 =	vld.idx.msk [tilespmem:v26+s13+$0x0], $0xffff  }
0x2d3: {  	v60 =	vadd.s32 s26, v15;
	v36 =	vadd.s32 v7, v59;
	[tilespmem:s25+$0x60] =	vst v53;
	v20 =	vld.idx.msk [tilespmem:v21+s13+$0x0], $0xffff  }
0x2d4: {  	v35 =	vadd.s32 v0, v60;
	[tilespmem:s25+$0xE0] =	vst v54;
	s3 =	simm.s32 $0x13;
	v21 =	vld.idx.msk [tilespmem:v22+s13+$0x0], $0xffff  }
0x2d5: {  	s0 =	simm.s32 $0x14;
	v30 =	vadd.s32 s3, v15;
	v22 =	vld.idx.msk [tilespmem:v23+s13+$0x0], $0xffff  }
0x2d6: {  	v62 =	vadd.s32 s0, v15;
	s2 =	simm.s32 $0x15;
	v34 =	vadd.s32 v0, v30;
	v23 =	vld.idx.msk [tilespmem:v25+s13+$0x0], $0xffff  }
0x2d7: {  	s6 =	simm.s32 $0x16;
	[tilespmem:s25+$0xFFFFFC60] =	vst v39;
	v26 =	vadd.s32 s2, v15;
	v25 =	vld.idx.msk [tilespmem:v32+s13+$0x0], $0xffff;
	v32 =	vadd.s32 v0, v62  }
0x2d8: {  	s29 =	simm.s32 $0x17;
	v30 =	vld.idx.msk [tilespmem:v36+s13+$0x0], $0xffff;
	[tilespmem:s25+$0xFFFFFCF0] =	vst v24;
	v33 =	vadd.s32 v0, v26;
	v26 =	vadd.s32 s6, v15  }
0x2d9: {  	v63 =	vadd.s32 s29, v15;
	s7 =	simm.s32 $0x18;
	v24 =	vld.idx.msk [tilespmem:v35+s13+$0x0], $0xffff;
	[tilespmem:s25+$0xFFFFFD70] =	vst v31;
	v35 =	vadd.s32 v0, v26  }
0x2da: {  	s8 =	simm.s32 $0x1F;
	s10 =	simm.s32 $0x20;
	v36 =	vadd.s32 s7, v15;
	v31 =	vadd.s32 v0, v63;
	v26 =	vld.idx.msk [tilespmem:v61+s13+$0x0], $0xffff;
	[tilespmem:s25+$0xFFFFFDF0] =	vst v40  }
.LBB2_11:
0x2db: {  	p0 =	slt.u32 s10, $0x30;
	v34 =	vld.idx.msk [tilespmem:v34+s13+$0x0], $0xffff;
	v36 =	vadd.s32 v0, v36;
	s19 =	sadd.s32 $0x9, s24;
	v37 =	vadd.s32 s8, v15;
	[tilespmem:s25+$0xFFFFFE70] =	vst v17  }
0x2dc: {  	s20 =	sadd.s32 $0xA, s24;
	v17 =	vld.idx.msk [tilespmem:v32+s13+$0x0], $0xffff;
	v32 =	vadd.s32 s19, v15;
	v37 =	vadd.s32 v0, v37;
	[tilespmem:s25+$0xFFFFFEF0] =	vst v18  }
0x2dd: {  	s15 =	sadd.s32 $0xB, s24;
	v18 =	vld.idx.msk [tilespmem:v33+s13+$0x0], $0xffff;
	v32 =	vadd.s32 v0, v32;
	v33 =	vadd.s32 s20, v15;
	[tilespmem:s25+$0xFFFFFF70] =	vst v19  }
0x2de: {  	s18 =	sadd.s32 $0xC, s24;
	v19 =	vld.idx.msk [tilespmem:v35+s13+$0x0], $0xffff;
	v33 =	vadd.s32 v0, v33;
	v35 =	vadd.s32 s15, v15;
	[tilespmem:s25+$0xFFFFFFF0] =	vst v20  }
0x2df: {  	s11 =	sadd.s32 $0xD, s24;
	v20 =	vld.idx.msk [tilespmem:v31+s13+$0x0], $0xffff;
	v31 =	vadd.s32 v0, v35;
	v35 =	vadd.s32 s18, v15;
	[tilespmem:s25+$0x70] =	vst v21  }
0x2e0: {  	s1 =	sadd.s32 $0xE, s24;
	v21 =	vld.idx.msk [tilespmem:v36+s13+$0x0], $0xffff;
	v35 =	vadd.s32 v0, v35;
	v36 =	vadd.s32 s11, v15;
	[tilespmem:s25+$0xF0] =	vst v22  }
0x2e1: {  	v22 =	vadd.s32 v0, v36;
	v36 =	vadd.s32 s1, v15;
	v37 =	vld.idx.msk [tilespmem:v37+s13+$0x0], $0xffff;
	[tilespmem:s25+$0x170] =	vst v23  }
0x2e2: {  	v23 =	vld.idx.msk [tilespmem:v32+s13+$0x0], $0xffff;
	v32 =	vadd.s32 v0, v36;
	v36 =	vadd.s32 s8, v14;
	[tilespmem:s25+$0x1F0] =	vst v25  }
0x2e3: {  	v25 =	vadd.s32 s26, v14;
	v33 =	vld.idx.msk [tilespmem:v33+s13+$0x0], $0xffff;
	v36 =	vadd.s32 v1, v36;
	[tilespmem:s25+$0x270] =	vst v27  }
0x2e4: {  	v25 =	vadd.s32 v1, v25;
	v27 =	vadd.s32 s28, v14;
	v31 =	vld.idx.msk [tilespmem:v31+s13+$0x0], $0xffff;
	[tilespmem:s25+$0x2F0] =	vst v28  }
0x2e5: {  	v27 =	vadd.s32 v1, v27;
	v28 =	vadd.s32 s3, v14;
	v35 =	vld.idx.msk [tilespmem:v35+s13+$0x0], $0xffff;
	[tilespmem:s25+$0x370] =	vst v29  }
0x2e6: {  	v28 =	vadd.s32 v1, v28;
	v29 =	vadd.s32 s0, v14;
	v22 =	vld.idx.msk [tilespmem:v22+s13+$0x0], $0xffff;
	[tilespmem:s25+$0xFFFFFC70] =	vst v30;
	s25 =	sadd.s32 $0x800, s25  }
0x2e7: {  	v29 =	vadd.s32 v1, v29;
	v30 =	vadd.s32 s2, v14;
	v32 =	vld.idx.msk [tilespmem:v32+s13+$0x0], $0xffff;
	[tilespmem:s25+$0x380] =	vst v37  }
0x2e8: {  	[tilespmem:s25+$0xFFFFFC80] =	vst v24;
	v24 =	vadd.s32 v1, v30;
	v30 =	vadd.s32 s6, v14;
	v36 =	vld.idx.msk [tilespmem:v36+s13+$0x0], $0xffff  }
0x2e9: {  	v25 =	vld.idx.msk [tilespmem:v25+s13+$0x0], $0xffff;
	[tilespmem:s25+$0xFFFFFD00] =	vst v26;
	v26 =	vadd.s32 v1, v30;
	v30 =	vadd.s32 s8, v13  }
0x2ea: {  	v27 =	vld.idx.msk [tilespmem:v27+s13+$0x0], $0xffff;
	[tilespmem:s25+$0xFFFFFD80] =	vst v34;
	v34 =	vadd.s32 s29, v14;
	v30 =	vadd.s32 v2, v30  }
0x2eb: {  	v28 =	vld.idx.msk [tilespmem:v28+s13+$0x0], $0xffff;
	[tilespmem:s25+$0xFFFFFE00] =	vst v17;
	v17 =	vadd.s32 v1, v34;
	v34 =	vadd.s32 s7, v14  }
0x2ec: {  	v29 =	vld.idx.msk [tilespmem:v29+s13+$0x0], $0xffff;
	[tilespmem:s25+$0xFFFFFE80] =	vst v18;
	v18 =	vadd.s32 v1, v34;
	v34 =	vadd.s32 s19, v14  }
0x2ed: {  	v24 =	vld.idx.msk [tilespmem:v24+s13+$0x0], $0xffff;
	[tilespmem:s25+$0xFFFFFF00] =	vst v19;
	v19 =	vadd.s32 v1, v34;
	v34 =	vadd.s32 s20, v14  }
0x2ee: {  	v37 =	vadd.s32 s15, v14;
	v26 =	vld.idx.msk [tilespmem:v26+s13+$0x0], $0xffff;
	v34 =	vadd.s32 v1, v34;
	[tilespmem:s25+$0x390] =	vst v36  }
0x2ef: {  	v36 =	vadd.s32 s18, v14;
	[tilespmem:s25+$0xFFFFFF80] =	vst v20;
	v20 =	vadd.s32 v1, v37;
	v30 =	vld.idx.msk [tilespmem:v30+s13+$0x0], $0xffff  }
0x2f0: {  	v17 =	vld.idx.msk [tilespmem:v17+s13+$0x0], $0xffff;
	[tilespmem:s25+$0x0] =	vst v21;
	v21 =	vadd.s32 v1, v36;
	v36 =	vadd.s32 s8, v12  }
0x2f1: {  	v18 =	vld.idx.msk [tilespmem:v18+s13+$0x0], $0xffff;
	[tilespmem:s25+$0x80] =	vst v23;
	v23 =	vadd.s32 s11, v14;
	v36 =	vadd.s32 v3, v36  }
0x2f2: {  	v19 =	vld.idx.msk [tilespmem:v19+s13+$0x0], $0xffff;
	[tilespmem:s25+$0x100] =	vst v33;
	v23 =	vadd.s32 v1, v23;
	v33 =	vadd.s32 s1, v14  }
0x2f3: {  	v37 =	vadd.s32 s24, v14;
	v34 =	vld.idx.msk [tilespmem:v34+s13+$0x0], $0xffff;
	[tilespmem:s25+$0x180] =	vst v31;
	v31 =	vadd.s32 v1, v33  }
0x2f4: {  	v33 =	vadd.s32 v1, v37;
	v37 =	vadd.s32 s26, v13;
	v20 =	vld.idx.msk [tilespmem:v20+s13+$0x0], $0xffff;
	[tilespmem:s25+$0x200] =	vst v35  }
0x2f5: {  	v35 =	vadd.s32 v2, v37;
	v37 =	vadd.s32 s28, v13;
	v21 =	vld.idx.msk [tilespmem:v21+s13+$0x0], $0xffff;
	[tilespmem:s25+$0x3A0] =	vst v30  }
0x2f6: {  	v30 =	vadd.s32 v2, v37;
	v37 =	vadd.s32 s3, v13;
	[tilespmem:s25+$0x280] =	vst v22;
	v22 =	vld.idx.msk [tilespmem:v36+s13+$0x0], $0xffff  }
0x2f7: {  	v36 =	vadd.s32 v2, v37;
	v23 =	vld.idx.msk [tilespmem:v23+s13+$0x0], $0xffff;
	[tilespmem:s25+$0x300] =	vst v32;
	v32 =	vadd.s32 s8, v11  }
0x2f8: {  	[tilespmem:s25+$0xFFFFFC00] =	vst v16;
	v16 =	vadd.s32 s0, v13;
	v31 =	vld.idx.msk [tilespmem:v31+s13+$0x0], $0xffff;
	v32 =	vadd.s32 v4, v32  }
0x2f9: {  	v33 =	vld.idx.msk [tilespmem:v33+s13+$0x0], $0xffff;
	[tilespmem:s25+$0xFFFFFC90] =	vst v25;
	v16 =	vadd.s32 v2, v16;
	v25 =	vadd.s32 s2, v13  }
0x2fa: {  	v35 =	vld.idx.msk [tilespmem:v35+s13+$0x0], $0xffff;
	[tilespmem:s25+$0xFFFFFD10] =	vst v27;
	v25 =	vadd.s32 v2, v25;
	v27 =	vadd.s32 s6, v13  }
0x2fb: {  	v30 =	vld.idx.msk [tilespmem:v30+s13+$0x0], $0xffff;
	[tilespmem:s25+$0xFFFFFD90] =	vst v28;
	v27 =	vadd.s32 v2, v27;
	v28 =	vadd.s32 s29, v13  }
0x2fc: {  	v37 =	vadd.s32 s7, v13;
	v36 =	vld.idx.msk [tilespmem:v36+s13+$0x0], $0xffff;
	v28 =	vadd.s32 v2, v28;
	[tilespmem:s25+$0x3B0] =	vst v22  }
0x2fd: {  	v22 =	vadd.s32 v2, v37;
	[tilespmem:s25+$0xFFFFFE10] =	vst v29;
	v29 =	vadd.s32 s19, v13;
	v32 =	vld.idx.msk [tilespmem:v32+s13+$0x0], $0xffff  }
0x2fe: {  	v16 =	vld.idx.msk [tilespmem:v16+s13+$0x0], $0xffff;
	[tilespmem:s25+$0xFFFFFE90] =	vst v24;
	v24 =	vadd.s32 v2, v29;
	v29 =	vadd.s32 s8, v10  }
0x2ff: {  	v25 =	vld.idx.msk [tilespmem:v25+s13+$0x0], $0xffff;
	[tilespmem:s25+$0xFFFFFF10] =	vst v26;
	v26 =	vadd.s32 s20, v13;
	v29 =	vadd.s32 v5, v29  }
0x300: {  	v27 =	vld.idx.msk [tilespmem:v27+s13+$0x0], $0xffff;
	[tilespmem:s25+$0xFFFFFF90] =	vst v17;
	v17 =	vadd.s32 v2, v26;
	v26 =	vadd.s32 s15, v13  }
0x301: {  	v28 =	vld.idx.msk [tilespmem:v28+s13+$0x0], $0xffff;
	[tilespmem:s25+$0x10] =	vst v18;
	v18 =	vadd.s32 v2, v26;
	v26 =	vadd.s32 s18, v13  }
0x302: {  	v22 =	vld.idx.msk [tilespmem:v22+s13+$0x0], $0xffff;
	[tilespmem:s25+$0x90] =	vst v19;
	v19 =	vadd.s32 v2, v26;
	v26 =	vadd.s32 s11, v13  }
0x303: {  	v37 =	vadd.s32 s1, v13;
	v24 =	vld.idx.msk [tilespmem:v24+s13+$0x0], $0xffff;
	v26 =	vadd.s32 v2, v26;
	[tilespmem:s25+$0x3C0] =	vst v32  }
0x304: {  	v32 =	vadd.s32 s24, v13;
	[tilespmem:s25+$0x110] =	vst v34;
	v34 =	vadd.s32 v2, v37;
	v29 =	vld.idx.msk [tilespmem:v29+s13+$0x0], $0xffff  }
0x305: {  	v32 =	vadd.s32 v2, v32;
	v17 =	vld.idx.msk [tilespmem:v17+s13+$0x0], $0xffff;
	[tilespmem:s25+$0x190] =	vst v20;
	v20 =	vadd.s32 s8, v9  }
0x306: {  	v37 =	vadd.s32 s26, v12;
	v18 =	vld.idx.msk [tilespmem:v18+s13+$0x0], $0xffff;
	[tilespmem:s25+$0x210] =	vst v21;
	v20 =	vadd.s32 v6, v20  }
0x307: {  	v21 =	vadd.s32 v3, v37;
	v37 =	vadd.s32 s28, v12;
	v19 =	vld.idx.msk [tilespmem:v19+s13+$0x0], $0xffff;
	[tilespmem:s25+$0x290] =	vst v23  }
0x308: {  	v23 =	vadd.s32 v3, v37;
	v37 =	vadd.s32 s3, v12;
	v26 =	vld.idx.msk [tilespmem:v26+s13+$0x0], $0xffff;
	[tilespmem:s25+$0x310] =	vst v31  }
0x309: {  	v31 =	vadd.s32 v3, v37;
	[tilespmem:s25+$0xFFFFFC10] =	vst v33;
	v33 =	vadd.s32 s0, v12;
	v34 =	vld.idx.msk [tilespmem:v34+s13+$0x0], $0xffff  }
0x30a: {  	v37 =	vadd.s32 s2, v12;
	v32 =	vld.idx.msk [tilespmem:v32+s13+$0x0], $0xffff;
	v33 =	vadd.s32 v3, v33;
	[tilespmem:s25+$0x3D0] =	vst v29  }
0x30b: {  	v29 =	vadd.s32 v3, v37;
	[tilespmem:s25+$0xFFFFFCA0] =	vst v35;
	v35 =	vadd.s32 s6, v12;
	v20 =	vld.idx.msk [tilespmem:v20+s13+$0x0], $0xffff  }
0x30c: {  	v21 =	vld.idx.msk [tilespmem:v21+s13+$0x0], $0xffff;
	[tilespmem:s25+$0xFFFFFD20] =	vst v30;
	v30 =	vadd.s32 v3, v35;
	v35 =	vadd.s32 s8, v8  }
0x30d: {  	v23 =	vld.idx.msk [tilespmem:v23+s13+$0x0], $0xffff;
	[tilespmem:s25+$0xFFFFFDA0] =	vst v36;
	v36 =	vadd.s32 s29, v12;
	v35 =	vadd.s32 v7, v35  }
0x30e: {  	v31 =	vld.idx.msk [tilespmem:v31+s13+$0x0], $0xffff;
	[tilespmem:s25+$0xFFFFFE20] =	vst v16;
	v16 =	vadd.s32 v3, v36;
	v36 =	vadd.s32 s7, v12  }
0x30f: {  	v33 =	vld.idx.msk [tilespmem:v33+s13+$0x0], $0xffff;
	[tilespmem:s25+$0xFFFFFEA0] =	vst v25;
	v25 =	vadd.s32 v3, v36;
	v36 =	vadd.s32 s19, v12  }
0x310: {  	v29 =	vld.idx.msk [tilespmem:v29+s13+$0x0], $0xffff;
	[tilespmem:s25+$0xFFFFFF20] =	vst v27;
	v27 =	vadd.s32 v3, v36;
	v36 =	vadd.s32 s20, v12  }
0x311: {  	v37 =	vadd.s32 s15, v12;
	v30 =	vld.idx.msk [tilespmem:v30+s13+$0x0], $0xffff;
	v36 =	vadd.s32 v3, v36;
	[tilespmem:s25+$0x3E0] =	vst v20  }
0x312: {  	v20 =	vadd.s32 v3, v37;
	[tilespmem:s25+$0xFFFFFFA0] =	vst v28;
	v28 =	vadd.s32 s18, v12;
	v35 =	vld.idx.msk [tilespmem:v35+s13+$0x0], $0xffff  }
0x313: {  	v37 =	vadd.s32 s10, v15;
	v38 =	vld.idx.msk [tilespmem:v16+s13+$0x0], $0xffff;
	[tilespmem:s25+$0x20] =	vst v22;
	v16 =	vadd.s32 v3, v28  }
0x314: {  	v22 =	vadd.s32 v0, v37;
	v25 =	vld.idx.msk [tilespmem:v25+s13+$0x0], $0xffff;
	[tilespmem:s25+$0xA0] =	vst v24;
	v24 =	vadd.s32 s11, v12  }
0x315: {  	v27 =	vld.idx.msk [tilespmem:v27+s13+$0x0], $0xffff;
	[tilespmem:s25+$0x120] =	vst v17;
	v17 =	vadd.s32 v3, v24;
	v24 =	vadd.s32 s1, v12  }
0x316: {  	v28 =	vadd.s32 s24, v12;
	v36 =	vld.idx.msk [tilespmem:v36+s13+$0x0], $0xffff;
	[tilespmem:s25+$0x1A0] =	vst v18;
	v18 =	vadd.s32 v3, v24  }
0x317: {  	v24 =	vadd.s32 v3, v28;
	v28 =	vadd.s32 s26, v11;
	v20 =	vld.idx.msk [tilespmem:v20+s13+$0x0], $0xffff;
	[tilespmem:s25+$0x220] =	vst v19  }
0x318: {  	v19 =	vadd.s32 v4, v28;
	v28 =	vadd.s32 s28, v11;
	v37 =	vld.idx.msk [tilespmem:v16+s13+$0x0], $0xffff;
	[tilespmem:s25+$0x3F0] =	vst v35  }
0x319: {  	v16 =	vld.idx.msk [tilespmem:v22+s13+$0x0], $0xffff;
	v22 =	vadd.s32 v4, v28;
	v28 =	vadd.s32 s3, v11;
	[tilespmem:s25+$0x2A0] =	vst v26  }
0x31a: {  	v26 =	vadd.s32 v4, v28;
	v28 =	vadd.s32 s0, v11;
	v17 =	vld.idx.msk [tilespmem:v17+s13+$0x0], $0xffff;
	[tilespmem:s25+$0x320] =	vst v34  }
0x31b: {  	[tilespmem:s25+$0xFFFFFC20] =	vst v32;
	v28 =	vadd.s32 v4, v28;
	v32 =	vadd.s32 s2, v11;
	v18 =	vld.idx.msk [tilespmem:v18+s13+$0x0], $0xffff  }
0x31c: {  	v24 =	vld.idx.msk [tilespmem:v24+s13+$0x0], $0xffff;
	[tilespmem:s25+$0xFFFFFCB0] =	vst v21;
	v21 =	vadd.s32 v4, v32;
	v32 =	vadd.s32 s6, v11  }
0x31d: {  	v19 =	vld.idx.msk [tilespmem:v19+s13+$0x0], $0xffff;
	[tilespmem:s25+$0xFFFFFD30] =	vst v23;
	v23 =	vadd.s32 v4, v32;
	v32 =	vadd.s32 s29, v11  }
0x31e: {  	v22 =	vld.idx.msk [tilespmem:v22+s13+$0x0], $0xffff;
	[tilespmem:s25+$0xFFFFFDB0] =	vst v31;
	v31 =	vadd.s32 v4, v32;
	v32 =	vadd.s32 s7, v11  }
0x31f: {  	v26 =	vld.idx.msk [tilespmem:v26+s13+$0x0], $0xffff;
	[tilespmem:s25+$0xFFFFFE30] =	vst v33;
	v32 =	vadd.s32 v4, v32;
	v33 =	vadd.s32 s19, v11  }
0x320: {  	v28 =	vld.idx.msk [tilespmem:v28+s13+$0x0], $0xffff;
	[tilespmem:s25+$0xFFFFFEB0] =	vst v29;
	v29 =	vadd.s32 v4, v33;
	v33 =	vadd.s32 s20, v11  }
0x321: {  	v21 =	vld.idx.msk [tilespmem:v21+s13+$0x0], $0xffff;
	[tilespmem:s25+$0xFFFFFF30] =	vst v30;
	v30 =	vadd.s32 v4, v33;
	v33 =	vadd.s32 s15, v11  }
0x322: {  	v34 =	vadd.s32 s18, v11;
	v23 =	vld.idx.msk [tilespmem:v23+s13+$0x0], $0xffff;
	[tilespmem:s25+$0xFFFFFFB0] =	vst v38;
	v33 =	vadd.s32 v4, v33  }
0x323: {  	v31 =	vld.idx.msk [tilespmem:v31+s13+$0x0], $0xffff;
	[tilespmem:s25+$0x30] =	vst v25;
	v25 =	vadd.s32 v4, v34;
	v34 =	vadd.s32 s11, v11  }
0x324: {  	v32 =	vld.idx.msk [tilespmem:v32+s13+$0x0], $0xffff;
	[tilespmem:s25+$0xB0] =	vst v27;
	v27 =	vadd.s32 v4, v34;
	v34 =	vadd.s32 s1, v11  }
0x325: {  	v35 =	vadd.s32 s24, v11;
	v29 =	vld.idx.msk [tilespmem:v29+s13+$0x0], $0xffff;
	[tilespmem:s25+$0x130] =	vst v36;
	v34 =	vadd.s32 v4, v34  }
0x326: {  	v35 =	vadd.s32 v4, v35;
	v36 =	vadd.s32 s26, v10;
	v30 =	vld.idx.msk [tilespmem:v30+s13+$0x0], $0xffff;
	[tilespmem:s25+$0x1B0] =	vst v20  }
0x327: {  	v20 =	vadd.s32 v5, v36;
	v36 =	vadd.s32 s28, v10;
	v33 =	vld.idx.msk [tilespmem:v33+s13+$0x0], $0xffff;
	[tilespmem:s25+$0x230] =	vst v37  }
0x328: {  	v36 =	vadd.s32 v5, v36;
	v37 =	vadd.s32 s3, v10;
	v25 =	vld.idx.msk [tilespmem:v25+s13+$0x0], $0xffff;
	[tilespmem:s25+$0x2B0] =	vst v17  }
0x329: {  	v17 =	vadd.s32 v5, v37;
	v37 =	vadd.s32 s0, v10;
	v27 =	vld.idx.msk [tilespmem:v27+s13+$0x0], $0xffff;
	[tilespmem:s25+$0x330] =	vst v18  }
0x32a: {  	v18 =	vadd.s32 v5, v37;
	[tilespmem:s25+$0xFFFFFC30] =	vst v24;
	v24 =	vadd.s32 s2, v10;
	v34 =	vld.idx.msk [tilespmem:v34+s13+$0x0], $0xffff  }
0x32b: {  	v35 =	vld.idx.msk [tilespmem:v35+s13+$0x0], $0xffff;
	[tilespmem:s25+$0xFFFFFCC0] =	vst v19;
	v19 =	vadd.s32 v5, v24;
	v24 =	vadd.s32 s6, v10  }
0x32c: {  	v20 =	vld.idx.msk [tilespmem:v20+s13+$0x0], $0xffff;
	[tilespmem:s25+$0xFFFFFD40] =	vst v22;
	v22 =	vadd.s32 v5, v24;
	v24 =	vadd.s32 s29, v10  }
0x32d: {  	v36 =	vld.idx.msk [tilespmem:v36+s13+$0x0], $0xffff;
	[tilespmem:s25+$0xFFFFFDC0] =	vst v26;
	v24 =	vadd.s32 v5, v24;
	v26 =	vadd.s32 s7, v10  }
0x32e: {  	v17 =	vld.idx.msk [tilespmem:v17+s13+$0x0], $0xffff;
	[tilespmem:s25+$0xFFFFFE40] =	vst v28;
	v26 =	vadd.s32 v5, v26;
	v28 =	vadd.s32 s19, v10  }
0x32f: {  	v18 =	vld.idx.msk [tilespmem:v18+s13+$0x0], $0xffff;
	[tilespmem:s25+$0xFFFFFEC0] =	vst v21;
	v21 =	vadd.s32 v5, v28;
	v28 =	vadd.s32 s20, v10  }
0x330: {  	v19 =	vld.idx.msk [tilespmem:v19+s13+$0x0], $0xffff;
	[tilespmem:s25+$0xFFFFFF40] =	vst v23;
	v23 =	vadd.s32 v5, v28;
	v28 =	vadd.s32 s15, v10  }
0x331: {  	v22 =	vld.idx.msk [tilespmem:v22+s13+$0x0], $0xffff;
	[tilespmem:s25+$0xFFFFFFC0] =	vst v31;
	v28 =	vadd.s32 v5, v28;
	v31 =	vadd.s32 s18, v10  }
0x332: {  	v24 =	vld.idx.msk [tilespmem:v24+s13+$0x0], $0xffff;
	[tilespmem:s25+$0x40] =	vst v32;
	v31 =	vadd.s32 v5, v31;
	v32 =	vadd.s32 s11, v10  }
0x333: {  	v26 =	vld.idx.msk [tilespmem:v26+s13+$0x0], $0xffff;
	[tilespmem:s25+$0xC0] =	vst v29;
	v29 =	vadd.s32 v5, v32;
	v32 =	vadd.s32 s1, v10  }
0x334: {  	v37 =	vadd.s32 s24, v10;
	v21 =	vld.idx.msk [tilespmem:v21+s13+$0x0], $0xffff;
	[tilespmem:s25+$0x140] =	vst v30;
	v30 =	vadd.s32 v5, v32  }
0x335: {  	v32 =	vadd.s32 v5, v37;
	v37 =	vadd.s32 s26, v9;
	v23 =	vld.idx.msk [tilespmem:v23+s13+$0x0], $0xffff;
	[tilespmem:s25+$0x1C0] =	vst v33  }
0x336: {  	v33 =	vadd.s32 v6, v37;
	v37 =	vadd.s32 s28, v9;
	v28 =	vld.idx.msk [tilespmem:v28+s13+$0x0], $0xffff;
	[tilespmem:s25+$0x240] =	vst v25  }
0x337: {  	v25 =	vadd.s32 v6, v37;
	v37 =	vadd.s32 s3, v9;
	v31 =	vld.idx.msk [tilespmem:v31+s13+$0x0], $0xffff;
	[tilespmem:s25+$0x2C0] =	vst v27  }
0x338: {  	v27 =	vadd.s32 v6, v37;
	v37 =	vadd.s32 s0, v9;
	v29 =	vld.idx.msk [tilespmem:v29+s13+$0x0], $0xffff;
	[tilespmem:s25+$0x340] =	vst v34  }
0x339: {  	v34 =	vadd.s32 v6, v37;
	[tilespmem:s25+$0xFFFFFC40] =	vst v35;
	v35 =	vadd.s32 s2, v9;
	v30 =	vld.idx.msk [tilespmem:v30+s13+$0x0], $0xffff  }
0x33a: {  	v32 =	vld.idx.msk [tilespmem:v32+s13+$0x0], $0xffff;
	[tilespmem:s25+$0xFFFFFCD0] =	vst v20;
	v20 =	vadd.s32 v6, v35;
	v35 =	vadd.s32 s6, v9  }
0x33b: {  	v33 =	vld.idx.msk [tilespmem:v33+s13+$0x0], $0xffff;
	[tilespmem:s25+$0xFFFFFD50] =	vst v36;
	v35 =	vadd.s32 v6, v35;
	v36 =	vadd.s32 s29, v9  }
0x33c: {  	v25 =	vld.idx.msk [tilespmem:v25+s13+$0x0], $0xffff;
	[tilespmem:s25+$0xFFFFFDD0] =	vst v17;
	v17 =	vadd.s32 v6, v36;
	v36 =	vadd.s32 s7, v9  }
0x33d: {  	v27 =	vld.idx.msk [tilespmem:v27+s13+$0x0], $0xffff;
	[tilespmem:s25+$0xFFFFFE50] =	vst v18;
	v18 =	vadd.s32 v6, v36;
	v36 =	vadd.s32 s19, v9  }
0x33e: {  	v34 =	vld.idx.msk [tilespmem:v34+s13+$0x0], $0xffff;
	[tilespmem:s25+$0xFFFFFED0] =	vst v19;
	v19 =	vadd.s32 v6, v36;
	v36 =	vadd.s32 s20, v9  }
0x33f: {  	v20 =	vld.idx.msk [tilespmem:v20+s13+$0x0], $0xffff;
	[tilespmem:s25+$0xFFFFFF50] =	vst v22;
	v22 =	vadd.s32 v6, v36;
	v36 =	vadd.s32 s15, v9  }
0x340: {  	v35 =	vld.idx.msk [tilespmem:v35+s13+$0x0], $0xffff;
	[tilespmem:s25+$0xFFFFFFD0] =	vst v24;
	v24 =	vadd.s32 v6, v36;
	v36 =	vadd.s32 s18, v9  }
0x341: {  	v37 =	vld.idx.msk [tilespmem:v17+s13+$0x0], $0xffff;
	[tilespmem:s25+$0x50] =	vst v26;
	v17 =	vadd.s32 v6, v36;
	v26 =	vadd.s32 s11, v9  }
0x342: {  	v36 =	vld.idx.msk [tilespmem:v18+s13+$0x0], $0xffff;
	[tilespmem:s25+$0xD0] =	vst v21;
	v18 =	vadd.s32 v6, v26;
	v21 =	vadd.s32 s1, v9  }
0x343: {  	v26 =	vadd.s32 s24, v9;
	v38 =	vld.idx.msk [tilespmem:v19+s13+$0x0], $0xffff;
	[tilespmem:s25+$0x150] =	vst v23;
	v19 =	vadd.s32 v6, v21  }
0x344: {  	v21 =	vadd.s32 v6, v26;
	v23 =	vadd.s32 s26, v8;
	v26 =	vld.idx.msk [tilespmem:v22+s13+$0x0], $0xffff;
	[tilespmem:s25+$0x1D0] =	vst v28  }
0x345: {  	v22 =	vadd.s32 v7, v23;
	v23 =	vadd.s32 s28, v8;
	v24 =	vld.idx.msk [tilespmem:v24+s13+$0x0], $0xffff;
	[tilespmem:s25+$0x250] =	vst v31  }
0x346: {  	v28 =	vadd.s32 s3, v8;
	v23 =	vadd.s32 v7, v23;
	v31 =	vld.idx.msk [tilespmem:v17+s13+$0x0], $0xffff;
	[tilespmem:s25+$0x2D0] =	vst v29  }
0x347: {  	v17 =	vadd.s32 v7, v28;
	v28 =	vadd.s32 s0, v8;
	v29 =	vld.idx.msk [tilespmem:v18+s13+$0x0], $0xffff;
	[tilespmem:s25+$0x350] =	vst v30  }
0x348: {  	v18 =	vadd.s32 v7, v28;
	v28 =	vadd.s32 s2, v8;
	[tilespmem:s25+$0xFFFFFC50] =	vst v32;
	v30 =	vld.idx.msk [tilespmem:v19+s13+$0x0], $0xffff  }
0x349: {  	v19 =	vadd.s32 v7, v28;
	v39 =	vld.idx.msk [tilespmem:v21+s13+$0x0], $0xffff;
	[tilespmem:s25+$0xFFFFFCE0] =	vst v33;
	v21 =	vadd.s32 s6, v8  }
0x34a: {  	v40 =	vld.idx.msk [tilespmem:v22+s13+$0x0], $0xffff;
	[tilespmem:s25+$0xFFFFFD60] =	vst v25;
	v21 =	vadd.s32 v7, v21;
	v22 =	vadd.s32 s29, v8  }
0x34b: {  	v41 =	vld.idx.msk [tilespmem:v23+s13+$0x0], $0xffff;
	[tilespmem:s25+$0xFFFFFDE0] =	vst v27;
	v22 =	vadd.s32 v7, v22;
	v23 =	vadd.s32 s7, v8  }
0x34c: {  	v25 =	vadd.s32 s19, v8;
	v42 =	vld.idx.msk [tilespmem:v17+s13+$0x0], $0xffff;
	[tilespmem:s25+$0xFFFFFE60] =	vst v34;
	v23 =	vadd.s32 v7, v23  }
0x34d: {  	v25 =	vadd.s32 v7, v25;
	v17 =	vld.idx.msk [tilespmem:v18+s13+$0x0], $0xffff;
	[tilespmem:s25+$0xFFFFFEE0] =	vst v20;
	v20 =	vadd.s32 s20, v8  }
0x34e: {  	v18 =	vld.idx.msk [tilespmem:v19+s13+$0x0], $0xffff;
	[tilespmem:s25+$0xFFFFFF60] =	vst v35;
	v27 =	vadd.s32 v7, v20;
	v20 =	vadd.s32 s15, v8  }
0x34f: {  	v19 =	vld.idx.msk [tilespmem:v21+s13+$0x0], $0xffff;
	[tilespmem:s25+$0xFFFFFFE0] =	vst v37;
	v28 =	vadd.s32 v7, v20;
	v21 =	vadd.s32 s18, v8  }
0x350: {  	v20 =	vld.idx.msk [tilespmem:v22+s13+$0x0], $0xffff;
	[tilespmem:s25+$0x60] =	vst v36;
	v32 =	vadd.s32 v7, v21;
	v22 =	vadd.s32 s11, v8  }
0x351: {  	v21 =	vld.idx.msk [tilespmem:v23+s13+$0x0], $0xffff;
	[tilespmem:s25+$0xE0] =	vst v38;
	v33 =	vadd.s32 v7, v22;
	v23 =	vadd.s32 s1, v8  }
0x352: {  	s26 =	sadd.s32 $0x1, s10;
	v34 =	vadd.s32 s24, v8;
	s24 =	smov.u32 s10;
	v22 =	vld.idx.msk [tilespmem:v25+s13+$0x0], $0xffff;
	[tilespmem:s25+$0x160] =	vst v26;
	v26 =	vadd.s32 v7, v23  }
0x353: {  	s28 =	sadd.s32 $0x2, s10;
	v35 =	vadd.s32 v7, v34;
	v25 =	vadd.s32 s26, v15;
	v23 =	vld.idx.msk [tilespmem:v27+s13+$0x0], $0xffff;
	[tilespmem:s25+$0x1E0] =	vst v24  }
0x354: {  	s3 =	sadd.s32 $0x3, s10;
	v24 =	vadd.s32 v0, v25;
	v27 =	vadd.s32 s28, v15;
	v25 =	vld.idx.msk [tilespmem:v28+s13+$0x0], $0xffff;
	[tilespmem:s25+$0x260] =	vst v31  }
0x355: {  	s0 =	sadd.s32 $0x4, s10;
	v31 =	vadd.s32 v0, v27;
	v28 =	vadd.s32 s3, v15;
	v27 =	vld.idx.msk [tilespmem:v32+s13+$0x0], $0xffff;
	[tilespmem:s25+$0x2E0] =	vst v29  }
.Ltmp5:
0x356: {  	s2 =	sadd.s32 $0x5, s10;
	v34 =	vadd.s32 v0, v28;
	v29 =	vadd.s32 s0, v15;
	v28 =	vld.idx.msk [tilespmem:v33+s13+$0x0], $0xffff;
	[tilespmem:s25+$0x360] =	vst v30;
	(pc) =	sbr.rel @p0 .LBB2_11-.Ltmp5, $4  }
0x357: {  	s6 =	sadd.s32 $0x6, s10;
	v32 =	vadd.s32 v0, v29;
	v30 =	vadd.s32 s2, v15;
	[tilespmem:s25+$0xFFFFFC60] =	vst v39;
	v29 =	vld.idx.msk [tilespmem:v26+s13+$0x0], $0xffff  }
0x358: {  	s29 =	sadd.s32 $0x7, s10;
	v33 =	vadd.s32 v0, v30;
	v26 =	vadd.s32 s6, v15;
	v30 =	vld.idx.msk [tilespmem:v35+s13+$0x0], $0xffff;
	[tilespmem:s25+$0xFFFFFCF0] =	vst v40  }
0x359: {  	s7 =	sadd.s32 $0x8, s10;
	v36 =	vadd.s32 s29, v15;
	v35 =	vadd.s32 v0, v26;
	v24 =	vld.idx.msk [tilespmem:v24+s13+$0x0], $0xffff;
	[tilespmem:s25+$0xFFFFFD70] =	vst v41  }
0x35a: {  	s10 =	sadd.s32 $0x10, s10;
	s8 =	sadd.s32 $0xF, s24;
	v26 =	vld.idx.msk [tilespmem:v31+s13+$0x0], $0xffff;
	v31 =	vadd.s32 v0, v36;
	v36 =	vadd.s32 s7, v15;
	[tilespmem:s25+$0xFFFFFDF0] =	vst v42  }
0x35b: {  	[tilespmem:s25+$0xFFFFFE70] =	vst v17  }
0x35c: {  	[tilespmem:s25+$0xFFFFFEF0] =	vst v18  }
0x35d: {  	[tilespmem:s25+$0xFFFFFF70] =	vst v19  }
0x35e: {  	[tilespmem:s25+$0xFFFFFFF0] =	vst v20  }
0x35f: {  	[tilespmem:s25+$0x70] =	vst v21  }
0x360: {  	[tilespmem:s25+$0xF0] =	vst v22  }
0x361: {  	[tilespmem:s25+$0x170] =	vst v23  }
0x362: {  	[tilespmem:s25+$0x1F0] =	vst v25  }
0x363: {  	[tilespmem:s25+$0x270] =	vst v27  }
0x364: {  	[tilespmem:s25+$0x2F0] =	vst v28  }
0x365: {  	v42 =	vadd.s32 s8, v15;
	v44 =	vld.idx.msk [tilespmem:v34+s13+$0x0], $0xffff;
	v45 =	vadd.s32 v0, v36;
	s1 =	sadd.s32 $0x800, s25;
	[tilespmem:s25+$0x370] =	vst v29  }
0x366: {  	v46 =	vld.idx.msk [tilespmem:v32+s13+$0x0], $0xffff;
	v34 =	vadd.s32 s0, v14;
	v17 =	vadd.s32 v0, v42;
	[tilespmem:s1+$0xFFFFFC00] =	vst v16  }
0x367: {  	s10 =	sadd.s32 $0x9, s24;
	v50 =	vld.idx.msk [tilespmem:v35+s13+$0x0], $0xffff;
	v36 =	vadd.s32 s6, v14;
	v21 =	vadd.s32 v1, v34;
	[tilespmem:s25+$0xFFFFFC70] =	vst v30  }
0x368: {  	s11 =	sadd.s32 $0xA, s24;
	v48 =	vld.idx.msk [tilespmem:v33+s13+$0x0], $0xffff;
	v47 =	vadd.s32 s10, v15;
	v23 =	vadd.s32 v1, v36;
	[tilespmem:s1+$0xFFFFFC80] =	vst v24  }
0x369: {  	s15 =	sadd.s32 $0xB, s24;
	v54 =	vld.idx.msk [tilespmem:v31+s13+$0x0], $0xffff;
	v49 =	vadd.s32 s11, v15;
	v22 =	vadd.s32 v0, v47;
	[tilespmem:s1+$0xFFFFFD00] =	vst v26  }
0x36a: {  	s18 =	sadd.s32 $0xC, s24;
	v51 =	vadd.s32 s15, v15;
	v25 =	vadd.s32 v0, v49;
	[tilespmem:s1+$0xFFFFFD80] =	vst v44;
	v56 =	vld.idx.msk [tilespmem:v45+s13+$0x0], $0xffff  }
0x36b: {  	s19 =	sadd.s32 $0xD, s24;
	v53 =	vadd.s32 s18, v15;
	v52 =	vadd.s32 v0, v51;
	[tilespmem:s1+$0xFFFFFE00] =	vst v46;
	v17 =	vld.idx.msk [tilespmem:v17+s13+$0x0], $0xffff  }
0x36c: {  	s20 =	sadd.s32 $0xE, s24;
	v57 =	vadd.s32 s19, v15;
	v27 =	vadd.s32 v0, v53;
	[tilespmem:s1+$0xFFFFFF00] =	vst v50;
	v41 =	vld.idx.msk [tilespmem:v21+s13+$0x0], $0xffff  }
0x36d: {  	v58 =	vadd.s32 s20, v15;
	v20 =	vadd.s32 v0, v57;
	[tilespmem:s1+$0xFFFFFE80] =	vst v48;
	v46 =	vld.idx.msk [tilespmem:v23+s13+$0x0], $0xffff  }
0x36e: {  	v43 =	vadd.s32 s8, v14;
	v15 =	vadd.s32 v0, v58;
	v30 =	vadd.s32 s3, v14;
	[tilespmem:s1+$0xFFFFFF80] =	vst v54;
	v59 =	vld.idx.msk [tilespmem:v22+s13+$0x0], $0xffff  }
0x36f: {  	v61 =	vadd.s32 s26, v14;
	v37 =	vadd.s32 s29, v14;
	v32 =	vadd.s32 v1, v30;
	v60 =	vld.idx.msk [tilespmem:v25+s13+$0x0], $0xffff;
	[tilespmem:s1+$0x0] =	vst v56  }
0x370: {  	v63 =	vadd.s32 s28, v14;
	v35 =	vadd.s32 s2, v14;
	v24 =	vadd.s32 v1, v37;
	v62 =	vld.idx.msk [tilespmem:v52+s13+$0x0], $0xffff;
	[tilespmem:s1+$0x380] =	vst v17  }
0x371: {  	v38 =	vadd.s32 s7, v14;
	v18 =	vadd.s32 v1, v43;
	v40 =	vadd.s32 s10, v14;
	v29 =	vld.idx.msk [tilespmem:v27+s13+$0x0], $0xffff;
	[tilespmem:s1+$0xFFFFFE10] =	vst v41  }
0x372: {  	v47 =	vadd.s32 s15, v14;
	v49 =	vadd.s32 s18, v14;
	v20 =	vld.idx.msk [tilespmem:v20+s13+$0x0], $0xffff;
	v22 =	vadd.s32 v1, v35;
	[tilespmem:s1+$0xFFFFFF10] =	vst v46  }
0x373: {  	v39 =	vadd.s32 v1, v38;
	v51 =	vadd.s32 s19, v14;
	v53 =	vadd.s32 s24, v14;
	v15 =	vld.idx.msk [tilespmem:v15+s13+$0x0], $0xffff;
	[tilespmem:s1+$0x80] =	vst v59  }
0x374: {  	v45 =	vadd.s32 s11, v14;
	v52 =	vadd.s32 s20, v14;
	v14 =	vadd.s32 v1, v53;
	v19 =	vld.idx.msk [tilespmem:v32+s13+$0x0], $0xffff;
	[tilespmem:s1+$0x100] =	vst v60  }
0x375: {  	v42 =	vadd.s32 v1, v40;
	v24 =	vld.idx.msk [tilespmem:v24+s13+$0x0], $0xffff;
	[tilespmem:s1+$0x180] =	vst v62  }
0x376: {  	v50 =	vadd.s32 v1, v49;
	v18 =	vld.idx.msk [tilespmem:v18+s13+$0x0], $0xffff;
	[tilespmem:s1+$0x200] =	vst v29  }
0x377: {  	v23 =	vadd.s32 v1, v51;
	[tilespmem:s1+$0x280] =	vst v20;
	v44 =	vld.idx.msk [tilespmem:v22+s13+$0x0], $0xffff  }
0x378: {  	v54 =	vadd.s32 v1, v52;
	[tilespmem:s1+$0x300] =	vst v15;
	v20 =	vld.idx.msk [tilespmem:v39+s13+$0x0], $0xffff  }
0x379: {  	v17 =	vadd.s32 v1, v61;
	v14 =	vld.idx.msk [tilespmem:v14+s13+$0x0], $0xffff;
	[tilespmem:s1+$0xFFFFFD90] =	vst v19  }
0x37a: {  	v55 =	vadd.s32 s8, v13;
	v22 =	vadd.s32 v1, v45;
	v21 =	vld.idx.msk [tilespmem:v42+s13+$0x0], $0xffff;
	[tilespmem:s1+$0xFFFFFF90] =	vst v24  }
0x37b: {  	v28 =	vadd.s32 v2, v55;
	v61 =	vadd.s32 s3, v13;
	v19 =	vld.idx.msk [tilespmem:v50+s13+$0x0], $0xffff;
	[tilespmem:s1+$0x390] =	vst v18  }
0x37c: {  	v35 =	vadd.s32 s7, v13;
	v62 =	vadd.s32 v2, v61;
	v23 =	vld.idx.msk [tilespmem:v23+s13+$0x0], $0xffff;
	[tilespmem:s1+$0xFFFFFE90] =	vst v44  }
0x37d: {  	v37 =	vadd.s32 s10, v13;
	v36 =	vadd.s32 v2, v35;
	v15 =	vld.idx.msk [tilespmem:v54+s13+$0x0], $0xffff;
	[tilespmem:s1+$0x10] =	vst v20  }
0x37e: {  	v38 =	vadd.s32 v2, v37;
	v17 =	vld.idx.msk [tilespmem:v17+s13+$0x0], $0xffff;
	[tilespmem:s1+$0xFFFFFC10] =	vst v14  }
0x37f: {  	v43 =	vadd.s32 s8, v11;
	v34 =	vadd.s32 s29, v13;
	v18 =	vadd.s32 v1, v63;
	v56 =	vld.idx.msk [tilespmem:v22+s13+$0x0], $0xffff;
	[tilespmem:s1+$0x90] =	vst v21  }
0x380: {  	v26 =	vadd.s32 v4, v43;
	v43 =	vadd.s32 s18, v13;
	v20 =	vadd.s32 v2, v34;
	v31 =	vld.idx.msk [tilespmem:v28+s13+$0x0], $0xffff;
	[tilespmem:s1+$0x210] =	vst v19  }
0x381: {  	v45 =	vadd.s32 v2, v43;
	v63 =	vadd.s32 s0, v13;
	[tilespmem:s1+$0x290] =	vst v23;
	v21 =	vld.idx.msk [tilespmem:v62+s13+$0x0], $0xffff  }
0x382: {  	v33 =	vadd.s32 s8, v12;
	v24 =	vadd.s32 v2, v63;
	[tilespmem:s1+$0x310] =	vst v15;
	v15 =	vld.idx.msk [tilespmem:v36+s13+$0x0], $0xffff  }
0x383: {  	v25 =	vadd.s32 v3, v33;
	v28 =	vadd.s32 s2, v13;
	v14 =	vld.idx.msk [tilespmem:v38+s13+$0x0], $0xffff;
	[tilespmem:s1+$0xFFFFFC90] =	vst v17  }
0x384: {  	v58 =	vadd.s32 s26, v13;
	v29 =	vadd.s32 v2, v28;
	v18 =	vld.idx.msk [tilespmem:v18+s13+$0x0], $0xffff;
	[tilespmem:s1+$0x110] =	vst v56  }
0x385: {  	v17 =	vadd.s32 v2, v58;
	v44 =	vld.idx.msk [tilespmem:v20+s13+$0x0], $0xffff;
	[tilespmem:s1+$0x3A0] =	vst v31  }
0x386: {  	v57 =	vadd.s32 s8, v10;
	v48 =	vadd.s32 v1, v47;
	v59 =	vadd.s32 s28, v13;
	v20 =	vld.idx.msk [tilespmem:v45+s13+$0x0], $0xffff;
	[tilespmem:s1+$0xFFFFFDA0] =	vst v21  }
0x387: {  	v60 =	vadd.s32 v2, v59;
	v22 =	vadd.s32 v5, v57;
	v57 =	vadd.s32 s0, v12;
	v24 =	vld.idx.msk [tilespmem:v24+s13+$0x0], $0xffff;
	[tilespmem:s1+$0x20] =	vst v15  }
0x388: {  	v59 =	vadd.s32 v3, v57;
	v25 =	vld.idx.msk [tilespmem:v25+s13+$0x0], $0xffff;
	[tilespmem:s1+$0xA0] =	vst v14  }
0x389: {  	v30 =	vadd.s32 s6, v13;
	v16 =	vld.idx.msk [tilespmem:v29+s13+$0x0], $0xffff;
	v29 =	vadd.s32 s29, v12;
	[tilespmem:s1+$0xFFFFFD10] =	vst v18  }
0x38a: {  	v47 =	vadd.s32 s19, v13;
	v31 =	vadd.s32 v2, v30;
	v30 =	vadd.s32 v3, v29;
	v17 =	vld.idx.msk [tilespmem:v17+s13+$0x0], $0xffff;
	[tilespmem:s1+$0xFFFFFFA0] =	vst v44  }
0x38b: {  	v49 =	vadd.s32 s24, v13;
	v41 =	vadd.s32 s15, v13;
	v18 =	vld.idx.msk [tilespmem:v48+s13+$0x0], $0xffff;
	[tilespmem:s1+$0x220] =	vst v20  }
0x38c: {  	v39 =	vadd.s32 s11, v13;
	v48 =	vadd.s32 s20, v13;
	v13 =	vadd.s32 v2, v49;
	v33 =	vld.idx.msk [tilespmem:v60+s13+$0x0], $0xffff;
	[tilespmem:s1+$0xFFFFFE20] =	vst v24  }
0x38d: {  	v42 =	vadd.s32 v2, v41;
	[tilespmem:s1+$0x3B0] =	vst v25;
	v34 =	vld.idx.msk [tilespmem:v59+s13+$0x0], $0xffff  }
0x38e: {  	v51 =	vadd.s32 s26, v12;
	v52 =	vadd.s32 s28, v12;
	v50 =	vadd.s32 v2, v48;
	[tilespmem:s1+$0xFFFFFEA0] =	vst v16;
	v55 =	vld.idx.msk [tilespmem:v26+s13+$0x0], $0xffff  }
0x38f: {  	v32 =	vadd.s32 s8, v9;
	v53 =	vadd.s32 v3, v52;
	v60 =	vadd.s32 s2, v12;
	v43 =	vld.idx.msk [tilespmem:v30+s13+$0x0], $0xffff;
	[tilespmem:s1+$0xFFFFFCA0] =	vst v17  }
0x390: {  	v40 =	vadd.s32 v2, v39;
	v54 =	vadd.s32 s3, v12;
	v61 =	vadd.s32 v3, v60;
	[tilespmem:s1+$0x190] =	vst v18;
	v18 =	vld.idx.msk [tilespmem:v31+s13+$0x0], $0xffff  }
0x391: {  	v39 =	vadd.s32 s15, v12;
	v62 =	vadd.s32 s6, v12;
	v21 =	vadd.s32 v2, v47;
	v13 =	vld.idx.msk [tilespmem:v13+s13+$0x0], $0xffff;
	[tilespmem:s1+$0xFFFFFD20] =	vst v33  }
0x392: {  	v36 =	vadd.s32 s11, v12;
	v56 =	vadd.s32 v3, v54;
	v45 =	vadd.s32 s19, v12;
	v17 =	vld.idx.msk [tilespmem:v42+s13+$0x0], $0xffff;
	[tilespmem:s1+$0xFFFFFE30] =	vst v34  }
0x393: {  	v49 =	vadd.s32 s24, v12;
	v31 =	vadd.s32 s7, v12;
	v58 =	vld.idx.msk [tilespmem:v50+s13+$0x0], $0xffff;
	[tilespmem:s1+$0x3C0] =	vst v55  }
0x394: {  	v48 =	vadd.s32 s20, v12;
	v25 =	vadd.s32 v6, v32;
	v32 =	vadd.s32 v3, v31;
	v19 =	vld.idx.msk [tilespmem:v53+s13+$0x0], $0xffff;
	[tilespmem:s1+$0xFFFFFFB0] =	vst v43  }
0x395: {  	v33 =	vadd.s32 s10, v12;
	v42 =	vadd.s32 s18, v12;
	v12 =	vadd.s32 v3, v49;
	v37 =	vld.idx.msk [tilespmem:v61+s13+$0x0], $0xffff;
	[tilespmem:s1+$0xFFFFFF20] =	vst v18  }
0x396: {  	v35 =	vadd.s32 v3, v33;
	v55 =	vld.idx.msk [tilespmem:v21+s13+$0x0], $0xffff;
	[tilespmem:s1+$0xFFFFFC20] =	vst v13  }
0x397: {  	v41 =	vadd.s32 v3, v39;
	v21 =	vld.idx.msk [tilespmem:v56+s13+$0x0], $0xffff;
	[tilespmem:s1+$0x1A0] =	vst v17  }
0x398: {  	v46 =	vadd.s32 s8, v8;
	v60 =	vadd.s32 s0, v11;
	v44 =	vadd.s32 v3, v42;
	v22 =	vld.idx.msk [tilespmem:v22+s13+$0x0], $0xffff;
	[tilespmem:s1+$0x320] =	vst v58  }
0x399: {  	v23 =	vadd.s32 v7, v46;
	v61 =	vadd.s32 v4, v60;
	v46 =	vld.idx.msk [tilespmem:v32+s13+$0x0], $0xffff;
	[tilespmem:s1+$0xFFFFFD30] =	vst v19  }
0x39a: {  	v50 =	vadd.s32 v3, v48;
	v12 =	vld.idx.msk [tilespmem:v12+s13+$0x0], $0xffff;
	[tilespmem:s1+$0xFFFFFEB0] =	vst v37  }
0x39b: {  	v16 =	vld.idx.msk [tilespmem:v35+s13+$0x0], $0xffff;
	[tilespmem:s1+$0x2A0] =	vst v55  }
0x39c: {  	v28 =	vadd.s32 v3, v62;
	v53 =	vld.idx.msk [tilespmem:v41+s13+$0x0], $0xffff;
	[tilespmem:s1+$0xFFFFFDB0] =	vst v21  }
0x39d: {  	v56 =	vld.idx.msk [tilespmem:v44+s13+$0x0], $0xffff;
	[tilespmem:s1+$0x3D0] =	vst v22  }
0x39e: {  	v18 =	vadd.s32 v3, v51;
	v58 =	vadd.s32 s3, v11;
	v19 =	vld.idx.msk [tilespmem:v61+s13+$0x0], $0xffff;
	[tilespmem:s1+$0x30] =	vst v46  }
0x39f: {  	v30 =	vadd.s32 s7, v11;
	v59 =	vadd.s32 v4, v58;
	v21 =	vld.idx.msk [tilespmem:v50+s13+$0x0], $0xffff;
	[tilespmem:s1+$0xFFFFFC30] =	vst v12  }
0x3a0: {  	v39 =	vadd.s32 s18, v11;
	v32 =	vadd.s32 v4, v30;
	v22 =	vld.idx.msk [tilespmem:v40+s13+$0x0], $0xffff;
	[tilespmem:s1+$0xB0] =	vst v16  }
0x3a1: {  	v41 =	vadd.s32 v4, v39;
	v55 =	vadd.s32 s28, v11;
	v40 =	vld.idx.msk [tilespmem:v28+s13+$0x0], $0xffff;
	[tilespmem:s1+$0x1B0] =	vst v53  }
0x3a2: {  	v27 =	vadd.s32 s29, v11;
	v57 =	vadd.s32 v4, v55;
	v25 =	vld.idx.msk [tilespmem:v25+s13+$0x0], $0xffff;
	[tilespmem:s1+$0x230] =	vst v56  }
0x3a3: {  	v29 =	vadd.s32 v4, v27;
	v63 =	vld.idx.msk [tilespmem:v18+s13+$0x0], $0xffff;
	[tilespmem:s1+$0xFFFFFE40] =	vst v19  }
0x3a4: {  	v52 =	vadd.s32 s26, v11;
	v38 =	vadd.s32 v3, v36;
	v24 =	vadd.s32 s6, v11;
	v31 =	vld.idx.msk [tilespmem:v59+s13+$0x0], $0xffff;
	[tilespmem:s1+$0x330] =	vst v21  }
0x3a5: {  	v62 =	vadd.s32 s2, v11;
	v36 =	vadd.s32 s15, v11;
	v26 =	vadd.s32 v4, v24;
	v43 =	vld.idx.msk [tilespmem:v32+s13+$0x0], $0xffff;
	[tilespmem:s1+$0x120] =	vst v22  }
0x3a6: {  	v47 =	vadd.s32 v3, v45;
	v45 =	vadd.s32 s20, v11;
	v33 =	vadd.s32 s10, v11;
	v20 =	vld.idx.msk [tilespmem:v41+s13+$0x0], $0xffff;
	[tilespmem:s1+$0xFFFFFF30] =	vst v40  }
0x3a7: {  	v54 =	vadd.s32 v4, v52;
	v34 =	vadd.s32 s11, v11;
	v46 =	vadd.s32 s24, v11;
	v28 =	vld.idx.msk [tilespmem:v57+s13+$0x0], $0xffff;
	[tilespmem:s1+$0x3E0] =	vst v25  }
0x3a8: {  	v42 =	vadd.s32 s19, v11;
	v55 =	vadd.s32 s0, v10;
	v11 =	vadd.s32 v4, v46;
	v40 =	vld.idx.msk [tilespmem:v29+s13+$0x0], $0xffff;
	[tilespmem:s1+$0xFFFFFCB0] =	vst v63  }
0x3a9: {  	v56 =	vadd.s32 v5, v55;
	v51 =	vld.idx.msk [tilespmem:v38+s13+$0x0], $0xffff;
	[tilespmem:s1+$0xFFFFFDC0] =	vst v31  }
0x3aa: {  	v63 =	vadd.s32 v4, v62;
	v37 =	vld.idx.msk [tilespmem:v26+s13+$0x0], $0xffff;
	[tilespmem:s1+$0x40] =	vst v43  }
0x3ab: {  	v60 =	vadd.s32 s29, v10;
	v38 =	vadd.s32 v4, v36;
	v23 =	vld.idx.msk [tilespmem:v23+s13+$0x0], $0xffff;
	[tilespmem:s1+$0x240] =	vst v20  }
0x3ac: {  	v61 =	vadd.s32 v5, v60;
	v25 =	vld.idx.msk [tilespmem:v54+s13+$0x0], $0xffff;
	[tilespmem:s1+$0xFFFFFD40] =	vst v28  }
0x3ad: {  	v11 =	vld.idx.msk [tilespmem:v11+s13+$0x0], $0xffff;
	[tilespmem:s1+$0xFFFFFFC0] =	vst v40  }
0x3ae: {  	v22 =	vadd.s32 v4, v33;
	v14 =	vld.idx.msk [tilespmem:v56+s13+$0x0], $0xffff;
	[tilespmem:s1+$0x130] =	vst v51  }
0x3af: {  	v35 =	vadd.s32 v4, v34;
	v16 =	vld.idx.msk [tilespmem:v63+s13+$0x0], $0xffff;
	[tilespmem:s1+$0xFFFFFF40] =	vst v37  }
0x3b0: {  	v48 =	vadd.s32 v4, v45;
	v53 =	vadd.s32 s3, v10;
	v18 =	vld.idx.msk [tilespmem:v38+s13+$0x0], $0xffff;
	[tilespmem:s1+$0x3F0] =	vst v23  }
0x3b1: {  	v59 =	vadd.s32 s6, v10;
	v54 =	vadd.s32 v5, v53;
	v31 =	vld.idx.msk [tilespmem:v61+s13+$0x0], $0xffff;
	[tilespmem:s1+$0xFFFFFCC0] =	vst v25  }
0x3b2: {  	v49 =	vadd.s32 s26, v10;
	v19 =	vadd.s32 v5, v59;
	v23 =	vld.idx.msk [tilespmem:v47+s13+$0x0], $0xffff;
	[tilespmem:s1+$0xFFFFFC40] =	vst v11  }
0x3b3: {  	v50 =	vadd.s32 v5, v49;
	v62 =	vadd.s32 s7, v10;
	v47 =	vld.idx.msk [tilespmem:v22+s13+$0x0], $0xffff;
	[tilespmem:s1+$0xFFFFFE50] =	vst v14  }
0x3b4: {  	v30 =	vadd.s32 s18, v10;
	v63 =	vadd.s32 v5, v62;
	v21 =	vld.idx.msk [tilespmem:v35+s13+$0x0], $0xffff;
	[tilespmem:s1+$0xFFFFFEC0] =	vst v16  }
0x3b5: {  	v32 =	vadd.s32 v5, v30;
	v51 =	vadd.s32 s28, v10;
	v22 =	vld.idx.msk [tilespmem:v48+s13+$0x0], $0xffff;
	[tilespmem:s1+$0x1C0] =	vst v18  }
0x3b6: {  	v57 =	vadd.s32 s2, v10;
	v52 =	vadd.s32 v5, v51;
	v15 =	vld.idx.msk [tilespmem:v54+s13+$0x0], $0xffff;
	[tilespmem:s1+$0xFFFFFFD0] =	vst v31  }
0x3b7: {  	v27 =	vadd.s32 s15, v10;
	v24 =	vadd.s32 s10, v10;
	v58 =	vadd.s32 v5, v57;
	v28 =	vld.idx.msk [tilespmem:v19+s13+$0x0], $0xffff;
	[tilespmem:s1+$0x2B0] =	vst v23  }
0x3b8: {  	v29 =	vadd.s32 v5, v27;
	v33 =	vadd.s32 s19, v10;
	v37 =	vadd.s32 s24, v10;
	v16 =	vld.idx.msk [tilespmem:v50+s13+$0x0], $0xffff;
	[tilespmem:s1+$0xC0] =	vst v47  }
0x3b9: {  	v26 =	vadd.s32 s11, v10;
	v36 =	vadd.s32 s20, v10;
	v10 =	vadd.s32 v5, v37;
	v34 =	vld.idx.msk [tilespmem:v63+s13+$0x0], $0xffff;
	[tilespmem:s1+$0x140] =	vst v21  }
0x3ba: {  	v44 =	vadd.s32 v4, v42;
	v18 =	vld.idx.msk [tilespmem:v32+s13+$0x0], $0xffff;
	[tilespmem:s1+$0x340] =	vst v22  }
0x3bb: {  	v25 =	vadd.s32 v5, v24;
	v12 =	vld.idx.msk [tilespmem:v52+s13+$0x0], $0xffff;
	[tilespmem:s1+$0xFFFFFDD0] =	vst v15  }
0x3bc: {  	v40 =	vadd.s32 s26, v9;
	v13 =	vld.idx.msk [tilespmem:v58+s13+$0x0], $0xffff;
	v21 =	vadd.s32 v5, v26;
	[tilespmem:s1+$0xFFFFFF50] =	vst v28  }
0x3bd: {  	v45 =	vadd.s32 s0, v9;
	v41 =	vadd.s32 v6, v40;
	v19 =	vld.idx.msk [tilespmem:v29+s13+$0x0], $0xffff;
	[tilespmem:s1+$0xFFFFFCD0] =	vst v16  }
0x3be: {  	v46 =	vadd.s32 v6, v45;
	v50 =	vadd.s32 s29, v9;
	v10 =	vld.idx.msk [tilespmem:v10+s13+$0x0], $0xffff;
	[tilespmem:s1+$0x50] =	vst v34  }
0x3bf: {  	v61 =	vadd.s32 s18, v9;
	v51 =	vadd.s32 v6, v50;
	v17 =	vld.idx.msk [tilespmem:v44+s13+$0x0], $0xffff;
	[tilespmem:s1+$0x250] =	vst v18  }
0x3c0: {  	v42 =	vadd.s32 s28, v9;
	v63 =	vadd.s32 v6, v61;
	v38 =	vld.idx.msk [tilespmem:v25+s13+$0x0], $0xffff;
	[tilespmem:s1+$0xFFFFFD50] =	vst v12  }
0x3c1: {  	v49 =	vadd.s32 s6, v9;
	v27 =	vadd.s32 s20, v9;
	v39 =	vadd.s32 v5, v36;
	v21 =	vld.idx.msk [tilespmem:v21+s13+$0x0], $0xffff;
	[tilespmem:s1+$0xFFFFFED0] =	vst v13  }
0x3c2: {  	v43 =	vadd.s32 v6, v42;
	v56 =	vadd.s32 s11, v9;
	v47 =	vadd.s32 s2, v9;
	v13 =	vld.idx.msk [tilespmem:v41+s13+$0x0], $0xffff;
	[tilespmem:s1+$0x1D0] =	vst v19  }
0x3c3: {  	v54 =	vadd.s32 s10, v9;
	v52 =	vadd.s32 s7, v9;
	v48 =	vadd.s32 v6, v47;
	v12 =	vld.idx.msk [tilespmem:v46+s13+$0x0], $0xffff;
	[tilespmem:s1+$0xFFFFFC50] =	vst v10  }
0x3c4: {  	v24 =	vadd.s32 s19, v9;
	v28 =	vadd.s32 s24, v9;
	v53 =	vadd.s32 v6, v52;
	v62 =	vld.idx.msk [tilespmem:v51+s13+$0x0], $0xffff;
	[tilespmem:s1+$0x2C0] =	vst v17  }
0x3c5: {  	v58 =	vadd.s32 s15, v9;
	v44 =	vadd.s32 s3, v9;
	v9 =	vadd.s32 v6, v28;
	v19 =	vld.idx.msk [tilespmem:v63+s13+$0x0], $0xffff;
	[tilespmem:s1+$0xD0] =	vst v38  }
0x3c6: {  	v35 =	vadd.s32 v5, v33;
	v17 =	vld.idx.msk [tilespmem:v39+s13+$0x0], $0xffff;
	[tilespmem:s1+$0x150] =	vst v21  }
0x3c7: {  	v14 =	vadd.s32 v6, v44;
	v11 =	vld.idx.msk [tilespmem:v43+s13+$0x0], $0xffff;
	[tilespmem:s1+$0xFFFFFCE0] =	vst v13  }
0x3c8: {  	v55 =	vadd.s32 v6, v54;
	v15 =	vld.idx.msk [tilespmem:v48+s13+$0x0], $0xffff;
	[tilespmem:s1+$0xFFFFFE60] =	vst v12  }
0x3c9: {  	v16 =	vadd.s32 v6, v49;
	v25 =	vld.idx.msk [tilespmem:v53+s13+$0x0], $0xffff;
	[tilespmem:s1+$0xFFFFFFE0] =	vst v62  }
0x3ca: {  	v36 =	vadd.s32 s0, v8;
	v60 =	vadd.s32 v6, v58;
	v9 =	vld.idx.msk [tilespmem:v9+s13+$0x0], $0xffff;
	[tilespmem:s1+$0x260] =	vst v19  }
0x3cb: {  	v57 =	vadd.s32 v6, v56;
	v56 =	vadd.s32 s20, v8;
	v40 =	vadd.s32 s6, v8;
	v20 =	vld.idx.msk [tilespmem:v35+s13+$0x0], $0xffff;
	[tilespmem:s1+$0x350] =	vst v17  }
0x3cc: {  	v37 =	vadd.s32 v7, v36;
	v31 =	vadd.s32 s26, v8;
	v41 =	vadd.s32 s29, v8;
	v14 =	vld.idx.msk [tilespmem:v14+s13+$0x0], $0xffff;
	[tilespmem:s1+$0xFFFFFD60] =	vst v11  }
0x3cd: {  	v32 =	vadd.s32 s28, v8;
	v50 =	vadd.s32 s18, v8;
	v42 =	vadd.s32 v7, v41;
	v29 =	vld.idx.msk [tilespmem:v55+s13+$0x0], $0xffff;
	[tilespmem:s1+$0xFFFFFEE0] =	vst v15  }
0x3ce: {  	v47 =	vadd.s32 s15, v8;
	v52 =	vadd.s32 v7, v50;
	v44 =	vadd.s32 s10, v8;
	v59 =	vld.idx.msk [tilespmem:v16+s13+$0x0], $0xffff;
	[tilespmem:s1+$0x60] =	vst v25  }
0x3cf: {  	v30 =	vadd.s32 v6, v27;
	v34 =	vadd.s32 s3, v8;
	v46 =	vadd.s32 s11, v8;
	v16 =	vld.idx.msk [tilespmem:v60+s13+$0x0], $0xffff;
	[tilespmem:s1+$0xFFFFFC60] =	vst v9  }
0x3d0: {  	v33 =	vadd.s32 v7, v32;
	v38 =	vadd.s32 s2, v8;
	v43 =	vadd.s32 s7, v8;
	v17 =	vld.idx.msk [tilespmem:v57+s13+$0x0], $0xffff;
	[tilespmem:s1+$0x2D0] =	vst v20  }
0x3d1: {  	v53 =	vadd.s32 s19, v8;
	v8 =	vadd.s32 s24, v8;
	v39 =	vadd.s32 v7, v38;
	v11 =	vld.idx.msk [tilespmem:v37+s13+$0x0], $0xffff;
	[tilespmem:s1+$0xFFFFFDE0] =	vst v14  }
0x3d2: {  	v8 =	vadd.s32 v7, v8;
	v51 =	vld.idx.msk [tilespmem:v42+s13+$0x0], $0xffff;
	[tilespmem:s1+$0xE0] =	vst v29  }
0x3d3: {  	v26 =	vadd.s32 v6, v24;
	v61 =	vld.idx.msk [tilespmem:v52+s13+$0x0], $0xffff;
	[tilespmem:s1+$0xFFFFFF60] =	vst v59  }
0x3d4: {  	v35 =	vadd.s32 v7, v34;
	v20 =	vld.idx.msk [tilespmem:v30+s13+$0x0], $0xffff;
	[tilespmem:s1+$0x1E0] =	vst v16  }
0x3d5: {  	v45 =	vadd.s32 v7, v44;
	v10 =	vld.idx.msk [tilespmem:v33+s13+$0x0], $0xffff;
	[tilespmem:s1+$0x160] =	vst v17  }
0x3d6: {  	v12 =	vadd.s32 v7, v31;
	v14 =	vld.idx.msk [tilespmem:v39+s13+$0x0], $0xffff;
	[tilespmem:s1+$0xFFFFFE70] =	vst v11  }
0x3d7: {  	v49 =	vadd.s32 v7, v47;
	v8 =	vld.idx.msk [tilespmem:v8+s13+$0x0], $0xffff;
	[tilespmem:s1+$0xFFFFFFF0] =	vst v51  }
0x3d8: {  	v15 =	vadd.s32 v7, v40;
	v18 =	vld.idx.msk [tilespmem:v26+s13+$0x0], $0xffff;
	[tilespmem:s1+$0x270] =	vst v61  }
0x3d9: {  	v19 =	vadd.s32 v7, v46;
	v13 =	vld.idx.msk [tilespmem:v35+s13+$0x0], $0xffff;
	[tilespmem:s1+$0x360] =	vst v20  }
0x3da: {  	v58 =	vadd.s32 v7, v56;
	v57 =	vld.idx.msk [tilespmem:v45+s13+$0x0], $0xffff;
	[tilespmem:s1+$0xFFFFFD70] =	vst v10  }
0x3db: {  	v55 =	vadd.s32 v7, v53;
	v12 =	vld.idx.msk [tilespmem:v12+s13+$0x0], $0xffff;
	[tilespmem:s1+$0xFFFFFEF0] =	vst v14  }
0x3dc: {  	v60 =	vld.idx.msk [tilespmem:v49+s13+$0x0], $0xffff;
	v17 =	vadd.s32 v7, v43;
	[tilespmem:s1+$0xFFFFFC70] =	vst v8  }
0x3dd: {  	v48 =	vld.idx.msk [tilespmem:v15+s13+$0x0], $0xffff;
	[tilespmem:s1+$0x2E0] =	vst v18  }
0x3de: {  	v59 =	vld.idx.msk [tilespmem:v19+s13+$0x0], $0xffff;
	[tilespmem:s1+$0xFFFFFDF0] =	vst v13  }
0x3df: {  	v63 =	vld.idx.msk [tilespmem:v58+s13+$0x0], $0xffff;
	[tilespmem:s1+$0xF0] =	vst v57  }
0x3e0: {  	v62 =	vld.idx.msk [tilespmem:v55+s13+$0x0], $0xffff;
	[tilespmem:s1+$0xFFFFFCF0] =	vst v12  }
0x3e1: {  	s22 =	sadd.s32 $0x1, s22;
	[tilespmem:s1+$0x1F0] =	vst v60;
	v54 =	vld.idx.msk [tilespmem:v17+s13+$0x0], $0xffff  }
0x3e2: {  	p0 =	sne.s32 s22, $0x64;
	[tilespmem:s1+$0xFFFFFF70] =	vst v48  }
.Ltmp6:
0x3e3: {  	s28 =	sshll.u32 s23, $0x12;
	[tilespmem:s1+$0x170] =	vst v59;
	(pc) =	sbr.rel @p0 .LBB2_4-.Ltmp6, $4  }
0x3e4: {  	s0 =	sor.u32 s4, s28;
	[tilespmem:s1+$0x370] =	vst v63  }
0x3e5: {  	s0 =	sshrl.u32 s0, $0x3;
	[tilespmem:s1+$0x2F0] =	vst v62  }
0x3e6: {  	s0 =	sadd.s32 s30, s0;
	s29 =	simm.s32 $0x16800;
	[tilespmem:s1+$0x70] =	vst v54  }
0x3e7: {  	[hbm4b:s0+s9] =	stream.strided.scatter [tilespmem:s29], [sflag:$0x4], $0x2000, s31, s9, $0x38;
	[tilespmem:$0x18800] =	vst v63  }
0x3e8: {  	s0 =	simm.s32 $0x3  }
0x3e9: {  	_ =	swait.ge [sflag:s0], $0x2000  }
0x3ea: {  	[sflag:s0] =	ssyncset.done $0x0  }
0x3eb: {  	[sflag:s0] =	ssyncadd.s32 $0xFFFFE000  }
0x3ec: {  	_ =	swait.ge [sflag:s17], $0x2000  }
0x3ed: {  	s1 =	rddreg [dreg:$0x6]  }
0x3ee: {  	s29 =	rddreg [dreg:$0x5];
	s1 =	sadd.s32 $0x1, s1  }
0x3ef: {  	p0 =	sne.s32 s1, s29  }
.Ltmp7:
0x3f0: {  	_ = 	snop;
	(pc) =	sbr.rel @p0 .LBB2_1-.Ltmp7, $3  }
0x3f1: {  	_ =	sdelay $0x1  }
0x3f2: {  	[sflag:s17] =	ssyncset.done $0x0  }
0x3f3: {  	[sflag:s17] =	ssyncadd.s32 $0xFFFFE000  }
0x3f4: {  	_ =	sfence.sel $0x180000  }
0x3f5: {  	[bflag:$0x0] =	sbarrier.arrive $0xFFFF  }
0x3f6: {  	_ =	strace $0x90000047  }
0x3f7: {  	s0 =	stileid.u32;
	[bflag:$0x2] =	sbarrier.arrive $0xFFFF  }
0x3f8: {  	p0 =	sne.s32 s0, $0x0;
	s0 =	rddreg [dreg:$0x3]  }
0x3f9: {  	s0 =	sadd.s32 @!p0 $0x100000, s0  }
0x3fa: {  	[sflag:s0] =	ssyncadd.tile.s32 @!p0 $0x1;
	_ =	shalt  }
.Lfunc_end2:
_tile_overlayer_lowered:
.L_overlay_start_2:
0x3fb: {  	(tag) =	ssettag $0x2  }
0x3fc: {  	s0 =	rddreg [dreg:$0x0];
	s2 =	stileid.u32  }
0x3fd: {  	s1 =	rddreg [dreg:$0x1];
	p0 =	sne.s32 s2, $0x0  }
0x3fe: {  	s3 =	rddreg [dreg:$0x2];
	[bflag:$0x3] =	sbarrier.arrive $0xFFFF;
	s2 =	simm.s32 @!p0 $0x1C05  }
0x3ff: {  	[timem:s3], [sflag:s2] =	dma.local @!p0 [hbm:s0], s1  }
0x400: {  	s0 =	simm.s32 @!p0 $0x5  }
0x401: {  	_ =	swait.ge @!p0 [sflag:s0], s1  }
0x402: {  	s1 =	ssub.s32 @!p0 $0x0, s1;
	[sflag:s0] =	ssyncset.done @!p0 $0x0  }
0x403: {  	[sflag:s0] =	ssyncadd.s32 @!p0 s1  }
0x404: {  	[bflag:$0x3] =	sbarrier.arrive $0xFFFF  }
0x405: {  	_ =	shalt  }

</sc_bundles>
